<compile_context>
chip_gen: v7x
topology: tpu7x:2x2x1
jax: 0.10.2.dev20260603
libtpu: 0.0.44.dev20260713+nightly
codegen_flags: <defaults>
</compile_context>

<pallas_src>
import functools

import jax
import jax.numpy as jnp
from jax import lax
from jax.experimental import pallas as pl
from jax.experimental.pallas import tpu as pltpu
from jax.experimental.pallas import tpu_sc as plsc

_VOCAB = 100000
_D = 128
_B = 4096
_NEG = 20
_NC = 2
_NS = 16
_NW = _NC * _NS
_NB = _B // _NW
_L = 16
_GROUPS = _NB // 8


def _sc_gather_score(center, target, neg_t, wv, wu):
    mesh = plsc.VectorSubcoreMesh(core_axis_name="c", subcore_axis_name="s")

    @functools.partial(
        pl.kernel,
        out_type=[jax.ShapeDtypeStruct((_B // 8, _D), jnp.float32)] * 2,
        mesh=mesh,
        scratch_types=[
            pltpu.VMEM((_NB,), jnp.int32),
            pltpu.VMEM((_NB,), jnp.int32),
            pltpu.VMEM((_NEG, _NB), jnp.int32),
            pltpu.VMEM((_NB, _D), jnp.float32),
            pltpu.VMEM((_NB, _D), jnp.float32),
            pltpu.VMEM((_NB, _D), jnp.float32),
            pltpu.VMEM((_GROUPS, _D), jnp.float32),
            pltpu.VMEM((_GROUPS, _D), jnp.float32),
            pltpu.SemaphoreType.DMA,
            pltpu.SemaphoreType.DMA,
            pltpu.SemaphoreType.DMA,
            pltpu.SemaphoreType.DMA,
        ],
    )
    def k(center_hbm, target_hbm, negt_hbm, wv_hbm, wu_hbm,
          pos_out, neg_out,
          cidx, tidx, nidx, cbuf, tbuf, sbuf, pdot, ndot,
          sem_c, sem_t, sem_s, sem_n):
        wid = lax.axis_index("s") * _NC + lax.axis_index("c")
        base = wid * _NB
        ni = pltpu.async_copy(negt_hbm.at[:, pl.ds(base, _NB)], nidx, sem_n)
        pltpu.sync_copy(center_hbm.at[pl.ds(base, _NB)], cidx)
        pltpu.sync_copy(target_hbm.at[pl.ds(base, _NB)], tidx)
        cg = pltpu.async_copy(wv_hbm.at[cidx], cbuf, sem_c)
        tg = pltpu.async_copy(wu_hbm.at[tidx], tbuf, sem_t)
        zeros = jnp.zeros((_L,), jnp.float32)

        def zero_body(b, carry):
            for j in range(_D // _L):
                sbuf[b, pl.ds(j * _L, _L)] = zeros
            return carry

        lax.fori_loop(0, _NB, zero_body, 0)
        ni.wait()
        _H = _NB // 2
        adds_lo = [
            pltpu.async_copy(wu_hbm.at[nidx.at[kk, pl.ds(0, _H)]],
                             sbuf.at[pl.ds(0, _H), :], sem_s, add=True)
            for kk in range(_NEG)
        ]
        adds_hi = [
            pltpu.async_copy(wu_hbm.at[nidx.at[kk, pl.ds(_H, _H)]],
                             sbuf.at[pl.ds(_H, _H), :], sem_n, add=True)
            for kk in range(_NEG)
        ]
        cg.wait()
        tg.wait()

        def dot_partial(buf_a, buf_b, b):
            acc = buf_a[b, pl.ds(0, _L)] * buf_b[b, pl.ds(0, _L)]
            for j in range(1, _D // _L):
                acc += buf_a[b, pl.ds(j * _L, _L)] * buf_b[b, pl.ds(j * _L, _L)]
            return acc

        def pos_body(i, carry):
            for u in range(2):
                b = 2 * i + u
                pdot[b >> 3, pl.ds((b & 7) * _L, _L)] = dot_partial(
                    cbuf, tbuf, b)
            return carry

        lax.fori_loop(0, _NB // 2, pos_body, 0)

        def neg_body(i, carry):
            for u in range(2):
                b = 2 * i + u
                ndot[b >> 3, pl.ds((b & 7) * _L, _L)] = dot_partial(
                    cbuf, sbuf, b)
            return carry

        for a in adds_lo:
            a.wait()
        lax.fori_loop(0, _H // 2, neg_body, 0)
        for a in adds_hi:
            a.wait()
        lax.fori_loop(_H // 2, _NB // 2, neg_body, 0)
        pltpu.sync_copy(pdot, pos_out.at[pl.ds(wid * _GROUPS, _GROUPS), :])
        pltpu.sync_copy(ndot, neg_out.at[pl.ds(wid * _GROUPS, _GROUPS), :])

    return k(center, target, neg_t, wv, wu)


def _log_sigmoid(x):
    return jnp.minimum(x, 0.0) - jnp.log1p(jnp.exp(-jnp.abs(x)))


def _tc_loss_body(p_ref, n_ref, out_ref):
    col = lax.broadcasted_iota(jnp.int32, (_D, 8), 0)
    grp = lax.broadcasted_iota(jnp.int32, (_D, 8), 1)
    gmat = (col // _L == grp).astype(jnp.float32)
    pos = jnp.dot(p_ref[...], gmat, preferred_element_type=jnp.float32)
    neg = -jnp.dot(n_ref[...], gmat, preferred_element_type=jnp.float32)
    los = _log_sigmoid(pos) + _log_sigmoid(neg)
    out_ref[0, 0] = -jnp.sum(los) / _B


def _tc_loss(pos_part, neg_part):
    out = pl.pallas_call(
        _tc_loss_body,
        out_shape=jax.ShapeDtypeStruct((1, 1), jnp.float32),
        out_specs=pl.BlockSpec(memory_space=pltpu.SMEM),
    )(pos_part, neg_part)
    return out[0, 0]


def kernel(center_words, target_words, negative_words, Wv, Wu):
    center = center_words.reshape(_B).astype(jnp.int32)
    target = target_words.reshape(_B).astype(jnp.int32)
    neg_t = negative_words.astype(jnp.int32).T
    pos_part, neg_part = _sc_gather_score(center, target, neg_t, Wv, Wu)
    return _tc_loss(pos_part, neg_part)

# --- scband reference (transcript-rebuilt; emitter-appended) ---
"""Pipeline reference for scband-sgns-52553219834048 (READ-ONLY COPY).

The authoritative reference and input builder live on the scoring server;
editing this copy changes nothing except your own understanding.
"""

import jax, jax.numpy as jnp
import numpy as np

VOCAB = 100000
DIM = 128
B = 4096
NEG = 20

def setup_inputs(seed: int = 0) -> dict:
    key = jax.random.key(seed)
    k1, k2, k3, k4, k5 = jax.random.split(key, 5)
    center_words = jax.random.randint(k1, (B, 1), 0, VOCAB, dtype=jnp.int64 if jax.config.jax_enable_x64 else jnp.int32).astype(jnp.int32)
    target_words = jax.random.randint(k2, (B, 1), 0, VOCAB).astype(jnp.int32)
    negative_words = jax.random.randint(k3, (B, NEG), 0, VOCAB).astype(jnp.int32)
    init_range = (2.0 / (VOCAB + DIM)) ** 0.5
    Wv = jax.random.uniform(k4, (VOCAB, DIM), dtype=jnp.float32, minval=-init_range, maxval=init_range)
    Wu = jax.random.uniform(k5, (VOCAB, DIM), dtype=jnp.float32, minval=-init_range, maxval=init_range)
    return {"center_words": center_words, "target_words": target_words, "negative_words": negative_words, "Wv": Wv, "Wu": Wu}

def reference(center_words, target_words, negative_words, Wv, Wu):
    # embedding lookups (gather)
    center_embeds = jnp.take(Wv, center_words, axis=0)      # [B, 1, D]
    target_embeds = jnp.take(Wu, target_words, axis=0)      # [B, 1, D]
    neg_embeds = -jnp.take(Wu, negative_words, axis=0)      # [B, NEG, D]
    # positive_score = target.bmm(center^T).squeeze(2) -> [B, 1]
    positive_score = jnp.einsum('bid,bjd->bij', target_embeds, center_embeds)[:, :, 0]
    # negative_score = sum_k (neg.bmm(center^T).squeeze(2)) -> [B] -> [B, 1]
    neg_scores = jnp.einsum('bkd,bjd->bkj', neg_embeds, center_embeds)[:, :, 0]  # [B, NEG]
    negative_score = jnp.sum(neg_scores, axis=1).reshape(center_words.shape[0], -1)  # [B, 1]
    los = jax.nn.log_sigmoid(positive_score) + jax.nn.log_sigmoid(negative_score)
    return -jnp.mean(los)

if False:  # reference __main__ guard neutralized (emitter)
    out = reference(**setup_inputs())
    print(out)

if __name__ == "__main__":
    import jax
    _d = setup_inputs()
    print(jax.jit(kernel)(*tuple(_d.values())))

</pallas_src>

<mosaic_0001>
#map = affine_map<(d0, d1) -> (0)>
#map1 = affine_map<(d0, d1) -> (0, 0)>
module attributes {stable_mosaic.version = 14 : i64} {
  func.func @k(%arg0: i32, %arg1: i32, %arg2: memref<4096xi32, #tpu.memory_space<hbm>>, %arg3: memref<4096xi32, #tpu.memory_space<hbm>>, %arg4: memref<20x4096xi32, #tpu.memory_space<hbm>>, %arg5: memref<100000x128xf32, #tpu.memory_space<hbm>>, %arg6: memref<100000x128xf32, #tpu.memory_space<hbm>>, %arg7: memref<512x128xf32, #tpu.memory_space<hbm>>, %arg8: memref<512x128xf32, #tpu.memory_space<hbm>>, %arg9: memref<128xi32, #tpu.memory_space<vmem>>, %arg10: memref<128xi32, #tpu.memory_space<vmem>>, %arg11: memref<20x128xi32, #tpu.memory_space<vmem>>, %arg12: memref<128x128xf32, #tpu.memory_space<vmem>>, %arg13: memref<128x128xf32, #tpu.memory_space<vmem>>, %arg14: memref<128x128xf32, #tpu.memory_space<vmem>>, %arg15: memref<16x128xf32, #tpu.memory_space<vmem>>, %arg16: memref<16x128xf32, #tpu.memory_space<vmem>>, %arg17: memref<!tpu.dma_semaphore, #tpu.memory_space<semaphore_mem>>, %arg18: memref<!tpu.dma_semaphore, #tpu.memory_space<semaphore_mem>>, %arg19: memref<!tpu.dma_semaphore, #tpu.memory_space<semaphore_mem>>, %arg20: memref<!tpu.dma_semaphore, #tpu.memory_space<semaphore_mem>>) attributes {dimension_semantics = [#tpu.dimension_semantics<core_parallel>, #tpu.dimension_semantics<subcore_parallel>], iteration_bounds = array<i64: 2, 16>, scalar_prefetch = 0 : i64, scratch_operands = 12 : i64, tpu.core_type = #tpu.core_type<sc_vector_subcore>, window_params = [{transform_indices = #map}, {transform_indices = #map}, {transform_indices = #map1}, {transform_indices = #map1}, {transform_indices = #map1}, {transform_indices = #map1}, {transform_indices = #map1}]} {
    %mul3A = arith.constant 2 : i32
    %mul3A_0 = arith.muli %arg1, %mul3A : i32
    %add3A = arith.addi %mul3A_0, %arg0 : i32
    %mul3A_1 = arith.constant 128 : i32
    %mul3A_2 = arith.muli %add3A, %mul3A_1 : i32
    %dma_start3A = arith.constant 0 : i32
    %dma_start3A_3 = tpu.memref_slice %arg4[%dma_start3A, %mul3A_2] : memref<20x4096xi32, #tpu.memory_space<hbm>> -> memref<20x128xi32, #tpu.memory_space<hbm>>
    %dma_start3A_4 = arith.constant 0 : i32
    %dma_start3A_5 = tpu.memref_slice %arg4[%dma_start3A_4, %mul3A_2] : memref<20x4096xi32, #tpu.memory_space<hbm>> -> memref<20x128xi32, #tpu.memory_space<hbm>>
    tpu.enqueue_dma source(%dma_start3A_5 : memref<20x128xi32, #tpu.memory_space<hbm>>) target(%arg11 : memref<20x128xi32, #tpu.memory_space<vmem>>) target_semaphore(%arg20 : memref<!tpu.dma_semaphore, #tpu.memory_space<semaphore_mem>>)
    "tpu.region"() ({
      %run_scoped3A = tpu.sem_alloc : memref<!tpu.dma_semaphore, #tpu.memory_space<semaphore_mem>>
      %dma_start3A_849 = tpu.memref_slice %arg2[%mul3A_2] : memref<4096xi32, #tpu.memory_space<hbm>> -> memref<128xi32, #tpu.memory_space<hbm>>
      %dma_start3A_850 = tpu.memref_slice %arg2[%mul3A_2] : memref<4096xi32, #tpu.memory_space<hbm>> -> memref<128xi32, #tpu.memory_space<hbm>>
      tpu.enqueue_dma source(%dma_start3A_850 : memref<128xi32, #tpu.memory_space<hbm>>) target(%arg9 : memref<128xi32, #tpu.memory_space<vmem>>) target_semaphore(%run_scoped3A : memref<!tpu.dma_semaphore, #tpu.memory_space<semaphore_mem>>)
      %dma_wait3A_851 = tpu.memref_slice %arg2[%mul3A_2] : memref<4096xi32, #tpu.memory_space<hbm>> -> memref<128xi32, #tpu.memory_space<hbm>>
      %dma_wait3A_852 = tpu.memref_slice %arg2[%mul3A_2] : memref<4096xi32, #tpu.memory_space<hbm>> -> memref<128xi32, #tpu.memory_space<hbm>>
      tpu.wait_dma2 semaphore(%run_scoped3A : memref<!tpu.dma_semaphore, #tpu.memory_space<semaphore_mem>>) src(%dma_wait3A_852 : memref<128xi32, #tpu.memory_space<hbm>>) dst(%arg9 : memref<128xi32, #tpu.memory_space<vmem>>)
      tpu.yield
    }) : () -> ()
    "tpu.region"() ({
      %run_scoped3A = tpu.sem_alloc : memref<!tpu.dma_semaphore, #tpu.memory_space<semaphore_mem>>
      %dma_start3A_849 = tpu.memref_slice %arg3[%mul3A_2] : memref<4096xi32, #tpu.memory_space<hbm>> -> memref<128xi32, #tpu.memory_space<hbm>>
      %dma_start3A_850 = tpu.memref_slice %arg3[%mul3A_2] : memref<4096xi32, #tpu.memory_space<hbm>> -> memref<128xi32, #tpu.memory_space<hbm>>
      tpu.enqueue_dma source(%dma_start3A_850 : memref<128xi32, #tpu.memory_space<hbm>>) target(%arg10 : memref<128xi32, #tpu.memory_space<vmem>>) target_semaphore(%run_scoped3A : memref<!tpu.dma_semaphore, #tpu.memory_space<semaphore_mem>>)
      %dma_wait3A_851 = tpu.memref_slice %arg3[%mul3A_2] : memref<4096xi32, #tpu.memory_space<hbm>> -> memref<128xi32, #tpu.memory_space<hbm>>
      %dma_wait3A_852 = tpu.memref_slice %arg3[%mul3A_2] : memref<4096xi32, #tpu.memory_space<hbm>> -> memref<128xi32, #tpu.memory_space<hbm>>
      tpu.wait_dma2 semaphore(%run_scoped3A : memref<!tpu.dma_semaphore, #tpu.memory_space<semaphore_mem>>) src(%dma_wait3A_852 : memref<128xi32, #tpu.memory_space<hbm>>) dst(%arg10 : memref<128xi32, #tpu.memory_space<vmem>>)
      tpu.yield
    }) : () -> ()
    %dma_start3A_6 = arith.constant 0 : i32
    %dma_start3A_7 = arith.constant 0 : i32
    %dma_start3A_8 = tpu.memref_slice %arg5[%dma_start3A_6, %dma_start3A_7] : memref<100000x128xf32, #tpu.memory_space<hbm>> -> memref<100000x128xf32, #tpu.memory_space<hbm>>
    tpu.enqueue_indirect_dma source(%dma_start3A_8 : memref<100000x128xf32, #tpu.memory_space<hbm>>) target(%arg12 : memref<128x128xf32, #tpu.memory_space<vmem>>) offsets(%arg9 : memref<128xi32, #tpu.memory_space<vmem>>) semaphore(%arg17 : memref<!tpu.dma_semaphore, #tpu.memory_space<semaphore_mem>>)
    %dma_start3A_9 = arith.constant 0 : i32
    %dma_start3A_10 = arith.constant 0 : i32
    %dma_start3A_11 = tpu.memref_slice %arg6[%dma_start3A_9, %dma_start3A_10] : memref<100000x128xf32, #tpu.memory_space<hbm>> -> memref<100000x128xf32, #tpu.memory_space<hbm>>
    tpu.enqueue_indirect_dma source(%dma_start3A_11 : memref<100000x128xf32, #tpu.memory_space<hbm>>) target(%arg13 : memref<128x128xf32, #tpu.memory_space<vmem>>) offsets(%arg10 : memref<128xi32, #tpu.memory_space<vmem>>) semaphore(%arg18 : memref<!tpu.dma_semaphore, #tpu.memory_space<semaphore_mem>>)
    %broadcast_in_dim3A = arith.constant 0.000000e+00 : f32
    %broadcast_in_dim3A_12 = vector.broadcast %broadcast_in_dim3A : f32 to vector<16xf32>
    %scan3A = arith.constant 0 : i32
    %scan3A_13 = arith.constant 0 : i32
    %scan3A_14 = arith.constant 128 : i32
    %scan3A_15 = arith.addi %scan3A_13, %scan3A_14 : i32
    %scan3A_16 = arith.constant 1 : i32
    scf.for %scan3A_849 = %scan3A_13 to %scan3A_15 step %scan3A_16  : i32 {
      %swap3A = arith.index_cast %scan3A_849 : i32 to index
      %swap3A_850 = arith.constant 0 : index
      %swap3A_851 = tpu.vector_load %arg14[%swap3A, %swap3A_850] {strides = array<i32>} : memref<128x128xf32, #tpu.memory_space<vmem>>, vector<1x16xf32>,
      %swap3A_852 = vector.shape_cast %swap3A_851 : vector<1x16xf32> to vector<16xf32>
      %swap3A_853 = vector.shape_cast %broadcast_in_dim3A_12 : vector<16xf32> to vector<1x16xf32>
      tpu.vector_store %arg14[%swap3A, %swap3A_850], %swap3A_853 {strides = array<i32>} : memref<128x128xf32, #tpu.memory_space<vmem>>, vector<1x16xf32>,
      %swap3A_854 = arith.index_cast %scan3A_849 : i32 to index
      %swap3A_855 = arith.constant 16 : index
      %swap3A_856 = tpu.vector_load %arg14[%swap3A_854, %swap3A_855] {strides = array<i32>} : memref<128x128xf32, #tpu.memory_space<vmem>>, vector<1x16xf32>,
      %swap3A_857 = vector.shape_cast %swap3A_856 : vector<1x16xf32> to vector<16xf32>
      %swap3A_858 = vector.shape_cast %broadcast_in_dim3A_12 : vector<16xf32> to vector<1x16xf32>
      tpu.vector_store %arg14[%swap3A_854, %swap3A_855], %swap3A_858 {strides = array<i32>} : memref<128x128xf32, #tpu.memory_space<vmem>>, vector<1x16xf32>,
      %swap3A_859 = arith.index_cast %scan3A_849 : i32 to index
      %swap3A_860 = arith.constant 32 : index
      %swap3A_861 = tpu.vector_load %arg14[%swap3A_859, %swap3A_860] {strides = array<i32>} : memref<128x128xf32, #tpu.memory_space<vmem>>, vector<1x16xf32>,
      %swap3A_862 = vector.shape_cast %swap3A_861 : vector<1x16xf32> to vector<16xf32>
      %swap3A_863 = vector.shape_cast %broadcast_in_dim3A_12 : vector<16xf32> to vector<1x16xf32>
      tpu.vector_store %arg14[%swap3A_859, %swap3A_860], %swap3A_863 {strides = array<i32>} : memref<128x128xf32, #tpu.memory_space<vmem>>, vector<1x16xf32>,
      %swap3A_864 = arith.index_cast %scan3A_849 : i32 to index
      %swap3A_865 = arith.constant 48 : index
      %swap3A_866 = tpu.vector_load %arg14[%swap3A_864, %swap3A_865] {strides = array<i32>} : memref<128x128xf32, #tpu.memory_space<vmem>>, vector<1x16xf32>,
      %swap3A_867 = vector.shape_cast %swap3A_866 : vector<1x16xf32> to vector<16xf32>
      %swap3A_868 = vector.shape_cast %broadcast_in_dim3A_12 : vector<16xf32> to vector<1x16xf32>
      tpu.vector_store %arg14[%swap3A_864, %swap3A_865], %swap3A_868 {strides = array<i32>} : memref<128x128xf32, #tpu.memory_space<vmem>>, vector<1x16xf32>,
      %swap3A_869 = arith.index_cast %scan3A_849 : i32 to index
      %swap3A_870 = arith.constant 64 : index
      %swap3A_871 = tpu.vector_load %arg14[%swap3A_869, %swap3A_870] {strides = array<i32>} : memref<128x128xf32, #tpu.memory_space<vmem>>, vector<1x16xf32>,
      %swap3A_872 = vector.shape_cast %swap3A_871 : vector<1x16xf32> to vector<16xf32>
      %swap3A_873 = vector.shape_cast %broadcast_in_dim3A_12 : vector<16xf32> to vector<1x16xf32>
      tpu.vector_store %arg14[%swap3A_869, %swap3A_870], %swap3A_873 {strides = array<i32>} : memref<128x128xf32, #tpu.memory_space<vmem>>, vector<1x16xf32>,
      %swap3A_874 = arith.index_cast %scan3A_849 : i32 to index
      %swap3A_875 = arith.constant 80 : index
      %swap3A_876 = tpu.vector_load %arg14[%swap3A_874, %swap3A_875] {strides = array<i32>} : memref<128x128xf32, #tpu.memory_space<vmem>>, vector<1x16xf32>,
      %swap3A_877 = vector.shape_cast %swap3A_876 : vector<1x16xf32> to vector<16xf32>
      %swap3A_878 = vector.shape_cast %broadcast_in_dim3A_12 : vector<16xf32> to vector<1x16xf32>
      tpu.vector_store %arg14[%swap3A_874, %swap3A_875], %swap3A_878 {strides = array<i32>} : memref<128x128xf32, #tpu.memory_space<vmem>>, vector<1x16xf32>,
      %swap3A_879 = arith.index_cast %scan3A_849 : i32 to index
      %swap3A_880 = arith.constant 96 : index
      %swap3A_881 = tpu.vector_load %arg14[%swap3A_879, %swap3A_880] {strides = array<i32>} : memref<128x128xf32, #tpu.memory_space<vmem>>, vector<1x16xf32>,
      %swap3A_882 = vector.shape_cast %swap3A_881 : vector<1x16xf32> to vector<16xf32>
      %swap3A_883 = vector.shape_cast %broadcast_in_dim3A_12 : vector<16xf32> to vector<1x16xf32>
      tpu.vector_store %arg14[%swap3A_879, %swap3A_880], %swap3A_883 {strides = array<i32>} : memref<128x128xf32, #tpu.memory_space<vmem>>, vector<1x16xf32>,
      %swap3A_884 = arith.index_cast %scan3A_849 : i32 to index
      %swap3A_885 = arith.constant 112 : index
      %swap3A_886 = tpu.vector_load %arg14[%swap3A_884, %swap3A_885] {strides = array<i32>} : memref<128x128xf32, #tpu.memory_space<vmem>>, vector<1x16xf32>,
      %swap3A_887 = vector.shape_cast %swap3A_886 : vector<1x16xf32> to vector<16xf32>
      %swap3A_888 = vector.shape_cast %broadcast_in_dim3A_12 : vector<16xf32> to vector<1x16xf32>
      tpu.vector_store %arg14[%swap3A_884, %swap3A_885], %swap3A_888 {strides = array<i32>} : memref<128x128xf32, #tpu.memory_space<vmem>>, vector<1x16xf32>,
    }
    %scan3A_17 = arith.constant 128 : i32
    %dma_wait3A = arith.constant 0 : i32
    %dma_wait3A_18 = tpu.memref_slice %arg4[%dma_wait3A, %mul3A_2] : memref<20x4096xi32, #tpu.memory_space<hbm>> -> memref<20x128xi32, #tpu.memory_space<hbm>>
    %dma_wait3A_19 = arith.constant 0 : i32
    %dma_wait3A_20 = tpu.memref_slice %arg4[%dma_wait3A_19, %mul3A_2] : memref<20x4096xi32, #tpu.memory_space<hbm>> -> memref<20x128xi32, #tpu.memory_space<hbm>>
    tpu.wait_dma2 semaphore(%arg20 : memref<!tpu.dma_semaphore, #tpu.memory_space<semaphore_mem>>) src(%dma_wait3A_20 : memref<20x128xi32, #tpu.memory_space<hbm>>) dst(%arg11 : memref<20x128xi32, #tpu.memory_space<vmem>>)
    %dma_start3A_21 = arith.constant 0 : i32
    %dma_start3A_22 = arith.constant 0 : i32
    %dma_start3A_23 = arith.constant 0 : i32
    %dma_start3A_24 = tpu.memref_slice %arg14[%dma_start3A_22, %dma_start3A_23] : memref<128x128xf32, #tpu.memory_space<vmem>> -> memref<64x128xf32, #tpu.memory_space<vmem>>
    %dma_start3A_25 = arith.constant 0 : i32
    %dma_start3A_26 = tpu.memref_slice %arg11[%dma_start3A_21, %dma_start3A_25] : memref<20x128xi32, #tpu.memory_space<vmem>> -> memref<1x64xi32, #tpu.memory_space<vmem>>
    %dma_start3A_27 = tpu.memref_squeeze %dma_start3A_26 : memref<1x64xi32, #tpu.memory_space<vmem>> -> memref<64xi32, #tpu.memory_space<vmem>>
    %dma_start3A_28 = arith.constant 0 : i32
    %dma_start3A_29 = arith.constant 0 : i32
    %dma_start3A_30 = tpu.memref_slice %arg6[%dma_start3A_28, %dma_start3A_29] : memref<100000x128xf32, #tpu.memory_space<hbm>> -> memref<100000x128xf32, #tpu.memory_space<hbm>>
    tpu.enqueue_indirect_dma source(%dma_start3A_30 : memref<100000x128xf32, #tpu.memory_space<hbm>>) target(%dma_start3A_24 : memref<64x128xf32, #tpu.memory_space<vmem>>) offsets(%dma_start3A_27 : memref<64xi32, #tpu.memory_space<vmem>>) semaphore(%arg19 : memref<!tpu.dma_semaphore, #tpu.memory_space<semaphore_mem>>) {add = true}
    %dma_start3A_31 = arith.constant 1 : i32
    %dma_start3A_32 = arith.constant 0 : i32
    %dma_start3A_33 = arith.constant 0 : i32
    %dma_start3A_34 = tpu.memref_slice %arg14[%dma_start3A_32, %dma_start3A_33] : memref<128x128xf32, #tpu.memory_space<vmem>> -> memref<64x128xf32, #tpu.memory_space<vmem>>
    %dma_start3A_35 = arith.constant 0 : i32
    %dma_start3A_36 = tpu.memref_slice %arg11[%dma_start3A_31, %dma_start3A_35] : memref<20x128xi32, #tpu.memory_space<vmem>> -> memref<1x64xi32, #tpu.memory_space<vmem>>
    %dma_start3A_37 = tpu.memref_squeeze %dma_start3A_36 : memref<1x64xi32, #tpu.memory_space<vmem>> -> memref<64xi32, #tpu.memory_space<vmem>>
    %dma_start3A_38 = arith.constant 0 : i32
    %dma_start3A_39 = arith.constant 0 : i32
    %dma_start3A_40 = tpu.memref_slice %arg6[%dma_start3A_38, %dma_start3A_39] : memref<100000x128xf32, #tpu.memory_space<hbm>> -> memref<100000x128xf32, #tpu.memory_space<hbm>>
    tpu.enqueue_indirect_dma source(%dma_start3A_40 : memref<100000x128xf32, #tpu.memory_space<hbm>>) target(%dma_start3A_34 : memref<64x128xf32, #tpu.memory_space<vmem>>) offsets(%dma_start3A_37 : memref<64xi32, #tpu.memory_space<vmem>>) semaphore(%arg19 : memref<!tpu.dma_semaphore, #tpu.memory_space<semaphore_mem>>) {add = true}
    %dma_start3A_41 = arith.constant 2 : i32
    %dma_start3A_42 = arith.constant 0 : i32
    %dma_start3A_43 = arith.constant 0 : i32
    %dma_start3A_44 = tpu.memref_slice %arg14[%dma_start3A_42, %dma_start3A_43] : memref<128x128xf32, #tpu.memory_space<vmem>> -> memref<64x128xf32, #tpu.memory_space<vmem>>
    %dma_start3A_45 = arith.constant 0 : i32
    %dma_start3A_46 = tpu.memref_slice %arg11[%dma_start3A_41, %dma_start3A_45] : memref<20x128xi32, #tpu.memory_space<vmem>> -> memref<1x64xi32, #tpu.memory_space<vmem>>
    %dma_start3A_47 = tpu.memref_squeeze %dma_start3A_46 : memref<1x64xi32, #tpu.memory_space<vmem>> -> memref<64xi32, #tpu.memory_space<vmem>>
    %dma_start3A_48 = arith.constant 0 : i32
    %dma_start3A_49 = arith.constant 0 : i32
    %dma_start3A_50 = tpu.memref_slice %arg6[%dma_start3A_48, %dma_start3A_49] : memref<100000x128xf32, #tpu.memory_space<hbm>> -> memref<100000x128xf32, #tpu.memory_space<hbm>>
    tpu.enqueue_indirect_dma source(%dma_start3A_50 : memref<100000x128xf32, #tpu.memory_space<hbm>>) target(%dma_start3A_44 : memref<64x128xf32, #tpu.memory_space<vmem>>) offsets(%dma_start3A_47 : memref<64xi32, #tpu.memory_space<vmem>>) semaphore(%arg19 : memref<!tpu.dma_semaphore, #tpu.memory_space<semaphore_mem>>) {add = true}
    %dma_start3A_51 = arith.constant 3 : i32
    %dma_start3A_52 = arith.constant 0 : i32
    %dma_start3A_53 = arith.constant 0 : i32
    %dma_start3A_54 = tpu.memref_slice %arg14[%dma_start3A_52, %dma_start3A_53] : memref<128x128xf32, #tpu.memory_space<vmem>> -> memref<64x128xf32, #tpu.memory_space<vmem>>
    %dma_start3A_55 = arith.constant 0 : i32
    %dma_start3A_56 = tpu.memref_slice %arg11[%dma_start3A_51, %dma_start3A_55] : memref<20x128xi32, #tpu.memory_space<vmem>> -> memref<1x64xi32, #tpu.memory_space<vmem>>
    %dma_start3A_57 = tpu.memref_squeeze %dma_start3A_56 : memref<1x64xi32, #tpu.memory_space<vmem>> -> memref<64xi32, #tpu.memory_space<vmem>>
    %dma_start3A_58 = arith.constant 0 : i32
    %dma_start3A_59 = arith.constant 0 : i32
    %dma_start3A_60 = tpu.memref_slice %arg6[%dma_start3A_58, %dma_start3A_59] : memref<100000x128xf32, #tpu.memory_space<hbm>> -> memref<100000x128xf32, #tpu.memory_space<hbm>>
    tpu.enqueue_indirect_dma source(%dma_start3A_60 : memref<100000x128xf32, #tpu.memory_space<hbm>>) target(%dma_start3A_54 : memref<64x128xf32, #tpu.memory_space<vmem>>) offsets(%dma_start3A_57 : memref<64xi32, #tpu.memory_space<vmem>>) semaphore(%arg19 : memref<!tpu.dma_semaphore, #tpu.memory_space<semaphore_mem>>) {add = true}
    %dma_start3A_61 = arith.constant 4 : i32
    %dma_start3A_62 = arith.constant 0 : i32
    %dma_start3A_63 = arith.constant 0 : i32
    %dma_start3A_64 = tpu.memref_slice %arg14[%dma_start3A_62, %dma_start3A_63] : memref<128x128xf32, #tpu.memory_space<vmem>> -> memref<64x128xf32, #tpu.memory_space<vmem>>
    %dma_start3A_65 = arith.constant 0 : i32
    %dma_start3A_66 = tpu.memref_slice %arg11[%dma_start3A_61, %dma_start3A_65] : memref<20x128xi32, #tpu.memory_space<vmem>> -> memref<1x64xi32, #tpu.memory_space<vmem>>
    %dma_start3A_67 = tpu.memref_squeeze %dma_start3A_66 : memref<1x64xi32, #tpu.memory_space<vmem>> -> memref<64xi32, #tpu.memory_space<vmem>>
    %dma_start3A_68 = arith.constant 0 : i32
    %dma_start3A_69 = arith.constant 0 : i32
    %dma_start3A_70 = tpu.memref_slice %arg6[%dma_start3A_68, %dma_start3A_69] : memref<100000x128xf32, #tpu.memory_space<hbm>> -> memref<100000x128xf32, #tpu.memory_space<hbm>>
    tpu.enqueue_indirect_dma source(%dma_start3A_70 : memref<100000x128xf32, #tpu.memory_space<hbm>>) target(%dma_start3A_64 : memref<64x128xf32, #tpu.memory_space<vmem>>) offsets(%dma_start3A_67 : memref<64xi32, #tpu.memory_space<vmem>>) semaphore(%arg19 : memref<!tpu.dma_semaphore, #tpu.memory_space<semaphore_mem>>) {add = true}
    %dma_start3A_71 = arith.constant 5 : i32
    %dma_start3A_72 = arith.constant 0 : i32
    %dma_start3A_73 = arith.constant 0 : i32
    %dma_start3A_74 = tpu.memref_slice %arg14[%dma_start3A_72, %dma_start3A_73] : memref<128x128xf32, #tpu.memory_space<vmem>> -> memref<64x128xf32, #tpu.memory_space<vmem>>
    %dma_start3A_75 = arith.constant 0 : i32
    %dma_start3A_76 = tpu.memref_slice %arg11[%dma_start3A_71, %dma_start3A_75] : memref<20x128xi32, #tpu.memory_space<vmem>> -> memref<1x64xi32, #tpu.memory_space<vmem>>
    %dma_start3A_77 = tpu.memref_squeeze %dma_start3A_76 : memref<1x64xi32, #tpu.memory_space<vmem>> -> memref<64xi32, #tpu.memory_space<vmem>>
    %dma_start3A_78 = arith.constant 0 : i32
    %dma_start3A_79 = arith.constant 0 : i32
    %dma_start3A_80 = tpu.memref_slice %arg6[%dma_start3A_78, %dma_start3A_79] : memref<100000x128xf32, #tpu.memory_space<hbm>> -> memref<100000x128xf32, #tpu.memory_space<hbm>>
    tpu.enqueue_indirect_dma source(%dma_start3A_80 : memref<100000x128xf32, #tpu.memory_space<hbm>>) target(%dma_start3A_74 : memref<64x128xf32, #tpu.memory_space<vmem>>) offsets(%dma_start3A_77 : memref<64xi32, #tpu.memory_space<vmem>>) semaphore(%arg19 : memref<!tpu.dma_semaphore, #tpu.memory_space<semaphore_mem>>) {add = true}
    %dma_start3A_81 = arith.constant 6 : i32
    %dma_start3A_82 = arith.constant 0 : i32
    %dma_start3A_83 = arith.constant 0 : i32
    %dma_start3A_84 = tpu.memref_slice %arg14[%dma_start3A_82, %dma_start3A_83] : memref<128x128xf32, #tpu.memory_space<vmem>> -> memref<64x128xf32, #tpu.memory_space<vmem>>
    %dma_start3A_85 = arith.constant 0 : i32
    %dma_start3A_86 = tpu.memref_slice %arg11[%dma_start3A_81, %dma_start3A_85] : memref<20x128xi32, #tpu.memory_space<vmem>> -> memref<1x64xi32, #tpu.memory_space<vmem>>
    %dma_start3A_87 = tpu.memref_squeeze %dma_start3A_86 : memref<1x64xi32, #tpu.memory_space<vmem>> -> memref<64xi32, #tpu.memory_space<vmem>>
    %dma_start3A_88 = arith.constant 0 : i32
    %dma_start3A_89 = arith.constant 0 : i32
    %dma_start3A_90 = tpu.memref_slice %arg6[%dma_start3A_88, %dma_start3A_89] : memref<100000x128xf32, #tpu.memory_space<hbm>> -> memref<100000x128xf32, #tpu.memory_space<hbm>>
    tpu.enqueue_indirect_dma source(%dma_start3A_90 : memref<100000x128xf32, #tpu.memory_space<hbm>>) target(%dma_start3A_84 : memref<64x128xf32, #tpu.memory_space<vmem>>) offsets(%dma_start3A_87 : memref<64xi32, #tpu.memory_space<vmem>>) semaphore(%arg19 : memref<!tpu.dma_semaphore, #tpu.memory_space<semaphore_mem>>) {add = true}
    %dma_start3A_91 = arith.constant 7 : i32
    %dma_start3A_92 = arith.constant 0 : i32
    %dma_start3A_93 = arith.constant 0 : i32
    %dma_start3A_94 = tpu.memref_slice %arg14[%dma_start3A_92, %dma_start3A_93] : memref<128x128xf32, #tpu.memory_space<vmem>> -> memref<64x128xf32, #tpu.memory_space<vmem>>
    %dma_start3A_95 = arith.constant 0 : i32
    %dma_start3A_96 = tpu.memref_slice %arg11[%dma_start3A_91, %dma_start3A_95] : memref<20x128xi32, #tpu.memory_space<vmem>> -> memref<1x64xi32, #tpu.memory_space<vmem>>
    %dma_start3A_97 = tpu.memref_squeeze %dma_start3A_96 : memref<1x64xi32, #tpu.memory_space<vmem>> -> memref<64xi32, #tpu.memory_space<vmem>>
    %dma_start3A_98 = arith.constant 0 : i32
    %dma_start3A_99 = arith.constant 0 : i32
    %dma_start3A_100 = tpu.memref_slice %arg6[%dma_start3A_98, %dma_start3A_99] : memref<100000x128xf32, #tpu.memory_space<hbm>> -> memref<100000x128xf32, #tpu.memory_space<hbm>>
    tpu.enqueue_indirect_dma source(%dma_start3A_100 : memref<100000x128xf32, #tpu.memory_space<hbm>>) target(%dma_start3A_94 : memref<64x128xf32, #tpu.memory_space<vmem>>) offsets(%dma_start3A_97 : memref<64xi32, #tpu.memory_space<vmem>>) semaphore(%arg19 : memref<!tpu.dma_semaphore, #tpu.memory_space<semaphore_mem>>) {add = true}
    %dma_start3A_101 = arith.constant 8 : i32
    %dma_start3A_102 = arith.constant 0 : i32
    %dma_start3A_103 = arith.constant 0 : i32
    %dma_start3A_104 = tpu.memref_slice %arg14[%dma_start3A_102, %dma_start3A_103] : memref<128x128xf32, #tpu.memory_space<vmem>> -> memref<64x128xf32, #tpu.memory_space<vmem>>
    %dma_start3A_105 = arith.constant 0 : i32
    %dma_start3A_106 = tpu.memref_slice %arg11[%dma_start3A_101, %dma_start3A_105] : memref<20x128xi32, #tpu.memory_space<vmem>> -> memref<1x64xi32, #tpu.memory_space<vmem>>
    %dma_start3A_107 = tpu.memref_squeeze %dma_start3A_106 : memref<1x64xi32, #tpu.memory_space<vmem>> -> memref<64xi32, #tpu.memory_space<vmem>>
    %dma_start3A_108 = arith.constant 0 : i32
    %dma_start3A_109 = arith.constant 0 : i32
    %dma_start3A_110 = tpu.memref_slice %arg6[%dma_start3A_108, %dma_start3A_109] : memref<100000x128xf32, #tpu.memory_space<hbm>> -> memref<100000x128xf32, #tpu.memory_space<hbm>>
    tpu.enqueue_indirect_dma source(%dma_start3A_110 : memref<100000x128xf32, #tpu.memory_space<hbm>>) target(%dma_start3A_104 : memref<64x128xf32, #tpu.memory_space<vmem>>) offsets(%dma_start3A_107 : memref<64xi32, #tpu.memory_space<vmem>>) semaphore(%arg19 : memref<!tpu.dma_semaphore, #tpu.memory_space<semaphore_mem>>) {add = true}
    %dma_start3A_111 = arith.constant 9 : i32
    %dma_start3A_112 = arith.constant 0 : i32
    %dma_start3A_113 = arith.constant 0 : i32
    %dma_start3A_114 = tpu.memref_slice %arg14[%dma_start3A_112, %dma_start3A_113] : memref<128x128xf32, #tpu.memory_space<vmem>> -> memref<64x128xf32, #tpu.memory_space<vmem>>
    %dma_start3A_115 = arith.constant 0 : i32
    %dma_start3A_116 = tpu.memref_slice %arg11[%dma_start3A_111, %dma_start3A_115] : memref<20x128xi32, #tpu.memory_space<vmem>> -> memref<1x64xi32, #tpu.memory_space<vmem>>
    %dma_start3A_117 = tpu.memref_squeeze %dma_start3A_116 : memref<1x64xi32, #tpu.memory_space<vmem>> -> memref<64xi32, #tpu.memory_space<vmem>>
    %dma_start3A_118 = arith.constant 0 : i32
    %dma_start3A_119 = arith.constant 0 : i32
    %dma_start3A_120 = tpu.memref_slice %arg6[%dma_start3A_118, %dma_start3A_119] : memref<100000x128xf32, #tpu.memory_space<hbm>> -> memref<100000x128xf32, #tpu.memory_space<hbm>>
    tpu.enqueue_indirect_dma source(%dma_start3A_120 : memref<100000x128xf32, #tpu.memory_space<hbm>>) target(%dma_start3A_114 : memref<64x128xf32, #tpu.memory_space<vmem>>) offsets(%dma_start3A_117 : memref<64xi32, #tpu.memory_space<vmem>>) semaphore(%arg19 : memref<!tpu.dma_semaphore, #tpu.memory_space<semaphore_mem>>) {add = true}
    %dma_start3A_121 = arith.constant 10 : i32
    %dma_start3A_122 = arith.constant 0 : i32
    %dma_start3A_123 = arith.constant 0 : i32
    %dma_start3A_124 = tpu.memref_slice %arg14[%dma_start3A_122, %dma_start3A_123] : memref<128x128xf32, #tpu.memory_space<vmem>> -> memref<64x128xf32, #tpu.memory_space<vmem>>
    %dma_start3A_125 = arith.constant 0 : i32
    %dma_start3A_126 = tpu.memref_slice %arg11[%dma_start3A_121, %dma_start3A_125] : memref<20x128xi32, #tpu.memory_space<vmem>> -> memref<1x64xi32, #tpu.memory_space<vmem>>
    %dma_start3A_127 = tpu.memref_squeeze %dma_start3A_126 : memref<1x64xi32, #tpu.memory_space<vmem>> -> memref<64xi32, #tpu.memory_space<vmem>>
    %dma_start3A_128 = arith.constant 0 : i32
    %dma_start3A_129 = arith.constant 0 : i32
    %dma_start3A_130 = tpu.memref_slice %arg6[%dma_start3A_128, %dma_start3A_129] : memref<100000x128xf32, #tpu.memory_space<hbm>> -> memref<100000x128xf32, #tpu.memory_space<hbm>>
    tpu.enqueue_indirect_dma source(%dma_start3A_130 : memref<100000x128xf32, #tpu.memory_space<hbm>>) target(%dma_start3A_124 : memref<64x128xf32, #tpu.memory_space<vmem>>) offsets(%dma_start3A_127 : memref<64xi32, #tpu.memory_space<vmem>>) semaphore(%arg19 : memref<!tpu.dma_semaphore, #tpu.memory_space<semaphore_mem>>) {add = true}
    %dma_start3A_131 = arith.constant 11 : i32
    %dma_start3A_132 = arith.constant 0 : i32
    %dma_start3A_133 = arith.constant 0 : i32
    %dma_start3A_134 = tpu.memref_slice %arg14[%dma_start3A_132, %dma_start3A_133] : memref<128x128xf32, #tpu.memory_space<vmem>> -> memref<64x128xf32, #tpu.memory_space<vmem>>
    %dma_start3A_135 = arith.constant 0 : i32
    %dma_start3A_136 = tpu.memref_slice %arg11[%dma_start3A_131, %dma_start3A_135] : memref<20x128xi32, #tpu.memory_space<vmem>> -> memref<1x64xi32, #tpu.memory_space<vmem>>
    %dma_start3A_137 = tpu.memref_squeeze %dma_start3A_136 : memref<1x64xi32, #tpu.memory_space<vmem>> -> memref<64xi32, #tpu.memory_space<vmem>>
    %dma_start3A_138 = arith.constant 0 : i32
    %dma_start3A_139 = arith.constant 0 : i32
    %dma_start3A_140 = tpu.memref_slice %arg6[%dma_start3A_138, %dma_start3A_139] : memref<100000x128xf32, #tpu.memory_space<hbm>> -> memref<100000x128xf32, #tpu.memory_space<hbm>>
    tpu.enqueue_indirect_dma source(%dma_start3A_140 : memref<100000x128xf32, #tpu.memory_space<hbm>>) target(%dma_start3A_134 : memref<64x128xf32, #tpu.memory_space<vmem>>) offsets(%dma_start3A_137 : memref<64xi32, #tpu.memory_space<vmem>>) semaphore(%arg19 : memref<!tpu.dma_semaphore, #tpu.memory_space<semaphore_mem>>) {add = true}
    %dma_start3A_141 = arith.constant 12 : i32
    %dma_start3A_142 = arith.constant 0 : i32
    %dma_start3A_143 = arith.constant 0 : i32
    %dma_start3A_144 = tpu.memref_slice %arg14[%dma_start3A_142, %dma_start3A_143] : memref<128x128xf32, #tpu.memory_space<vmem>> -> memref<64x128xf32, #tpu.memory_space<vmem>>
    %dma_start3A_145 = arith.constant 0 : i32
    %dma_start3A_146 = tpu.memref_slice %arg11[%dma_start3A_141, %dma_start3A_145] : memref<20x128xi32, #tpu.memory_space<vmem>> -> memref<1x64xi32, #tpu.memory_space<vmem>>
    %dma_start3A_147 = tpu.memref_squeeze %dma_start3A_146 : memref<1x64xi32, #tpu.memory_space<vmem>> -> memref<64xi32, #tpu.memory_space<vmem>>
    %dma_start3A_148 = arith.constant 0 : i32
    %dma_start3A_149 = arith.constant 0 : i32
    %dma_start3A_150 = tpu.memref_slice %arg6[%dma_start3A_148, %dma_start3A_149] : memref<100000x128xf32, #tpu.memory_space<hbm>> -> memref<100000x128xf32, #tpu.memory_space<hbm>>
    tpu.enqueue_indirect_dma source(%dma_start3A_150 : memref<100000x128xf32, #tpu.memory_space<hbm>>) target(%dma_start3A_144 : memref<64x128xf32, #tpu.memory_space<vmem>>) offsets(%dma_start3A_147 : memref<64xi32, #tpu.memory_space<vmem>>) semaphore(%arg19 : memref<!tpu.dma_semaphore, #tpu.memory_space<semaphore_mem>>) {add = true}
    %dma_start3A_151 = arith.constant 13 : i32
    %dma_start3A_152 = arith.constant 0 : i32
    %dma_start3A_153 = arith.constant 0 : i32
    %dma_start3A_154 = tpu.memref_slice %arg14[%dma_start3A_152, %dma_start3A_153] : memref<128x128xf32, #tpu.memory_space<vmem>> -> memref<64x128xf32, #tpu.memory_space<vmem>>
    %dma_start3A_155 = arith.constant 0 : i32
    %dma_start3A_156 = tpu.memref_slice %arg11[%dma_start3A_151, %dma_start3A_155] : memref<20x128xi32, #tpu.memory_space<vmem>> -> memref<1x64xi32, #tpu.memory_space<vmem>>
    %dma_start3A_157 = tpu.memref_squeeze %dma_start3A_156 : memref<1x64xi32, #tpu.memory_space<vmem>> -> memref<64xi32, #tpu.memory_space<vmem>>
    %dma_start3A_158 = arith.constant 0 : i32
    %dma_start3A_159 = arith.constant 0 : i32
    %dma_start3A_160 = tpu.memref_slice %arg6[%dma_start3A_158, %dma_start3A_159] : memref<100000x128xf32, #tpu.memory_space<hbm>> -> memref<100000x128xf32, #tpu.memory_space<hbm>>
    tpu.enqueue_indirect_dma source(%dma_start3A_160 : memref<100000x128xf32, #tpu.memory_space<hbm>>) target(%dma_start3A_154 : memref<64x128xf32, #tpu.memory_space<vmem>>) offsets(%dma_start3A_157 : memref<64xi32, #tpu.memory_space<vmem>>) semaphore(%arg19 : memref<!tpu.dma_semaphore, #tpu.memory_space<semaphore_mem>>) {add = true}
    %dma_start3A_161 = arith.constant 14 : i32
    %dma_start3A_162 = arith.constant 0 : i32
    %dma_start3A_163 = arith.constant 0 : i32
    %dma_start3A_164 = tpu.memref_slice %arg14[%dma_start3A_162, %dma_start3A_163] : memref<128x128xf32, #tpu.memory_space<vmem>> -> memref<64x128xf32, #tpu.memory_space<vmem>>
    %dma_start3A_165 = arith.constant 0 : i32
    %dma_start3A_166 = tpu.memref_slice %arg11[%dma_start3A_161, %dma_start3A_165] : memref<20x128xi32, #tpu.memory_space<vmem>> -> memref<1x64xi32, #tpu.memory_space<vmem>>
    %dma_start3A_167 = tpu.memref_squeeze %dma_start3A_166 : memref<1x64xi32, #tpu.memory_space<vmem>> -> memref<64xi32, #tpu.memory_space<vmem>>
    %dma_start3A_168 = arith.constant 0 : i32
    %dma_start3A_169 = arith.constant 0 : i32
    %dma_start3A_170 = tpu.memref_slice %arg6[%dma_start3A_168, %dma_start3A_169] : memref<100000x128xf32, #tpu.memory_space<hbm>> -> memref<100000x128xf32, #tpu.memory_space<hbm>>
    tpu.enqueue_indirect_dma source(%dma_start3A_170 : memref<100000x128xf32, #tpu.memory_space<hbm>>) target(%dma_start3A_164 : memref<64x128xf32, #tpu.memory_space<vmem>>) offsets(%dma_start3A_167 : memref<64xi32, #tpu.memory_space<vmem>>) semaphore(%arg19 : memref<!tpu.dma_semaphore, #tpu.memory_space<semaphore_mem>>) {add = true}
    %dma_start3A_171 = arith.constant 15 : i32
    %dma_start3A_172 = arith.constant 0 : i32
    %dma_start3A_173 = arith.constant 0 : i32
    %dma_start3A_174 = tpu.memref_slice %arg14[%dma_start3A_172, %dma_start3A_173] : memref<128x128xf32, #tpu.memory_space<vmem>> -> memref<64x128xf32, #tpu.memory_space<vmem>>
    %dma_start3A_175 = arith.constant 0 : i32
    %dma_start3A_176 = tpu.memref_slice %arg11[%dma_start3A_171, %dma_start3A_175] : memref<20x128xi32, #tpu.memory_space<vmem>> -> memref<1x64xi32, #tpu.memory_space<vmem>>
    %dma_start3A_177 = tpu.memref_squeeze %dma_start3A_176 : memref<1x64xi32, #tpu.memory_space<vmem>> -> memref<64xi32, #tpu.memory_space<vmem>>
    %dma_start3A_178 = arith.constant 0 : i32
    %dma_start3A_179 = arith.constant 0 : i32
    %dma_start3A_180 = tpu.memref_slice %arg6[%dma_start3A_178, %dma_start3A_179] : memref<100000x128xf32, #tpu.memory_space<hbm>> -> memref<100000x128xf32, #tpu.memory_space<hbm>>
    tpu.enqueue_indirect_dma source(%dma_start3A_180 : memref<100000x128xf32, #tpu.memory_space<hbm>>) target(%dma_start3A_174 : memref<64x128xf32, #tpu.memory_space<vmem>>) offsets(%dma_start3A_177 : memref<64xi32, #tpu.memory_space<vmem>>) semaphore(%arg19 : memref<!tpu.dma_semaphore, #tpu.memory_space<semaphore_mem>>) {add = true}
    %dma_start3A_181 = arith.constant 16 : i32
    %dma_start3A_182 = arith.constant 0 : i32
    %dma_start3A_183 = arith.constant 0 : i32
    %dma_start3A_184 = tpu.memref_slice %arg14[%dma_start3A_182, %dma_start3A_183] : memref<128x128xf32, #tpu.memory_space<vmem>> -> memref<64x128xf32, #tpu.memory_space<vmem>>
    %dma_start3A_185 = arith.constant 0 : i32
    %dma_start3A_186 = tpu.memref_slice %arg11[%dma_start3A_181, %dma_start3A_185] : memref<20x128xi32, #tpu.memory_space<vmem>> -> memref<1x64xi32, #tpu.memory_space<vmem>>
    %dma_start3A_187 = tpu.memref_squeeze %dma_start3A_186 : memref<1x64xi32, #tpu.memory_space<vmem>> -> memref<64xi32, #tpu.memory_space<vmem>>
    %dma_start3A_188 = arith.constant 0 : i32
    %dma_start3A_189 = arith.constant 0 : i32
    %dma_start3A_190 = tpu.memref_slice %arg6[%dma_start3A_188, %dma_start3A_189] : memref<100000x128xf32, #tpu.memory_space<hbm>> -> memref<100000x128xf32, #tpu.memory_space<hbm>>
    tpu.enqueue_indirect_dma source(%dma_start3A_190 : memref<100000x128xf32, #tpu.memory_space<hbm>>) target(%dma_start3A_184 : memref<64x128xf32, #tpu.memory_space<vmem>>) offsets(%dma_start3A_187 : memref<64xi32, #tpu.memory_space<vmem>>) semaphore(%arg19 : memref<!tpu.dma_semaphore, #tpu.memory_space<semaphore_mem>>) {add = true}
    %dma_start3A_191 = arith.constant 17 : i32
    %dma_start3A_192 = arith.constant 0 : i32
    %dma_start3A_193 = arith.constant 0 : i32
    %dma_start3A_194 = tpu.memref_slice %arg14[%dma_start3A_192, %dma_start3A_193] : memref<128x128xf32, #tpu.memory_space<vmem>> -> memref<64x128xf32, #tpu.memory_space<vmem>>
    %dma_start3A_195 = arith.constant 0 : i32
    %dma_start3A_196 = tpu.memref_slice %arg11[%dma_start3A_191, %dma_start3A_195] : memref<20x128xi32, #tpu.memory_space<vmem>> -> memref<1x64xi32, #tpu.memory_space<vmem>>
    %dma_start3A_197 = tpu.memref_squeeze %dma_start3A_196 : memref<1x64xi32, #tpu.memory_space<vmem>> -> memref<64xi32, #tpu.memory_space<vmem>>
    %dma_start3A_198 = arith.constant 0 : i32
    %dma_start3A_199 = arith.constant 0 : i32
    %dma_start3A_200 = tpu.memref_slice %arg6[%dma_start3A_198, %dma_start3A_199] : memref<100000x128xf32, #tpu.memory_space<hbm>> -> memref<100000x128xf32, #tpu.memory_space<hbm>>
    tpu.enqueue_indirect_dma source(%dma_start3A_200 : memref<100000x128xf32, #tpu.memory_space<hbm>>) target(%dma_start3A_194 : memref<64x128xf32, #tpu.memory_space<vmem>>) offsets(%dma_start3A_197 : memref<64xi32, #tpu.memory_space<vmem>>) semaphore(%arg19 : memref<!tpu.dma_semaphore, #tpu.memory_space<semaphore_mem>>) {add = true}
    %dma_start3A_201 = arith.constant 18 : i32
    %dma_start3A_202 = arith.constant 0 : i32
    %dma_start3A_203 = arith.constant 0 : i32
    %dma_start3A_204 = tpu.memref_slice %arg14[%dma_start3A_202, %dma_start3A_203] : memref<128x128xf32, #tpu.memory_space<vmem>> -> memref<64x128xf32, #tpu.memory_space<vmem>>
    %dma_start3A_205 = arith.constant 0 : i32
    %dma_start3A_206 = tpu.memref_slice %arg11[%dma_start3A_201, %dma_start3A_205] : memref<20x128xi32, #tpu.memory_space<vmem>> -> memref<1x64xi32, #tpu.memory_space<vmem>>
    %dma_start3A_207 = tpu.memref_squeeze %dma_start3A_206 : memref<1x64xi32, #tpu.memory_space<vmem>> -> memref<64xi32, #tpu.memory_space<vmem>>
    %dma_start3A_208 = arith.constant 0 : i32
    %dma_start3A_209 = arith.constant 0 : i32
    %dma_start3A_210 = tpu.memref_slice %arg6[%dma_start3A_208, %dma_start3A_209] : memref<100000x128xf32, #tpu.memory_space<hbm>> -> memref<100000x128xf32, #tpu.memory_space<hbm>>
    tpu.enqueue_indirect_dma source(%dma_start3A_210 : memref<100000x128xf32, #tpu.memory_space<hbm>>) target(%dma_start3A_204 : memref<64x128xf32, #tpu.memory_space<vmem>>) offsets(%dma_start3A_207 : memref<64xi32, #tpu.memory_space<vmem>>) semaphore(%arg19 : memref<!tpu.dma_semaphore, #tpu.memory_space<semaphore_mem>>) {add = true}
    %dma_start3A_211 = arith.constant 19 : i32
    %dma_start3A_212 = arith.constant 0 : i32
    %dma_start3A_213 = arith.constant 0 : i32
    %dma_start3A_214 = tpu.memref_slice %arg14[%dma_start3A_212, %dma_start3A_213] : memref<128x128xf32, #tpu.memory_space<vmem>> -> memref<64x128xf32, #tpu.memory_space<vmem>>
    %dma_start3A_215 = arith.constant 0 : i32
    %dma_start3A_216 = tpu.memref_slice %arg11[%dma_start3A_211, %dma_start3A_215] : memref<20x128xi32, #tpu.memory_space<vmem>> -> memref<1x64xi32, #tpu.memory_space<vmem>>
    %dma_start3A_217 = tpu.memref_squeeze %dma_start3A_216 : memref<1x64xi32, #tpu.memory_space<vmem>> -> memref<64xi32, #tpu.memory_space<vmem>>
    %dma_start3A_218 = arith.constant 0 : i32
    %dma_start3A_219 = arith.constant 0 : i32
    %dma_start3A_220 = tpu.memref_slice %arg6[%dma_start3A_218, %dma_start3A_219] : memref<100000x128xf32, #tpu.memory_space<hbm>> -> memref<100000x128xf32, #tpu.memory_space<hbm>>
    tpu.enqueue_indirect_dma source(%dma_start3A_220 : memref<100000x128xf32, #tpu.memory_space<hbm>>) target(%dma_start3A_214 : memref<64x128xf32, #tpu.memory_space<vmem>>) offsets(%dma_start3A_217 : memref<64xi32, #tpu.memory_space<vmem>>) semaphore(%arg19 : memref<!tpu.dma_semaphore, #tpu.memory_space<semaphore_mem>>) {add = true}
    %dma_start3A_221 = arith.constant 0 : i32
    %dma_start3A_222 = arith.constant 64 : i32
    %dma_start3A_223 = arith.constant 0 : i32
    %dma_start3A_224 = tpu.memref_slice %arg14[%dma_start3A_222, %dma_start3A_223] : memref<128x128xf32, #tpu.memory_space<vmem>> -> memref<64x128xf32, #tpu.memory_space<vmem>>
    %dma_start3A_225 = arith.constant 64 : i32
    %dma_start3A_226 = tpu.memref_slice %arg11[%dma_start3A_221, %dma_start3A_225] : memref<20x128xi32, #tpu.memory_space<vmem>> -> memref<1x64xi32, #tpu.memory_space<vmem>>
    %dma_start3A_227 = tpu.memref_squeeze %dma_start3A_226 : memref<1x64xi32, #tpu.memory_space<vmem>> -> memref<64xi32, #tpu.memory_space<vmem>>
    %dma_start3A_228 = arith.constant 0 : i32
    %dma_start3A_229 = arith.constant 0 : i32
    %dma_start3A_230 = tpu.memref_slice %arg6[%dma_start3A_228, %dma_start3A_229] : memref<100000x128xf32, #tpu.memory_space<hbm>> -> memref<100000x128xf32, #tpu.memory_space<hbm>>
    tpu.enqueue_indirect_dma source(%dma_start3A_230 : memref<100000x128xf32, #tpu.memory_space<hbm>>) target(%dma_start3A_224 : memref<64x128xf32, #tpu.memory_space<vmem>>) offsets(%dma_start3A_227 : memref<64xi32, #tpu.memory_space<vmem>>) semaphore(%arg20 : memref<!tpu.dma_semaphore, #tpu.memory_space<semaphore_mem>>) {add = true}
    %dma_start3A_231 = arith.constant 1 : i32
    %dma_start3A_232 = arith.constant 64 : i32
    %dma_start3A_233 = arith.constant 0 : i32
    %dma_start3A_234 = tpu.memref_slice %arg14[%dma_start3A_232, %dma_start3A_233] : memref<128x128xf32, #tpu.memory_space<vmem>> -> memref<64x128xf32, #tpu.memory_space<vmem>>
    %dma_start3A_235 = arith.constant 64 : i32
    %dma_start3A_236 = tpu.memref_slice %arg11[%dma_start3A_231, %dma_start3A_235] : memref<20x128xi32, #tpu.memory_space<vmem>> -> memref<1x64xi32, #tpu.memory_space<vmem>>
    %dma_start3A_237 = tpu.memref_squeeze %dma_start3A_236 : memref<1x64xi32, #tpu.memory_space<vmem>> -> memref<64xi32, #tpu.memory_space<vmem>>
    %dma_start3A_238 = arith.constant 0 : i32
    %dma_start3A_239 = arith.constant 0 : i32
    %dma_start3A_240 = tpu.memref_slice %arg6[%dma_start3A_238, %dma_start3A_239] : memref<100000x128xf32, #tpu.memory_space<hbm>> -> memref<100000x128xf32, #tpu.memory_space<hbm>>
    tpu.enqueue_indirect_dma source(%dma_start3A_240 : memref<100000x128xf32, #tpu.memory_space<hbm>>) target(%dma_start3A_234 : memref<64x128xf32, #tpu.memory_space<vmem>>) offsets(%dma_start3A_237 : memref<64xi32, #tpu.memory_space<vmem>>) semaphore(%arg20 : memref<!tpu.dma_semaphore, #tpu.memory_space<semaphore_mem>>) {add = true}
    %dma_start3A_241 = arith.constant 2 : i32
    %dma_start3A_242 = arith.constant 64 : i32
    %dma_start3A_243 = arith.constant 0 : i32
    %dma_start3A_244 = tpu.memref_slice %arg14[%dma_start3A_242, %dma_start3A_243] : memref<128x128xf32, #tpu.memory_space<vmem>> -> memref<64x128xf32, #tpu.memory_space<vmem>>
    %dma_start3A_245 = arith.constant 64 : i32
    %dma_start3A_246 = tpu.memref_slice %arg11[%dma_start3A_241, %dma_start3A_245] : memref<20x128xi32, #tpu.memory_space<vmem>> -> memref<1x64xi32, #tpu.memory_space<vmem>>
    %dma_start3A_247 = tpu.memref_squeeze %dma_start3A_246 : memref<1x64xi32, #tpu.memory_space<vmem>> -> memref<64xi32, #tpu.memory_space<vmem>>
    %dma_start3A_248 = arith.constant 0 : i32
    %dma_start3A_249 = arith.constant 0 : i32
    %dma_start3A_250 = tpu.memref_slice %arg6[%dma_start3A_248, %dma_start3A_249] : memref<100000x128xf32, #tpu.memory_space<hbm>> -> memref<100000x128xf32, #tpu.memory_space<hbm>>
    tpu.enqueue_indirect_dma source(%dma_start3A_250 : memref<100000x128xf32, #tpu.memory_space<hbm>>) target(%dma_start3A_244 : memref<64x128xf32, #tpu.memory_space<vmem>>) offsets(%dma_start3A_247 : memref<64xi32, #tpu.memory_space<vmem>>) semaphore(%arg20 : memref<!tpu.dma_semaphore, #tpu.memory_space<semaphore_mem>>) {add = true}
    %dma_start3A_251 = arith.constant 3 : i32
    %dma_start3A_252 = arith.constant 64 : i32
    %dma_start3A_253 = arith.constant 0 : i32
    %dma_start3A_254 = tpu.memref_slice %arg14[%dma_start3A_252, %dma_start3A_253] : memref<128x128xf32, #tpu.memory_space<vmem>> -> memref<64x128xf32, #tpu.memory_space<vmem>>
    %dma_start3A_255 = arith.constant 64 : i32
    %dma_start3A_256 = tpu.memref_slice %arg11[%dma_start3A_251, %dma_start3A_255] : memref<20x128xi32, #tpu.memory_space<vmem>> -> memref<1x64xi32, #tpu.memory_space<vmem>>
    %dma_start3A_257 = tpu.memref_squeeze %dma_start3A_256 : memref<1x64xi32, #tpu.memory_space<vmem>> -> memref<64xi32, #tpu.memory_space<vmem>>
    %dma_start3A_258 = arith.constant 0 : i32
    %dma_start3A_259 = arith.constant 0 : i32
    %dma_start3A_260 = tpu.memref_slice %arg6[%dma_start3A_258, %dma_start3A_259] : memref<100000x128xf32, #tpu.memory_space<hbm>> -> memref<100000x128xf32, #tpu.memory_space<hbm>>
    tpu.enqueue_indirect_dma source(%dma_start3A_260 : memref<100000x128xf32, #tpu.memory_space<hbm>>) target(%dma_start3A_254 : memref<64x128xf32, #tpu.memory_space<vmem>>) offsets(%dma_start3A_257 : memref<64xi32, #tpu.memory_space<vmem>>) semaphore(%arg20 : memref<!tpu.dma_semaphore, #tpu.memory_space<semaphore_mem>>) {add = true}
    %dma_start3A_261 = arith.constant 4 : i32
    %dma_start3A_262 = arith.constant 64 : i32
    %dma_start3A_263 = arith.constant 0 : i32
    %dma_start3A_264 = tpu.memref_slice %arg14[%dma_start3A_262, %dma_start3A_263] : memref<128x128xf32, #tpu.memory_space<vmem>> -> memref<64x128xf32, #tpu.memory_space<vmem>>
    %dma_start3A_265 = arith.constant 64 : i32
    %dma_start3A_266 = tpu.memref_slice %arg11[%dma_start3A_261, %dma_start3A_265] : memref<20x128xi32, #tpu.memory_space<vmem>> -> memref<1x64xi32, #tpu.memory_space<vmem>>
    %dma_start3A_267 = tpu.memref_squeeze %dma_start3A_266 : memref<1x64xi32, #tpu.memory_space<vmem>> -> memref<64xi32, #tpu.memory_space<vmem>>
    %dma_start3A_268 = arith.constant 0 : i32
    %dma_start3A_269 = arith.constant 0 : i32
    %dma_start3A_270 = tpu.memref_slice %arg6[%dma_start3A_268, %dma_start3A_269] : memref<100000x128xf32, #tpu.memory_space<hbm>> -> memref<100000x128xf32, #tpu.memory_space<hbm>>
    tpu.enqueue_indirect_dma source(%dma_start3A_270 : memref<100000x128xf32, #tpu.memory_space<hbm>>) target(%dma_start3A_264 : memref<64x128xf32, #tpu.memory_space<vmem>>) offsets(%dma_start3A_267 : memref<64xi32, #tpu.memory_space<vmem>>) semaphore(%arg20 : memref<!tpu.dma_semaphore, #tpu.memory_space<semaphore_mem>>) {add = true}
    %dma_start3A_271 = arith.constant 5 : i32
    %dma_start3A_272 = arith.constant 64 : i32
    %dma_start3A_273 = arith.constant 0 : i32
    %dma_start3A_274 = tpu.memref_slice %arg14[%dma_start3A_272, %dma_start3A_273] : memref<128x128xf32, #tpu.memory_space<vmem>> -> memref<64x128xf32, #tpu.memory_space<vmem>>
    %dma_start3A_275 = arith.constant 64 : i32
    %dma_start3A_276 = tpu.memref_slice %arg11[%dma_start3A_271, %dma_start3A_275] : memref<20x128xi32, #tpu.memory_space<vmem>> -> memref<1x64xi32, #tpu.memory_space<vmem>>
    %dma_start3A_277 = tpu.memref_squeeze %dma_start3A_276 : memref<1x64xi32, #tpu.memory_space<vmem>> -> memref<64xi32, #tpu.memory_space<vmem>>
    %dma_start3A_278 = arith.constant 0 : i32
    %dma_start3A_279 = arith.constant 0 : i32
    %dma_start3A_280 = tpu.memref_slice %arg6[%dma_start3A_278, %dma_start3A_279] : memref<100000x128xf32, #tpu.memory_space<hbm>> -> memref<100000x128xf32, #tpu.memory_space<hbm>>
    tpu.enqueue_indirect_dma source(%dma_start3A_280 : memref<100000x128xf32, #tpu.memory_space<hbm>>) target(%dma_start3A_274 : memref<64x128xf32, #tpu.memory_space<vmem>>) offsets(%dma_start3A_277 : memref<64xi32, #tpu.memory_space<vmem>>) semaphore(%arg20 : memref<!tpu.dma_semaphore, #tpu.memory_space<semaphore_mem>>) {add = true}
    %dma_start3A_281 = arith.constant 6 : i32
    %dma_start3A_282 = arith.constant 64 : i32
    %dma_start3A_283 = arith.constant 0 : i32
    %dma_start3A_284 = tpu.memref_slice %arg14[%dma_start3A_282, %dma_start3A_283] : memref<128x128xf32, #tpu.memory_space<vmem>> -> memref<64x128xf32, #tpu.memory_space<vmem>>
    %dma_start3A_285 = arith.constant 64 : i32
    %dma_start3A_286 = tpu.memref_slice %arg11[%dma_start3A_281, %dma_start3A_285] : memref<20x128xi32, #tpu.memory_space<vmem>> -> memref<1x64xi32, #tpu.memory_space<vmem>>
    %dma_start3A_287 = tpu.memref_squeeze %dma_start3A_286 : memref<1x64xi32, #tpu.memory_space<vmem>> -> memref<64xi32, #tpu.memory_space<vmem>>
    %dma_start3A_288 = arith.constant 0 : i32
    %dma_start3A_289 = arith.constant 0 : i32
    %dma_start3A_290 = tpu.memref_slice %arg6[%dma_start3A_288, %dma_start3A_289] : memref<100000x128xf32, #tpu.memory_space<hbm>> -> memref<100000x128xf32, #tpu.memory_space<hbm>>
    tpu.enqueue_indirect_dma source(%dma_start3A_290 : memref<100000x128xf32, #tpu.memory_space<hbm>>) target(%dma_start3A_284 : memref<64x128xf32, #tpu.memory_space<vmem>>) offsets(%dma_start3A_287 : memref<64xi32, #tpu.memory_space<vmem>>) semaphore(%arg20 : memref<!tpu.dma_semaphore, #tpu.memory_space<semaphore_mem>>) {add = true}
    %dma_start3A_291 = arith.constant 7 : i32
    %dma_start3A_292 = arith.constant 64 : i32
    %dma_start3A_293 = arith.constant 0 : i32
    %dma_start3A_294 = tpu.memref_slice %arg14[%dma_start3A_292, %dma_start3A_293] : memref<128x128xf32, #tpu.memory_space<vmem>> -> memref<64x128xf32, #tpu.memory_space<vmem>>
    %dma_start3A_295 = arith.constant 64 : i32
    %dma_start3A_296 = tpu.memref_slice %arg11[%dma_start3A_291, %dma_start3A_295] : memref<20x128xi32, #tpu.memory_space<vmem>> -> memref<1x64xi32, #tpu.memory_space<vmem>>
    %dma_start3A_297 = tpu.memref_squeeze %dma_start3A_296 : memref<1x64xi32, #tpu.memory_space<vmem>> -> memref<64xi32, #tpu.memory_space<vmem>>
    %dma_start3A_298 = arith.constant 0 : i32
    %dma_start3A_299 = arith.constant 0 : i32
    %dma_start3A_300 = tpu.memref_slice %arg6[%dma_start3A_298, %dma_start3A_299] : memref<100000x128xf32, #tpu.memory_space<hbm>> -> memref<100000x128xf32, #tpu.memory_space<hbm>>
    tpu.enqueue_indirect_dma source(%dma_start3A_300 : memref<100000x128xf32, #tpu.memory_space<hbm>>) target(%dma_start3A_294 : memref<64x128xf32, #tpu.memory_space<vmem>>) offsets(%dma_start3A_297 : memref<64xi32, #tpu.memory_space<vmem>>) semaphore(%arg20 : memref<!tpu.dma_semaphore, #tpu.memory_space<semaphore_mem>>) {add = true}
    %dma_start3A_301 = arith.constant 8 : i32
    %dma_start3A_302 = arith.constant 64 : i32
    %dma_start3A_303 = arith.constant 0 : i32
    %dma_start3A_304 = tpu.memref_slice %arg14[%dma_start3A_302, %dma_start3A_303] : memref<128x128xf32, #tpu.memory_space<vmem>> -> memref<64x128xf32, #tpu.memory_space<vmem>>
    %dma_start3A_305 = arith.constant 64 : i32
    %dma_start3A_306 = tpu.memref_slice %arg11[%dma_start3A_301, %dma_start3A_305] : memref<20x128xi32, #tpu.memory_space<vmem>> -> memref<1x64xi32, #tpu.memory_space<vmem>>
    %dma_start3A_307 = tpu.memref_squeeze %dma_start3A_306 : memref<1x64xi32, #tpu.memory_space<vmem>> -> memref<64xi32, #tpu.memory_space<vmem>>
    %dma_start3A_308 = arith.constant 0 : i32
    %dma_start3A_309 = arith.constant 0 : i32
    %dma_start3A_310 = tpu.memref_slice %arg6[%dma_start3A_308, %dma_start3A_309] : memref<100000x128xf32, #tpu.memory_space<hbm>> -> memref<100000x128xf32, #tpu.memory_space<hbm>>
    tpu.enqueue_indirect_dma source(%dma_start3A_310 : memref<100000x128xf32, #tpu.memory_space<hbm>>) target(%dma_start3A_304 : memref<64x128xf32, #tpu.memory_space<vmem>>) offsets(%dma_start3A_307 : memref<64xi32, #tpu.memory_space<vmem>>) semaphore(%arg20 : memref<!tpu.dma_semaphore, #tpu.memory_space<semaphore_mem>>) {add = true}
    %dma_start3A_311 = arith.constant 9 : i32
    %dma_start3A_312 = arith.constant 64 : i32
    %dma_start3A_313 = arith.constant 0 : i32
    %dma_start3A_314 = tpu.memref_slice %arg14[%dma_start3A_312, %dma_start3A_313] : memref<128x128xf32, #tpu.memory_space<vmem>> -> memref<64x128xf32, #tpu.memory_space<vmem>>
    %dma_start3A_315 = arith.constant 64 : i32
    %dma_start3A_316 = tpu.memref_slice %arg11[%dma_start3A_311, %dma_start3A_315] : memref<20x128xi32, #tpu.memory_space<vmem>> -> memref<1x64xi32, #tpu.memory_space<vmem>>
    %dma_start3A_317 = tpu.memref_squeeze %dma_start3A_316 : memref<1x64xi32, #tpu.memory_space<vmem>> -> memref<64xi32, #tpu.memory_space<vmem>>
    %dma_start3A_318 = arith.constant 0 : i32
    %dma_start3A_319 = arith.constant 0 : i32
    %dma_start3A_320 = tpu.memref_slice %arg6[%dma_start3A_318, %dma_start3A_319] : memref<100000x128xf32, #tpu.memory_space<hbm>> -> memref<100000x128xf32, #tpu.memory_space<hbm>>
    tpu.enqueue_indirect_dma source(%dma_start3A_320 : memref<100000x128xf32, #tpu.memory_space<hbm>>) target(%dma_start3A_314 : memref<64x128xf32, #tpu.memory_space<vmem>>) offsets(%dma_start3A_317 : memref<64xi32, #tpu.memory_space<vmem>>) semaphore(%arg20 : memref<!tpu.dma_semaphore, #tpu.memory_space<semaphore_mem>>) {add = true}
    %dma_start3A_321 = arith.constant 10 : i32
    %dma_start3A_322 = arith.constant 64 : i32
    %dma_start3A_323 = arith.constant 0 : i32
    %dma_start3A_324 = tpu.memref_slice %arg14[%dma_start3A_322, %dma_start3A_323] : memref<128x128xf32, #tpu.memory_space<vmem>> -> memref<64x128xf32, #tpu.memory_space<vmem>>
    %dma_start3A_325 = arith.constant 64 : i32
    %dma_start3A_326 = tpu.memref_slice %arg11[%dma_start3A_321, %dma_start3A_325] : memref<20x128xi32, #tpu.memory_space<vmem>> -> memref<1x64xi32, #tpu.memory_space<vmem>>
    %dma_start3A_327 = tpu.memref_squeeze %dma_start3A_326 : memref<1x64xi32, #tpu.memory_space<vmem>> -> memref<64xi32, #tpu.memory_space<vmem>>
    %dma_start3A_328 = arith.constant 0 : i32
    %dma_start3A_329 = arith.constant 0 : i32
    %dma_start3A_330 = tpu.memref_slice %arg6[%dma_start3A_328, %dma_start3A_329] : memref<100000x128xf32, #tpu.memory_space<hbm>> -> memref<100000x128xf32, #tpu.memory_space<hbm>>
    tpu.enqueue_indirect_dma source(%dma_start3A_330 : memref<100000x128xf32, #tpu.memory_space<hbm>>) target(%dma_start3A_324 : memref<64x128xf32, #tpu.memory_space<vmem>>) offsets(%dma_start3A_327 : memref<64xi32, #tpu.memory_space<vmem>>) semaphore(%arg20 : memref<!tpu.dma_semaphore, #tpu.memory_space<semaphore_mem>>) {add = true}
    %dma_start3A_331 = arith.constant 11 : i32
    %dma_start3A_332 = arith.constant 64 : i32
    %dma_start3A_333 = arith.constant 0 : i32
    %dma_start3A_334 = tpu.memref_slice %arg14[%dma_start3A_332, %dma_start3A_333] : memref<128x128xf32, #tpu.memory_space<vmem>> -> memref<64x128xf32, #tpu.memory_space<vmem>>
    %dma_start3A_335 = arith.constant 64 : i32
    %dma_start3A_336 = tpu.memref_slice %arg11[%dma_start3A_331, %dma_start3A_335] : memref<20x128xi32, #tpu.memory_space<vmem>> -> memref<1x64xi32, #tpu.memory_space<vmem>>
    %dma_start3A_337 = tpu.memref_squeeze %dma_start3A_336 : memref<1x64xi32, #tpu.memory_space<vmem>> -> memref<64xi32, #tpu.memory_space<vmem>>
    %dma_start3A_338 = arith.constant 0 : i32
    %dma_start3A_339 = arith.constant 0 : i32
    %dma_start3A_340 = tpu.memref_slice %arg6[%dma_start3A_338, %dma_start3A_339] : memref<100000x128xf32, #tpu.memory_space<hbm>> -> memref<100000x128xf32, #tpu.memory_space<hbm>>
    tpu.enqueue_indirect_dma source(%dma_start3A_340 : memref<100000x128xf32, #tpu.memory_space<hbm>>) target(%dma_start3A_334 : memref<64x128xf32, #tpu.memory_space<vmem>>) offsets(%dma_start3A_337 : memref<64xi32, #tpu.memory_space<vmem>>) semaphore(%arg20 : memref<!tpu.dma_semaphore, #tpu.memory_space<semaphore_mem>>) {add = true}
    %dma_start3A_341 = arith.constant 12 : i32
    %dma_start3A_342 = arith.constant 64 : i32
    %dma_start3A_343 = arith.constant 0 : i32
    %dma_start3A_344 = tpu.memref_slice %arg14[%dma_start3A_342, %dma_start3A_343] : memref<128x128xf32, #tpu.memory_space<vmem>> -> memref<64x128xf32, #tpu.memory_space<vmem>>
    %dma_start3A_345 = arith.constant 64 : i32
    %dma_start3A_346 = tpu.memref_slice %arg11[%dma_start3A_341, %dma_start3A_345] : memref<20x128xi32, #tpu.memory_space<vmem>> -> memref<1x64xi32, #tpu.memory_space<vmem>>
    %dma_start3A_347 = tpu.memref_squeeze %dma_start3A_346 : memref<1x64xi32, #tpu.memory_space<vmem>> -> memref<64xi32, #tpu.memory_space<vmem>>
    %dma_start3A_348 = arith.constant 0 : i32
    %dma_start3A_349 = arith.constant 0 : i32
    %dma_start3A_350 = tpu.memref_slice %arg6[%dma_start3A_348, %dma_start3A_349] : memref<100000x128xf32, #tpu.memory_space<hbm>> -> memref<100000x128xf32, #tpu.memory_space<hbm>>
    tpu.enqueue_indirect_dma source(%dma_start3A_350 : memref<100000x128xf32, #tpu.memory_space<hbm>>) target(%dma_start3A_344 : memref<64x128xf32, #tpu.memory_space<vmem>>) offsets(%dma_start3A_347 : memref<64xi32, #tpu.memory_space<vmem>>) semaphore(%arg20 : memref<!tpu.dma_semaphore, #tpu.memory_space<semaphore_mem>>) {add = true}
    %dma_start3A_351 = arith.constant 13 : i32
    %dma_start3A_352 = arith.constant 64 : i32
    %dma_start3A_353 = arith.constant 0 : i32
    %dma_start3A_354 = tpu.memref_slice %arg14[%dma_start3A_352, %dma_start3A_353] : memref<128x128xf32, #tpu.memory_space<vmem>> -> memref<64x128xf32, #tpu.memory_space<vmem>>
    %dma_start3A_355 = arith.constant 64 : i32
    %dma_start3A_356 = tpu.memref_slice %arg11[%dma_start3A_351, %dma_start3A_355] : memref<20x128xi32, #tpu.memory_space<vmem>> -> memref<1x64xi32, #tpu.memory_space<vmem>>
    %dma_start3A_357 = tpu.memref_squeeze %dma_start3A_356 : memref<1x64xi32, #tpu.memory_space<vmem>> -> memref<64xi32, #tpu.memory_space<vmem>>
    %dma_start3A_358 = arith.constant 0 : i32
    %dma_start3A_359 = arith.constant 0 : i32
    %dma_start3A_360 = tpu.memref_slice %arg6[%dma_start3A_358, %dma_start3A_359] : memref<100000x128xf32, #tpu.memory_space<hbm>> -> memref<100000x128xf32, #tpu.memory_space<hbm>>
    tpu.enqueue_indirect_dma source(%dma_start3A_360 : memref<100000x128xf32, #tpu.memory_space<hbm>>) target(%dma_start3A_354 : memref<64x128xf32, #tpu.memory_space<vmem>>) offsets(%dma_start3A_357 : memref<64xi32, #tpu.memory_space<vmem>>) semaphore(%arg20 : memref<!tpu.dma_semaphore, #tpu.memory_space<semaphore_mem>>) {add = true}
    %dma_start3A_361 = arith.constant 14 : i32
    %dma_start3A_362 = arith.constant 64 : i32
    %dma_start3A_363 = arith.constant 0 : i32
    %dma_start3A_364 = tpu.memref_slice %arg14[%dma_start3A_362, %dma_start3A_363] : memref<128x128xf32, #tpu.memory_space<vmem>> -> memref<64x128xf32, #tpu.memory_space<vmem>>
    %dma_start3A_365 = arith.constant 64 : i32
    %dma_start3A_366 = tpu.memref_slice %arg11[%dma_start3A_361, %dma_start3A_365] : memref<20x128xi32, #tpu.memory_space<vmem>> -> memref<1x64xi32, #tpu.memory_space<vmem>>
    %dma_start3A_367 = tpu.memref_squeeze %dma_start3A_366 : memref<1x64xi32, #tpu.memory_space<vmem>> -> memref<64xi32, #tpu.memory_space<vmem>>
    %dma_start3A_368 = arith.constant 0 : i32
    %dma_start3A_369 = arith.constant 0 : i32
    %dma_start3A_370 = tpu.memref_slice %arg6[%dma_start3A_368, %dma_start3A_369] : memref<100000x128xf32, #tpu.memory_space<hbm>> -> memref<100000x128xf32, #tpu.memory_space<hbm>>
    tpu.enqueue_indirect_dma source(%dma_start3A_370 : memref<100000x128xf32, #tpu.memory_space<hbm>>) target(%dma_start3A_364 : memref<64x128xf32, #tpu.memory_space<vmem>>) offsets(%dma_start3A_367 : memref<64xi32, #tpu.memory_space<vmem>>) semaphore(%arg20 : memref<!tpu.dma_semaphore, #tpu.memory_space<semaphore_mem>>) {add = true}
    %dma_start3A_371 = arith.constant 15 : i32
    %dma_start3A_372 = arith.constant 64 : i32
    %dma_start3A_373 = arith.constant 0 : i32
    %dma_start3A_374 = tpu.memref_slice %arg14[%dma_start3A_372, %dma_start3A_373] : memref<128x128xf32, #tpu.memory_space<vmem>> -> memref<64x128xf32, #tpu.memory_space<vmem>>
    %dma_start3A_375 = arith.constant 64 : i32
    %dma_start3A_376 = tpu.memref_slice %arg11[%dma_start3A_371, %dma_start3A_375] : memref<20x128xi32, #tpu.memory_space<vmem>> -> memref<1x64xi32, #tpu.memory_space<vmem>>
    %dma_start3A_377 = tpu.memref_squeeze %dma_start3A_376 : memref<1x64xi32, #tpu.memory_space<vmem>> -> memref<64xi32, #tpu.memory_space<vmem>>
    %dma_start3A_378 = arith.constant 0 : i32
    %dma_start3A_379 = arith.constant 0 : i32
    %dma_start3A_380 = tpu.memref_slice %arg6[%dma_start3A_378, %dma_start3A_379] : memref<100000x128xf32, #tpu.memory_space<hbm>> -> memref<100000x128xf32, #tpu.memory_space<hbm>>
    tpu.enqueue_indirect_dma source(%dma_start3A_380 : memref<100000x128xf32, #tpu.memory_space<hbm>>) target(%dma_start3A_374 : memref<64x128xf32, #tpu.memory_space<vmem>>) offsets(%dma_start3A_377 : memref<64xi32, #tpu.memory_space<vmem>>) semaphore(%arg20 : memref<!tpu.dma_semaphore, #tpu.memory_space<semaphore_mem>>) {add = true}
    %dma_start3A_381 = arith.constant 16 : i32
    %dma_start3A_382 = arith.constant 64 : i32
    %dma_start3A_383 = arith.constant 0 : i32
    %dma_start3A_384 = tpu.memref_slice %arg14[%dma_start3A_382, %dma_start3A_383] : memref<128x128xf32, #tpu.memory_space<vmem>> -> memref<64x128xf32, #tpu.memory_space<vmem>>
    %dma_start3A_385 = arith.constant 64 : i32
    %dma_start3A_386 = tpu.memref_slice %arg11[%dma_start3A_381, %dma_start3A_385] : memref<20x128xi32, #tpu.memory_space<vmem>> -> memref<1x64xi32, #tpu.memory_space<vmem>>
    %dma_start3A_387 = tpu.memref_squeeze %dma_start3A_386 : memref<1x64xi32, #tpu.memory_space<vmem>> -> memref<64xi32, #tpu.memory_space<vmem>>
    %dma_start3A_388 = arith.constant 0 : i32
    %dma_start3A_389 = arith.constant 0 : i32
    %dma_start3A_390 = tpu.memref_slice %arg6[%dma_start3A_388, %dma_start3A_389] : memref<100000x128xf32, #tpu.memory_space<hbm>> -> memref<100000x128xf32, #tpu.memory_space<hbm>>
    tpu.enqueue_indirect_dma source(%dma_start3A_390 : memref<100000x128xf32, #tpu.memory_space<hbm>>) target(%dma_start3A_384 : memref<64x128xf32, #tpu.memory_space<vmem>>) offsets(%dma_start3A_387 : memref<64xi32, #tpu.memory_space<vmem>>) semaphore(%arg20 : memref<!tpu.dma_semaphore, #tpu.memory_space<semaphore_mem>>) {add = true}
    %dma_start3A_391 = arith.constant 17 : i32
    %dma_start3A_392 = arith.constant 64 : i32
    %dma_start3A_393 = arith.constant 0 : i32
    %dma_start3A_394 = tpu.memref_slice %arg14[%dma_start3A_392, %dma_start3A_393] : memref<128x128xf32, #tpu.memory_space<vmem>> -> memref<64x128xf32, #tpu.memory_space<vmem>>
    %dma_start3A_395 = arith.constant 64 : i32
    %dma_start3A_396 = tpu.memref_slice %arg11[%dma_start3A_391, %dma_start3A_395] : memref<20x128xi32, #tpu.memory_space<vmem>> -> memref<1x64xi32, #tpu.memory_space<vmem>>
    %dma_start3A_397 = tpu.memref_squeeze %dma_start3A_396 : memref<1x64xi32, #tpu.memory_space<vmem>> -> memref<64xi32, #tpu.memory_space<vmem>>
    %dma_start3A_398 = arith.constant 0 : i32
    %dma_start3A_399 = arith.constant 0 : i32
    %dma_start3A_400 = tpu.memref_slice %arg6[%dma_start3A_398, %dma_start3A_399] : memref<100000x128xf32, #tpu.memory_space<hbm>> -> memref<100000x128xf32, #tpu.memory_space<hbm>>
    tpu.enqueue_indirect_dma source(%dma_start3A_400 : memref<100000x128xf32, #tpu.memory_space<hbm>>) target(%dma_start3A_394 : memref<64x128xf32, #tpu.memory_space<vmem>>) offsets(%dma_start3A_397 : memref<64xi32, #tpu.memory_space<vmem>>) semaphore(%arg20 : memref<!tpu.dma_semaphore, #tpu.memory_space<semaphore_mem>>) {add = true}
    %dma_start3A_401 = arith.constant 18 : i32
    %dma_start3A_402 = arith.constant 64 : i32
    %dma_start3A_403 = arith.constant 0 : i32
    %dma_start3A_404 = tpu.memref_slice %arg14[%dma_start3A_402, %dma_start3A_403] : memref<128x128xf32, #tpu.memory_space<vmem>> -> memref<64x128xf32, #tpu.memory_space<vmem>>
    %dma_start3A_405 = arith.constant 64 : i32
    %dma_start3A_406 = tpu.memref_slice %arg11[%dma_start3A_401, %dma_start3A_405] : memref<20x128xi32, #tpu.memory_space<vmem>> -> memref<1x64xi32, #tpu.memory_space<vmem>>
    %dma_start3A_407 = tpu.memref_squeeze %dma_start3A_406 : memref<1x64xi32, #tpu.memory_space<vmem>> -> memref<64xi32, #tpu.memory_space<vmem>>
    %dma_start3A_408 = arith.constant 0 : i32
    %dma_start3A_409 = arith.constant 0 : i32
    %dma_start3A_410 = tpu.memref_slice %arg6[%dma_start3A_408, %dma_start3A_409] : memref<100000x128xf32, #tpu.memory_space<hbm>> -> memref<100000x128xf32, #tpu.memory_space<hbm>>
    tpu.enqueue_indirect_dma source(%dma_start3A_410 : memref<100000x128xf32, #tpu.memory_space<hbm>>) target(%dma_start3A_404 : memref<64x128xf32, #tpu.memory_space<vmem>>) offsets(%dma_start3A_407 : memref<64xi32, #tpu.memory_space<vmem>>) semaphore(%arg20 : memref<!tpu.dma_semaphore, #tpu.memory_space<semaphore_mem>>) {add = true}
    %dma_start3A_411 = arith.constant 19 : i32
    %dma_start3A_412 = arith.constant 64 : i32
    %dma_start3A_413 = arith.constant 0 : i32
    %dma_start3A_414 = tpu.memref_slice %arg14[%dma_start3A_412, %dma_start3A_413] : memref<128x128xf32, #tpu.memory_space<vmem>> -> memref<64x128xf32, #tpu.memory_space<vmem>>
    %dma_start3A_415 = arith.constant 64 : i32
    %dma_start3A_416 = tpu.memref_slice %arg11[%dma_start3A_411, %dma_start3A_415] : memref<20x128xi32, #tpu.memory_space<vmem>> -> memref<1x64xi32, #tpu.memory_space<vmem>>
    %dma_start3A_417 = tpu.memref_squeeze %dma_start3A_416 : memref<1x64xi32, #tpu.memory_space<vmem>> -> memref<64xi32, #tpu.memory_space<vmem>>
    %dma_start3A_418 = arith.constant 0 : i32
    %dma_start3A_419 = arith.constant 0 : i32
    %dma_start3A_420 = tpu.memref_slice %arg6[%dma_start3A_418, %dma_start3A_419] : memref<100000x128xf32, #tpu.memory_space<hbm>> -> memref<100000x128xf32, #tpu.memory_space<hbm>>
    tpu.enqueue_indirect_dma source(%dma_start3A_420 : memref<100000x128xf32, #tpu.memory_space<hbm>>) target(%dma_start3A_414 : memref<64x128xf32, #tpu.memory_space<vmem>>) offsets(%dma_start3A_417 : memref<64xi32, #tpu.memory_space<vmem>>) semaphore(%arg20 : memref<!tpu.dma_semaphore, #tpu.memory_space<semaphore_mem>>) {add = true}
    %dma_wait3A_421 = arith.constant 0 : i32
    %dma_wait3A_422 = arith.constant 0 : i32
    %dma_wait3A_423 = tpu.memref_slice %arg5[%dma_wait3A_421, %dma_wait3A_422] : memref<100000x128xf32, #tpu.memory_space<hbm>> -> memref<100000x128xf32, #tpu.memory_space<hbm>>
    tpu.wait_indirect_dma semaphore(%arg17 : memref<!tpu.dma_semaphore, #tpu.memory_space<semaphore_mem>>) src(%dma_wait3A_423 : memref<100000x128xf32, #tpu.memory_space<hbm>>) dst(%arg12 : memref<128x128xf32, #tpu.memory_space<vmem>>)
    %dma_wait3A_424 = arith.constant 0 : i32
    %dma_wait3A_425 = arith.constant 0 : i32
    %dma_wait3A_426 = tpu.memref_slice %arg6[%dma_wait3A_424, %dma_wait3A_425] : memref<100000x128xf32, #tpu.memory_space<hbm>> -> memref<100000x128xf32, #tpu.memory_space<hbm>>
    tpu.wait_indirect_dma semaphore(%arg18 : memref<!tpu.dma_semaphore, #tpu.memory_space<semaphore_mem>>) src(%dma_wait3A_426 : memref<100000x128xf32, #tpu.memory_space<hbm>>) dst(%arg13 : memref<128x128xf32, #tpu.memory_space<vmem>>)
    %scan3A_427 = arith.constant 0 : i32
    %scan3A_428 = arith.constant 0 : i32
    %scan3A_429 = arith.constant 64 : i32
    %scan3A_430 = arith.addi %scan3A_428, %scan3A_429 : i32
    %scan3A_431 = arith.constant 1 : i32
    scf.for %scan3A_849 = %scan3A_428 to %scan3A_430 step %scan3A_431  : i32 {
      %mul3A_850 = arith.constant 2 : i32
      %mul3A_851 = arith.muli %mul3A_850, %scan3A_849 : i32
      %add3A_852 = arith.constant 0 : i32
      %add3A_853 = arith.addi %mul3A_851, %add3A_852 : i32
      %get3A = arith.index_cast %add3A_853 : i32 to index
      %get3A_854 = arith.constant 0 : index
      %get3A_855 = tpu.vector_load %arg12[%get3A, %get3A_854] {strides = array<i32>} : memref<128x128xf32, #tpu.memory_space<vmem>>, vector<1x16xf32>,
      %get3A_856 = vector.shape_cast %get3A_855 : vector<1x16xf32> to vector<16xf32>
      %get3A_857 = arith.index_cast %add3A_853 : i32 to index
      %get3A_858 = arith.constant 0 : index
      %get3A_859 = tpu.vector_load %arg13[%get3A_857, %get3A_858] {strides = array<i32>} : memref<128x128xf32, #tpu.memory_space<vmem>>, vector<1x16xf32>,
      %get3A_860 = vector.shape_cast %get3A_859 : vector<1x16xf32> to vector<16xf32>
      %mul3A_861 = arith.mulf %get3A_856, %get3A_860 : vector<16xf32>
      %get3A_862 = arith.index_cast %add3A_853 : i32 to index
      %get3A_863 = arith.constant 16 : index
      %get3A_864 = tpu.vector_load %arg12[%get3A_862, %get3A_863] {strides = array<i32>} : memref<128x128xf32, #tpu.memory_space<vmem>>, vector<1x16xf32>,
      %get3A_865 = vector.shape_cast %get3A_864 : vector<1x16xf32> to vector<16xf32>
      %get3A_866 = arith.index_cast %add3A_853 : i32 to index
      %get3A_867 = arith.constant 16 : index
      %get3A_868 = tpu.vector_load %arg13[%get3A_866, %get3A_867] {strides = array<i32>} : memref<128x128xf32, #tpu.memory_space<vmem>>, vector<1x16xf32>,
      %get3A_869 = vector.shape_cast %get3A_868 : vector<1x16xf32> to vector<16xf32>
      %mul3A_870 = arith.mulf %get3A_865, %get3A_869 : vector<16xf32>
      %add3A_871 = arith.addf %mul3A_861, %mul3A_870 : vector<16xf32>
      %get3A_872 = arith.index_cast %add3A_853 : i32 to index
      %get3A_873 = arith.constant 32 : index
      %get3A_874 = tpu.vector_load %arg12[%get3A_872, %get3A_873] {strides = array<i32>} : memref<128x128xf32, #tpu.memory_space<vmem>>, vector<1x16xf32>,
      %get3A_875 = vector.shape_cast %get3A_874 : vector<1x16xf32> to vector<16xf32>
      %get3A_876 = arith.index_cast %add3A_853 : i32 to index
      %get3A_877 = arith.constant 32 : index
      %get3A_878 = tpu.vector_load %arg13[%get3A_876, %get3A_877] {strides = array<i32>} : memref<128x128xf32, #tpu.memory_space<vmem>>, vector<1x16xf32>,
      %get3A_879 = vector.shape_cast %get3A_878 : vector<1x16xf32> to vector<16xf32>
      %mul3A_880 = arith.mulf %get3A_875, %get3A_879 : vector<16xf32>
      %add3A_881 = arith.addf %add3A_871, %mul3A_880 : vector<16xf32>
      %get3A_882 = arith.index_cast %add3A_853 : i32 to index
      %get3A_883 = arith.constant 48 : index
      %get3A_884 = tpu.vector_load %arg12[%get3A_882, %get3A_883] {strides = array<i32>} : memref<128x128xf32, #tpu.memory_space<vmem>>, vector<1x16xf32>,
      %get3A_885 = vector.shape_cast %get3A_884 : vector<1x16xf32> to vector<16xf32>
      %get3A_886 = arith.index_cast %add3A_853 : i32 to index
      %get3A_887 = arith.constant 48 : index
      %get3A_888 = tpu.vector_load %arg13[%get3A_886, %get3A_887] {strides = array<i32>} : memref<128x128xf32, #tpu.memory_space<vmem>>, vector<1x16xf32>,
      %get3A_889 = vector.shape_cast %get3A_888 : vector<1x16xf32> to vector<16xf32>
      %mul3A_890 = arith.mulf %get3A_885, %get3A_889 : vector<16xf32>
      %add3A_891 = arith.addf %add3A_881, %mul3A_890 : vector<16xf32>
      %get3A_892 = arith.index_cast %add3A_853 : i32 to index
      %get3A_893 = arith.constant 64 : index
      %get3A_894 = tpu.vector_load %arg12[%get3A_892, %get3A_893] {strides = array<i32>} : memref<128x128xf32, #tpu.memory_space<vmem>>, vector<1x16xf32>,
      %get3A_895 = vector.shape_cast %get3A_894 : vector<1x16xf32> to vector<16xf32>
      %get3A_896 = arith.index_cast %add3A_853 : i32 to index
      %get3A_897 = arith.constant 64 : index
      %get3A_898 = tpu.vector_load %arg13[%get3A_896, %get3A_897] {strides = array<i32>} : memref<128x128xf32, #tpu.memory_space<vmem>>, vector<1x16xf32>,
      %get3A_899 = vector.shape_cast %get3A_898 : vector<1x16xf32> to vector<16xf32>
      %mul3A_900 = arith.mulf %get3A_895, %get3A_899 : vector<16xf32>
      %add3A_901 = arith.addf %add3A_891, %mul3A_900 : vector<16xf32>
      %get3A_902 = arith.index_cast %add3A_853 : i32 to index
      %get3A_903 = arith.constant 80 : index
      %get3A_904 = tpu.vector_load %arg12[%get3A_902, %get3A_903] {strides = array<i32>} : memref<128x128xf32, #tpu.memory_space<vmem>>, vector<1x16xf32>,
      %get3A_905 = vector.shape_cast %get3A_904 : vector<1x16xf32> to vector<16xf32>
      %get3A_906 = arith.index_cast %add3A_853 : i32 to index
      %get3A_907 = arith.constant 80 : index
      %get3A_908 = tpu.vector_load %arg13[%get3A_906, %get3A_907] {strides = array<i32>} : memref<128x128xf32, #tpu.memory_space<vmem>>, vector<1x16xf32>,
      %get3A_909 = vector.shape_cast %get3A_908 : vector<1x16xf32> to vector<16xf32>
      %mul3A_910 = arith.mulf %get3A_905, %get3A_909 : vector<16xf32>
      %add3A_911 = arith.addf %add3A_901, %mul3A_910 : vector<16xf32>
      %get3A_912 = arith.index_cast %add3A_853 : i32 to index
      %get3A_913 = arith.constant 96 : index
      %get3A_914 = tpu.vector_load %arg12[%get3A_912, %get3A_913] {strides = array<i32>} : memref<128x128xf32, #tpu.memory_space<vmem>>, vector<1x16xf32>,
      %get3A_915 = vector.shape_cast %get3A_914 : vector<1x16xf32> to vector<16xf32>
      %get3A_916 = arith.index_cast %add3A_853 : i32 to index
      %get3A_917 = arith.constant 96 : index
      %get3A_918 = tpu.vector_load %arg13[%get3A_916, %get3A_917] {strides = array<i32>} : memref<128x128xf32, #tpu.memory_space<vmem>>, vector<1x16xf32>,
      %get3A_919 = vector.shape_cast %get3A_918 : vector<1x16xf32> to vector<16xf32>
      %mul3A_920 = arith.mulf %get3A_915, %get3A_919 : vector<16xf32>
      %add3A_921 = arith.addf %add3A_911, %mul3A_920 : vector<16xf32>
      %get3A_922 = arith.index_cast %add3A_853 : i32 to index
      %get3A_923 = arith.constant 112 : index
      %get3A_924 = tpu.vector_load %arg12[%get3A_922, %get3A_923] {strides = array<i32>} : memref<128x128xf32, #tpu.memory_space<vmem>>, vector<1x16xf32>,
      %get3A_925 = vector.shape_cast %get3A_924 : vector<1x16xf32> to vector<16xf32>
      %get3A_926 = arith.index_cast %add3A_853 : i32 to index
      %get3A_927 = arith.constant 112 : index
      %get3A_928 = tpu.vector_load %arg13[%get3A_926, %get3A_927] {strides = array<i32>} : memref<128x128xf32, #tpu.memory_space<vmem>>, vector<1x16xf32>,
      %get3A_929 = vector.shape_cast %get3A_928 : vector<1x16xf32> to vector<16xf32>
      %mul3A_930 = arith.mulf %get3A_925, %get3A_929 : vector<16xf32>
      %add3A_931 = arith.addf %add3A_921, %mul3A_930 : vector<16xf32>
      %shift_right_arithmetic3A = arith.constant 3 : i32
      %shift_right_arithmetic3A_932 = arith.shrsi %add3A_853, %shift_right_arithmetic3A : i32
      %and3A = arith.constant 7 : i32
      %and3A_933 = arith.andi %add3A_853, %and3A : i32
      %mul3A_934 = arith.constant 16 : i32
      %mul3A_935 = arith.muli %and3A_933, %mul3A_934 : i32
      %swap3A = arith.index_cast %shift_right_arithmetic3A_932 : i32 to index
      %swap3A_936 = arith.index_cast %mul3A_935 : i32 to index
      %swap3A_937 = tpu.vector_load %arg15[%swap3A, %swap3A_936] {strides = array<i32>} : memref<16x128xf32, #tpu.memory_space<vmem>>, vector<1x16xf32>,
      %swap3A_938 = vector.shape_cast %swap3A_937 : vector<1x16xf32> to vector<16xf32>
      %swap3A_939 = vector.shape_cast %add3A_931 : vector<16xf32> to vector<1x16xf32>
      tpu.vector_store %arg15[%swap3A, %swap3A_936], %swap3A_939 {strides = array<i32>} : memref<16x128xf32, #tpu.memory_space<vmem>>, vector<1x16xf32>,
      %mul3A_940 = arith.constant 2 : i32
      %mul3A_941 = arith.muli %mul3A_940, %scan3A_849 : i32
      %add3A_942 = arith.constant 1 : i32
      %add3A_943 = arith.addi %mul3A_941, %add3A_942 : i32
      %get3A_944 = arith.index_cast %add3A_943 : i32 to index
      %get3A_945 = arith.constant 0 : index
      %get3A_946 = tpu.vector_load %arg12[%get3A_944, %get3A_945] {strides = array<i32>} : memref<128x128xf32, #tpu.memory_space<vmem>>, vector<1x16xf32>,
      %get3A_947 = vector.shape_cast %get3A_946 : vector<1x16xf32> to vector<16xf32>
      %get3A_948 = arith.index_cast %add3A_943 : i32 to index
      %get3A_949 = arith.constant 0 : index
      %get3A_950 = tpu.vector_load %arg13[%get3A_948, %get3A_949] {strides = array<i32>} : memref<128x128xf32, #tpu.memory_space<vmem>>, vector<1x16xf32>,
      %get3A_951 = vector.shape_cast %get3A_950 : vector<1x16xf32> to vector<16xf32>
      %mul3A_952 = arith.mulf %get3A_947, %get3A_951 : vector<16xf32>
      %get3A_953 = arith.index_cast %add3A_943 : i32 to index
      %get3A_954 = arith.constant 16 : index
      %get3A_955 = tpu.vector_load %arg12[%get3A_953, %get3A_954] {strides = array<i32>} : memref<128x128xf32, #tpu.memory_space<vmem>>, vector<1x16xf32>,
      %get3A_956 = vector.shape_cast %get3A_955 : vector<1x16xf32> to vector<16xf32>
      %get3A_957 = arith.index_cast %add3A_943 : i32 to index
      %get3A_958 = arith.constant 16 : index
      %get3A_959 = tpu.vector_load %arg13[%get3A_957, %get3A_958] {strides = array<i32>} : memref<128x128xf32, #tpu.memory_space<vmem>>, vector<1x16xf32>,
      %get3A_960 = vector.shape_cast %get3A_959 : vector<1x16xf32> to vector<16xf32>
      %mul3A_961 = arith.mulf %get3A_956, %get3A_960 : vector<16xf32>
      %add3A_962 = arith.addf %mul3A_952, %mul3A_961 : vector<16xf32>
      %get3A_963 = arith.index_cast %add3A_943 : i32 to index
      %get3A_964 = arith.constant 32 : index
      %get3A_965 = tpu.vector_load %arg12[%get3A_963, %get3A_964] {strides = array<i32>} : memref<128x128xf32, #tpu.memory_space<vmem>>, vector<1x16xf32>,
      %get3A_966 = vector.shape_cast %get3A_965 : vector<1x16xf32> to vector<16xf32>
      %get3A_967 = arith.index_cast %add3A_943 : i32 to index
      %get3A_968 = arith.constant 32 : index
      %get3A_969 = tpu.vector_load %arg13[%get3A_967, %get3A_968] {strides = array<i32>} : memref<128x128xf32, #tpu.memory_space<vmem>>, vector<1x16xf32>,
      %get3A_970 = vector.shape_cast %get3A_969 : vector<1x16xf32> to vector<16xf32>
      %mul3A_971 = arith.mulf %get3A_966, %get3A_970 : vector<16xf32>
      %add3A_972 = arith.addf %add3A_962, %mul3A_971 : vector<16xf32>
      %get3A_973 = arith.index_cast %add3A_943 : i32 to index
      %get3A_974 = arith.constant 48 : index
      %get3A_975 = tpu.vector_load %arg12[%get3A_973, %get3A_974] {strides = array<i32>} : memref<128x128xf32, #tpu.memory_space<vmem>>, vector<1x16xf32>,
      %get3A_976 = vector.shape_cast %get3A_975 : vector<1x16xf32> to vector<16xf32>
      %get3A_977 = arith.index_cast %add3A_943 : i32 to index
      %get3A_978 = arith.constant 48 : index
      %get3A_979 = tpu.vector_load %arg13[%get3A_977, %get3A_978] {strides = array<i32>} : memref<128x128xf32, #tpu.memory_space<vmem>>, vector<1x16xf32>,
      %get3A_980 = vector.shape_cast %get3A_979 : vector<1x16xf32> to vector<16xf32>
      %mul3A_981 = arith.mulf %get3A_976, %get3A_980 : vector<16xf32>
      %add3A_982 = arith.addf %add3A_972, %mul3A_981 : vector<16xf32>
      %get3A_983 = arith.index_cast %add3A_943 : i32 to index
      %get3A_984 = arith.constant 64 : index
      %get3A_985 = tpu.vector_load %arg12[%get3A_983, %get3A_984] {strides = array<i32>} : memref<128x128xf32, #tpu.memory_space<vmem>>, vector<1x16xf32>,
      %get3A_986 = vector.shape_cast %get3A_985 : vector<1x16xf32> to vector<16xf32>
      %get3A_987 = arith.index_cast %add3A_943 : i32 to index
      %get3A_988 = arith.constant 64 : index
      %get3A_989 = tpu.vector_load %arg13[%get3A_987, %get3A_988] {strides = array<i32>} : memref<128x128xf32, #tpu.memory_space<vmem>>, vector<1x16xf32>,
      %get3A_990 = vector.shape_cast %get3A_989 : vector<1x16xf32> to vector<16xf32>
      %mul3A_991 = arith.mulf %get3A_986, %get3A_990 : vector<16xf32>
      %add3A_992 = arith.addf %add3A_982, %mul3A_991 : vector<16xf32>
      %get3A_993 = arith.index_cast %add3A_943 : i32 to index
      %get3A_994 = arith.constant 80 : index
      %get3A_995 = tpu.vector_load %arg12[%get3A_993, %get3A_994] {strides = array<i32>} : memref<128x128xf32, #tpu.memory_space<vmem>>, vector<1x16xf32>,
      %get3A_996 = vector.shape_cast %get3A_995 : vector<1x16xf32> to vector<16xf32>
      %get3A_997 = arith.index_cast %add3A_943 : i32 to index
      %get3A_998 = arith.constant 80 : index
      %get3A_999 = tpu.vector_load %arg13[%get3A_997, %get3A_998] {strides = array<i32>} : memref<128x128xf32, #tpu.memory_space<vmem>>, vector<1x16xf32>,
      %get3A_1000 = vector.shape_cast %get3A_999 : vector<1x16xf32> to vector<16xf32>
      %mul3A_1001 = arith.mulf %get3A_996, %get3A_1000 : vector<16xf32>
      %add3A_1002 = arith.addf %add3A_992, %mul3A_1001 : vector<16xf32>
      %get3A_1003 = arith.index_cast %add3A_943 : i32 to index
      %get3A_1004 = arith.constant 96 : index
      %get3A_1005 = tpu.vector_load %arg12[%get3A_1003, %get3A_1004] {strides = array<i32>} : memref<128x128xf32, #tpu.memory_space<vmem>>, vector<1x16xf32>,
      %get3A_1006 = vector.shape_cast %get3A_1005 : vector<1x16xf32> to vector<16xf32>
      %get3A_1007 = arith.index_cast %add3A_943 : i32 to index
      %get3A_1008 = arith.constant 96 : index
      %get3A_1009 = tpu.vector_load %arg13[%get3A_1007, %get3A_1008] {strides = array<i32>} : memref<128x128xf32, #tpu.memory_space<vmem>>, vector<1x16xf32>,
      %get3A_1010 = vector.shape_cast %get3A_1009 : vector<1x16xf32> to vector<16xf32>
      %mul3A_1011 = arith.mulf %get3A_1006, %get3A_1010 : vector<16xf32>
      %add3A_1012 = arith.addf %add3A_1002, %mul3A_1011 : vector<16xf32>
      %get3A_1013 = arith.index_cast %add3A_943 : i32 to index
      %get3A_1014 = arith.constant 112 : index
      %get3A_1015 = tpu.vector_load %arg12[%get3A_1013, %get3A_1014] {strides = array<i32>} : memref<128x128xf32, #tpu.memory_space<vmem>>, vector<1x16xf32>,
      %get3A_1016 = vector.shape_cast %get3A_1015 : vector<1x16xf32> to vector<16xf32>
      %get3A_1017 = arith.index_cast %add3A_943 : i32 to index
      %get3A_1018 = arith.constant 112 : index
      %get3A_1019 = tpu.vector_load %arg13[%get3A_1017, %get3A_1018] {strides = array<i32>} : memref<128x128xf32, #tpu.memory_space<vmem>>, vector<1x16xf32>,
      %get3A_1020 = vector.shape_cast %get3A_1019 : vector<1x16xf32> to vector<16xf32>
      %mul3A_1021 = arith.mulf %get3A_1016, %get3A_1020 : vector<16xf32>
      %add3A_1022 = arith.addf %add3A_1012, %mul3A_1021 : vector<16xf32>
      %shift_right_arithmetic3A_1023 = arith.constant 3 : i32
      %shift_right_arithmetic3A_1024 = arith.shrsi %add3A_943, %shift_right_arithmetic3A_1023 : i32
      %and3A_1025 = arith.constant 7 : i32
      %and3A_1026 = arith.andi %add3A_943, %and3A_1025 : i32
      %mul3A_1027 = arith.constant 16 : i32
      %mul3A_1028 = arith.muli %and3A_1026, %mul3A_1027 : i32
      %swap3A_1029 = arith.index_cast %shift_right_arithmetic3A_1024 : i32 to index
      %swap3A_1030 = arith.index_cast %mul3A_1028 : i32 to index
      %swap3A_1031 = tpu.vector_load %arg15[%swap3A_1029, %swap3A_1030] {strides = array<i32>} : memref<16x128xf32, #tpu.memory_space<vmem>>, vector<1x16xf32>,
      %swap3A_1032 = vector.shape_cast %swap3A_1031 : vector<1x16xf32> to vector<16xf32>
      %swap3A_1033 = vector.shape_cast %add3A_1022 : vector<16xf32> to vector<1x16xf32>
      tpu.vector_store %arg15[%swap3A_1029, %swap3A_1030], %swap3A_1033 {strides = array<i32>} : memref<16x128xf32, #tpu.memory_space<vmem>>, vector<1x16xf32>,
    }
    %scan3A_432 = arith.constant 64 : i32
    %dma_wait3A_433 = arith.constant 0 : i32
    %dma_wait3A_434 = arith.constant 0 : i32
    %dma_wait3A_435 = arith.constant 0 : i32
    %dma_wait3A_436 = tpu.memref_slice %arg14[%dma_wait3A_434, %dma_wait3A_435] : memref<128x128xf32, #tpu.memory_space<vmem>> -> memref<64x128xf32, #tpu.memory_space<vmem>>
    %dma_wait3A_437 = arith.constant 0 : i32
    %dma_wait3A_438 = tpu.memref_slice %arg11[%dma_wait3A_433, %dma_wait3A_437] : memref<20x128xi32, #tpu.memory_space<vmem>> -> memref<1x64xi32, #tpu.memory_space<vmem>>
    %dma_wait3A_439 = tpu.memref_squeeze %dma_wait3A_438 : memref<1x64xi32, #tpu.memory_space<vmem>> -> memref<64xi32, #tpu.memory_space<vmem>>
    %dma_wait3A_440 = arith.constant 0 : i32
    %dma_wait3A_441 = arith.constant 0 : i32
    %dma_wait3A_442 = tpu.memref_slice %arg6[%dma_wait3A_440, %dma_wait3A_441] : memref<100000x128xf32, #tpu.memory_space<hbm>> -> memref<100000x128xf32, #tpu.memory_space<hbm>>
    tpu.wait_indirect_dma semaphore(%arg19 : memref<!tpu.dma_semaphore, #tpu.memory_space<semaphore_mem>>) src(%dma_wait3A_442 : memref<100000x128xf32, #tpu.memory_space<hbm>>) dst(%dma_wait3A_436 : memref<64x128xf32, #tpu.memory_space<vmem>>)
    %dma_wait3A_443 = arith.constant 1 : i32
    %dma_wait3A_444 = arith.constant 0 : i32
    %dma_wait3A_445 = arith.constant 0 : i32
    %dma_wait3A_446 = tpu.memref_slice %arg14[%dma_wait3A_444, %dma_wait3A_445] : memref<128x128xf32, #tpu.memory_space<vmem>> -> memref<64x128xf32, #tpu.memory_space<vmem>>
    %dma_wait3A_447 = arith.constant 0 : i32
    %dma_wait3A_448 = tpu.memref_slice %arg11[%dma_wait3A_443, %dma_wait3A_447] : memref<20x128xi32, #tpu.memory_space<vmem>> -> memref<1x64xi32, #tpu.memory_space<vmem>>
    %dma_wait3A_449 = tpu.memref_squeeze %dma_wait3A_448 : memref<1x64xi32, #tpu.memory_space<vmem>> -> memref<64xi32, #tpu.memory_space<vmem>>
    %dma_wait3A_450 = arith.constant 0 : i32
    %dma_wait3A_451 = arith.constant 0 : i32
    %dma_wait3A_452 = tpu.memref_slice %arg6[%dma_wait3A_450, %dma_wait3A_451] : memref<100000x128xf32, #tpu.memory_space<hbm>> -> memref<100000x128xf32, #tpu.memory_space<hbm>>
    tpu.wait_indirect_dma semaphore(%arg19 : memref<!tpu.dma_semaphore, #tpu.memory_space<semaphore_mem>>) src(%dma_wait3A_452 : memref<100000x128xf32, #tpu.memory_space<hbm>>) dst(%dma_wait3A_446 : memref<64x128xf32, #tpu.memory_space<vmem>>)
    %dma_wait3A_453 = arith.constant 2 : i32
    %dma_wait3A_454 = arith.constant 0 : i32
    %dma_wait3A_455 = arith.constant 0 : i32
    %dma_wait3A_456 = tpu.memref_slice %arg14[%dma_wait3A_454, %dma_wait3A_455] : memref<128x128xf32, #tpu.memory_space<vmem>> -> memref<64x128xf32, #tpu.memory_space<vmem>>
    %dma_wait3A_457 = arith.constant 0 : i32
    %dma_wait3A_458 = tpu.memref_slice %arg11[%dma_wait3A_453, %dma_wait3A_457] : memref<20x128xi32, #tpu.memory_space<vmem>> -> memref<1x64xi32, #tpu.memory_space<vmem>>
    %dma_wait3A_459 = tpu.memref_squeeze %dma_wait3A_458 : memref<1x64xi32, #tpu.memory_space<vmem>> -> memref<64xi32, #tpu.memory_space<vmem>>
    %dma_wait3A_460 = arith.constant 0 : i32
    %dma_wait3A_461 = arith.constant 0 : i32
    %dma_wait3A_462 = tpu.memref_slice %arg6[%dma_wait3A_460, %dma_wait3A_461] : memref<100000x128xf32, #tpu.memory_space<hbm>> -> memref<100000x128xf32, #tpu.memory_space<hbm>>
    tpu.wait_indirect_dma semaphore(%arg19 : memref<!tpu.dma_semaphore, #tpu.memory_space<semaphore_mem>>) src(%dma_wait3A_462 : memref<100000x128xf32, #tpu.memory_space<hbm>>) dst(%dma_wait3A_456 : memref<64x128xf32, #tpu.memory_space<vmem>>)
    %dma_wait3A_463 = arith.constant 3 : i32
    %dma_wait3A_464 = arith.constant 0 : i32
    %dma_wait3A_465 = arith.constant 0 : i32
    %dma_wait3A_466 = tpu.memref_slice %arg14[%dma_wait3A_464, %dma_wait3A_465] : memref<128x128xf32, #tpu.memory_space<vmem>> -> memref<64x128xf32, #tpu.memory_space<vmem>>
    %dma_wait3A_467 = arith.constant 0 : i32
    %dma_wait3A_468 = tpu.memref_slice %arg11[%dma_wait3A_463, %dma_wait3A_467] : memref<20x128xi32, #tpu.memory_space<vmem>> -> memref<1x64xi32, #tpu.memory_space<vmem>>
    %dma_wait3A_469 = tpu.memref_squeeze %dma_wait3A_468 : memref<1x64xi32, #tpu.memory_space<vmem>> -> memref<64xi32, #tpu.memory_space<vmem>>
    %dma_wait3A_470 = arith.constant 0 : i32
    %dma_wait3A_471 = arith.constant 0 : i32
    %dma_wait3A_472 = tpu.memref_slice %arg6[%dma_wait3A_470, %dma_wait3A_471] : memref<100000x128xf32, #tpu.memory_space<hbm>> -> memref<100000x128xf32, #tpu.memory_space<hbm>>
    tpu.wait_indirect_dma semaphore(%arg19 : memref<!tpu.dma_semaphore, #tpu.memory_space<semaphore_mem>>) src(%dma_wait3A_472 : memref<100000x128xf32, #tpu.memory_space<hbm>>) dst(%dma_wait3A_466 : memref<64x128xf32, #tpu.memory_space<vmem>>)
    %dma_wait3A_473 = arith.constant 4 : i32
    %dma_wait3A_474 = arith.constant 0 : i32
    %dma_wait3A_475 = arith.constant 0 : i32
    %dma_wait3A_476 = tpu.memref_slice %arg14[%dma_wait3A_474, %dma_wait3A_475] : memref<128x128xf32, #tpu.memory_space<vmem>> -> memref<64x128xf32, #tpu.memory_space<vmem>>
    %dma_wait3A_477 = arith.constant 0 : i32
    %dma_wait3A_478 = tpu.memref_slice %arg11[%dma_wait3A_473, %dma_wait3A_477] : memref<20x128xi32, #tpu.memory_space<vmem>> -> memref<1x64xi32, #tpu.memory_space<vmem>>
    %dma_wait3A_479 = tpu.memref_squeeze %dma_wait3A_478 : memref<1x64xi32, #tpu.memory_space<vmem>> -> memref<64xi32, #tpu.memory_space<vmem>>
    %dma_wait3A_480 = arith.constant 0 : i32
    %dma_wait3A_481 = arith.constant 0 : i32
    %dma_wait3A_482 = tpu.memref_slice %arg6[%dma_wait3A_480, %dma_wait3A_481] : memref<100000x128xf32, #tpu.memory_space<hbm>> -> memref<100000x128xf32, #tpu.memory_space<hbm>>
    tpu.wait_indirect_dma semaphore(%arg19 : memref<!tpu.dma_semaphore, #tpu.memory_space<semaphore_mem>>) src(%dma_wait3A_482 : memref<100000x128xf32, #tpu.memory_space<hbm>>) dst(%dma_wait3A_476 : memref<64x128xf32, #tpu.memory_space<vmem>>)
    %dma_wait3A_483 = arith.constant 5 : i32
    %dma_wait3A_484 = arith.constant 0 : i32
    %dma_wait3A_485 = arith.constant 0 : i32
    %dma_wait3A_486 = tpu.memref_slice %arg14[%dma_wait3A_484, %dma_wait3A_485] : memref<128x128xf32, #tpu.memory_space<vmem>> -> memref<64x128xf32, #tpu.memory_space<vmem>>
    %dma_wait3A_487 = arith.constant 0 : i32
    %dma_wait3A_488 = tpu.memref_slice %arg11[%dma_wait3A_483, %dma_wait3A_487] : memref<20x128xi32, #tpu.memory_space<vmem>> -> memref<1x64xi32, #tpu.memory_space<vmem>>
    %dma_wait3A_489 = tpu.memref_squeeze %dma_wait3A_488 : memref<1x64xi32, #tpu.memory_space<vmem>> -> memref<64xi32, #tpu.memory_space<vmem>>
    %dma_wait3A_490 = arith.constant 0 : i32
    %dma_wait3A_491 = arith.constant 0 : i32
    %dma_wait3A_492 = tpu.memref_slice %arg6[%dma_wait3A_490, %dma_wait3A_491] : memref<100000x128xf32, #tpu.memory_space<hbm>> -> memref<100000x128xf32, #tpu.memory_space<hbm>>
    tpu.wait_indirect_dma semaphore(%arg19 : memref<!tpu.dma_semaphore, #tpu.memory_space<semaphore_mem>>) src(%dma_wait3A_492 : memref<100000x128xf32, #tpu.memory_space<hbm>>) dst(%dma_wait3A_486 : memref<64x128xf32, #tpu.memory_space<vmem>>)
    %dma_wait3A_493 = arith.constant 6 : i32
    %dma_wait3A_494 = arith.constant 0 : i32
    %dma_wait3A_495 = arith.constant 0 : i32
    %dma_wait3A_496 = tpu.memref_slice %arg14[%dma_wait3A_494, %dma_wait3A_495] : memref<128x128xf32, #tpu.memory_space<vmem>> -> memref<64x128xf32, #tpu.memory_space<vmem>>
    %dma_wait3A_497 = arith.constant 0 : i32
    %dma_wait3A_498 = tpu.memref_slice %arg11[%dma_wait3A_493, %dma_wait3A_497] : memref<20x128xi32, #tpu.memory_space<vmem>> -> memref<1x64xi32, #tpu.memory_space<vmem>>
    %dma_wait3A_499 = tpu.memref_squeeze %dma_wait3A_498 : memref<1x64xi32, #tpu.memory_space<vmem>> -> memref<64xi32, #tpu.memory_space<vmem>>
    %dma_wait3A_500 = arith.constant 0 : i32
    %dma_wait3A_501 = arith.constant 0 : i32
    %dma_wait3A_502 = tpu.memref_slice %arg6[%dma_wait3A_500, %dma_wait3A_501] : memref<100000x128xf32, #tpu.memory_space<hbm>> -> memref<100000x128xf32, #tpu.memory_space<hbm>>
    tpu.wait_indirect_dma semaphore(%arg19 : memref<!tpu.dma_semaphore, #tpu.memory_space<semaphore_mem>>) src(%dma_wait3A_502 : memref<100000x128xf32, #tpu.memory_space<hbm>>) dst(%dma_wait3A_496 : memref<64x128xf32, #tpu.memory_space<vmem>>)
    %dma_wait3A_503 = arith.constant 7 : i32
    %dma_wait3A_504 = arith.constant 0 : i32
    %dma_wait3A_505 = arith.constant 0 : i32
    %dma_wait3A_506 = tpu.memref_slice %arg14[%dma_wait3A_504, %dma_wait3A_505] : memref<128x128xf32, #tpu.memory_space<vmem>> -> memref<64x128xf32, #tpu.memory_space<vmem>>
    %dma_wait3A_507 = arith.constant 0 : i32
    %dma_wait3A_508 = tpu.memref_slice %arg11[%dma_wait3A_503, %dma_wait3A_507] : memref<20x128xi32, #tpu.memory_space<vmem>> -> memref<1x64xi32, #tpu.memory_space<vmem>>
    %dma_wait3A_509 = tpu.memref_squeeze %dma_wait3A_508 : memref<1x64xi32, #tpu.memory_space<vmem>> -> memref<64xi32, #tpu.memory_space<vmem>>
    %dma_wait3A_510 = arith.constant 0 : i32
    %dma_wait3A_511 = arith.constant 0 : i32
    %dma_wait3A_512 = tpu.memref_slice %arg6[%dma_wait3A_510, %dma_wait3A_511] : memref<100000x128xf32, #tpu.memory_space<hbm>> -> memref<100000x128xf32, #tpu.memory_space<hbm>>
    tpu.wait_indirect_dma semaphore(%arg19 : memref<!tpu.dma_semaphore, #tpu.memory_space<semaphore_mem>>) src(%dma_wait3A_512 : memref<100000x128xf32, #tpu.memory_space<hbm>>) dst(%dma_wait3A_506 : memref<64x128xf32, #tpu.memory_space<vmem>>)
    %dma_wait3A_513 = arith.constant 8 : i32
    %dma_wait3A_514 = arith.constant 0 : i32
    %dma_wait3A_515 = arith.constant 0 : i32
    %dma_wait3A_516 = tpu.memref_slice %arg14[%dma_wait3A_514, %dma_wait3A_515] : memref<128x128xf32, #tpu.memory_space<vmem>> -> memref<64x128xf32, #tpu.memory_space<vmem>>
    %dma_wait3A_517 = arith.constant 0 : i32
    %dma_wait3A_518 = tpu.memref_slice %arg11[%dma_wait3A_513, %dma_wait3A_517] : memref<20x128xi32, #tpu.memory_space<vmem>> -> memref<1x64xi32, #tpu.memory_space<vmem>>
    %dma_wait3A_519 = tpu.memref_squeeze %dma_wait3A_518 : memref<1x64xi32, #tpu.memory_space<vmem>> -> memref<64xi32, #tpu.memory_space<vmem>>
    %dma_wait3A_520 = arith.constant 0 : i32
    %dma_wait3A_521 = arith.constant 0 : i32
    %dma_wait3A_522 = tpu.memref_slice %arg6[%dma_wait3A_520, %dma_wait3A_521] : memref<100000x128xf32, #tpu.memory_space<hbm>> -> memref<100000x128xf32, #tpu.memory_space<hbm>>
    tpu.wait_indirect_dma semaphore(%arg19 : memref<!tpu.dma_semaphore, #tpu.memory_space<semaphore_mem>>) src(%dma_wait3A_522 : memref<100000x128xf32, #tpu.memory_space<hbm>>) dst(%dma_wait3A_516 : memref<64x128xf32, #tpu.memory_space<vmem>>)
    %dma_wait3A_523 = arith.constant 9 : i32
    %dma_wait3A_524 = arith.constant 0 : i32
    %dma_wait3A_525 = arith.constant 0 : i32
    %dma_wait3A_526 = tpu.memref_slice %arg14[%dma_wait3A_524, %dma_wait3A_525] : memref<128x128xf32, #tpu.memory_space<vmem>> -> memref<64x128xf32, #tpu.memory_space<vmem>>
    %dma_wait3A_527 = arith.constant 0 : i32
    %dma_wait3A_528 = tpu.memref_slice %arg11[%dma_wait3A_523, %dma_wait3A_527] : memref<20x128xi32, #tpu.memory_space<vmem>> -> memref<1x64xi32, #tpu.memory_space<vmem>>
    %dma_wait3A_529 = tpu.memref_squeeze %dma_wait3A_528 : memref<1x64xi32, #tpu.memory_space<vmem>> -> memref<64xi32, #tpu.memory_space<vmem>>
    %dma_wait3A_530 = arith.constant 0 : i32
    %dma_wait3A_531 = arith.constant 0 : i32
    %dma_wait3A_532 = tpu.memref_slice %arg6[%dma_wait3A_530, %dma_wait3A_531] : memref<100000x128xf32, #tpu.memory_space<hbm>> -> memref<100000x128xf32, #tpu.memory_space<hbm>>
    tpu.wait_indirect_dma semaphore(%arg19 : memref<!tpu.dma_semaphore, #tpu.memory_space<semaphore_mem>>) src(%dma_wait3A_532 : memref<100000x128xf32, #tpu.memory_space<hbm>>) dst(%dma_wait3A_526 : memref<64x128xf32, #tpu.memory_space<vmem>>)
    %dma_wait3A_533 = arith.constant 10 : i32
    %dma_wait3A_534 = arith.constant 0 : i32
    %dma_wait3A_535 = arith.constant 0 : i32
    %dma_wait3A_536 = tpu.memref_slice %arg14[%dma_wait3A_534, %dma_wait3A_535] : memref<128x128xf32, #tpu.memory_space<vmem>> -> memref<64x128xf32, #tpu.memory_space<vmem>>
    %dma_wait3A_537 = arith.constant 0 : i32
    %dma_wait3A_538 = tpu.memref_slice %arg11[%dma_wait3A_533, %dma_wait3A_537] : memref<20x128xi32, #tpu.memory_space<vmem>> -> memref<1x64xi32, #tpu.memory_space<vmem>>
    %dma_wait3A_539 = tpu.memref_squeeze %dma_wait3A_538 : memref<1x64xi32, #tpu.memory_space<vmem>> -> memref<64xi32, #tpu.memory_space<vmem>>
    %dma_wait3A_540 = arith.constant 0 : i32
    %dma_wait3A_541 = arith.constant 0 : i32
    %dma_wait3A_542 = tpu.memref_slice %arg6[%dma_wait3A_540, %dma_wait3A_541] : memref<100000x128xf32, #tpu.memory_space<hbm>> -> memref<100000x128xf32, #tpu.memory_space<hbm>>
    tpu.wait_indirect_dma semaphore(%arg19 : memref<!tpu.dma_semaphore, #tpu.memory_space<semaphore_mem>>) src(%dma_wait3A_542 : memref<100000x128xf32, #tpu.memory_space<hbm>>) dst(%dma_wait3A_536 : memref<64x128xf32, #tpu.memory_space<vmem>>)
    %dma_wait3A_543 = arith.constant 11 : i32
    %dma_wait3A_544 = arith.constant 0 : i32
    %dma_wait3A_545 = arith.constant 0 : i32
    %dma_wait3A_546 = tpu.memref_slice %arg14[%dma_wait3A_544, %dma_wait3A_545] : memref<128x128xf32, #tpu.memory_space<vmem>> -> memref<64x128xf32, #tpu.memory_space<vmem>>
    %dma_wait3A_547 = arith.constant 0 : i32
    %dma_wait3A_548 = tpu.memref_slice %arg11[%dma_wait3A_543, %dma_wait3A_547] : memref<20x128xi32, #tpu.memory_space<vmem>> -> memref<1x64xi32, #tpu.memory_space<vmem>>
    %dma_wait3A_549 = tpu.memref_squeeze %dma_wait3A_548 : memref<1x64xi32, #tpu.memory_space<vmem>> -> memref<64xi32, #tpu.memory_space<vmem>>
    %dma_wait3A_550 = arith.constant 0 : i32
    %dma_wait3A_551 = arith.constant 0 : i32
    %dma_wait3A_552 = tpu.memref_slice %arg6[%dma_wait3A_550, %dma_wait3A_551] : memref<100000x128xf32, #tpu.memory_space<hbm>> -> memref<100000x128xf32, #tpu.memory_space<hbm>>
    tpu.wait_indirect_dma semaphore(%arg19 : memref<!tpu.dma_semaphore, #tpu.memory_space<semaphore_mem>>) src(%dma_wait3A_552 : memref<100000x128xf32, #tpu.memory_space<hbm>>) dst(%dma_wait3A_546 : memref<64x128xf32, #tpu.memory_space<vmem>>)
    %dma_wait3A_553 = arith.constant 12 : i32
    %dma_wait3A_554 = arith.constant 0 : i32
    %dma_wait3A_555 = arith.constant 0 : i32
    %dma_wait3A_556 = tpu.memref_slice %arg14[%dma_wait3A_554, %dma_wait3A_555] : memref<128x128xf32, #tpu.memory_space<vmem>> -> memref<64x128xf32, #tpu.memory_space<vmem>>
    %dma_wait3A_557 = arith.constant 0 : i32
    %dma_wait3A_558 = tpu.memref_slice %arg11[%dma_wait3A_553, %dma_wait3A_557] : memref<20x128xi32, #tpu.memory_space<vmem>> -> memref<1x64xi32, #tpu.memory_space<vmem>>
    %dma_wait3A_559 = tpu.memref_squeeze %dma_wait3A_558 : memref<1x64xi32, #tpu.memory_space<vmem>> -> memref<64xi32, #tpu.memory_space<vmem>>
    %dma_wait3A_560 = arith.constant 0 : i32
    %dma_wait3A_561 = arith.constant 0 : i32
    %dma_wait3A_562 = tpu.memref_slice %arg6[%dma_wait3A_560, %dma_wait3A_561] : memref<100000x128xf32, #tpu.memory_space<hbm>> -> memref<100000x128xf32, #tpu.memory_space<hbm>>
    tpu.wait_indirect_dma semaphore(%arg19 : memref<!tpu.dma_semaphore, #tpu.memory_space<semaphore_mem>>) src(%dma_wait3A_562 : memref<100000x128xf32, #tpu.memory_space<hbm>>) dst(%dma_wait3A_556 : memref<64x128xf32, #tpu.memory_space<vmem>>)
    %dma_wait3A_563 = arith.constant 13 : i32
    %dma_wait3A_564 = arith.constant 0 : i32
    %dma_wait3A_565 = arith.constant 0 : i32
    %dma_wait3A_566 = tpu.memref_slice %arg14[%dma_wait3A_564, %dma_wait3A_565] : memref<128x128xf32, #tpu.memory_space<vmem>> -> memref<64x128xf32, #tpu.memory_space<vmem>>
    %dma_wait3A_567 = arith.constant 0 : i32
    %dma_wait3A_568 = tpu.memref_slice %arg11[%dma_wait3A_563, %dma_wait3A_567] : memref<20x128xi32, #tpu.memory_space<vmem>> -> memref<1x64xi32, #tpu.memory_space<vmem>>
    %dma_wait3A_569 = tpu.memref_squeeze %dma_wait3A_568 : memref<1x64xi32, #tpu.memory_space<vmem>> -> memref<64xi32, #tpu.memory_space<vmem>>
    %dma_wait3A_570 = arith.constant 0 : i32
    %dma_wait3A_571 = arith.constant 0 : i32
    %dma_wait3A_572 = tpu.memref_slice %arg6[%dma_wait3A_570, %dma_wait3A_571] : memref<100000x128xf32, #tpu.memory_space<hbm>> -> memref<100000x128xf32, #tpu.memory_space<hbm>>
    tpu.wait_indirect_dma semaphore(%arg19 : memref<!tpu.dma_semaphore, #tpu.memory_space<semaphore_mem>>) src(%dma_wait3A_572 : memref<100000x128xf32, #tpu.memory_space<hbm>>) dst(%dma_wait3A_566 : memref<64x128xf32, #tpu.memory_space<vmem>>)
    %dma_wait3A_573 = arith.constant 14 : i32
    %dma_wait3A_574 = arith.constant 0 : i32
    %dma_wait3A_575 = arith.constant 0 : i32
    %dma_wait3A_576 = tpu.memref_slice %arg14[%dma_wait3A_574, %dma_wait3A_575] : memref<128x128xf32, #tpu.memory_space<vmem>> -> memref<64x128xf32, #tpu.memory_space<vmem>>
    %dma_wait3A_577 = arith.constant 0 : i32
    %dma_wait3A_578 = tpu.memref_slice %arg11[%dma_wait3A_573, %dma_wait3A_577] : memref<20x128xi32, #tpu.memory_space<vmem>> -> memref<1x64xi32, #tpu.memory_space<vmem>>
    %dma_wait3A_579 = tpu.memref_squeeze %dma_wait3A_578 : memref<1x64xi32, #tpu.memory_space<vmem>> -> memref<64xi32, #tpu.memory_space<vmem>>
    %dma_wait3A_580 = arith.constant 0 : i32
    %dma_wait3A_581 = arith.constant 0 : i32
    %dma_wait3A_582 = tpu.memref_slice %arg6[%dma_wait3A_580, %dma_wait3A_581] : memref<100000x128xf32, #tpu.memory_space<hbm>> -> memref<100000x128xf32, #tpu.memory_space<hbm>>
    tpu.wait_indirect_dma semaphore(%arg19 : memref<!tpu.dma_semaphore, #tpu.memory_space<semaphore_mem>>) src(%dma_wait3A_582 : memref<100000x128xf32, #tpu.memory_space<hbm>>) dst(%dma_wait3A_576 : memref<64x128xf32, #tpu.memory_space<vmem>>)
    %dma_wait3A_583 = arith.constant 15 : i32
    %dma_wait3A_584 = arith.constant 0 : i32
    %dma_wait3A_585 = arith.constant 0 : i32
    %dma_wait3A_586 = tpu.memref_slice %arg14[%dma_wait3A_584, %dma_wait3A_585] : memref<128x128xf32, #tpu.memory_space<vmem>> -> memref<64x128xf32, #tpu.memory_space<vmem>>
    %dma_wait3A_587 = arith.constant 0 : i32
    %dma_wait3A_588 = tpu.memref_slice %arg11[%dma_wait3A_583, %dma_wait3A_587] : memref<20x128xi32, #tpu.memory_space<vmem>> -> memref<1x64xi32, #tpu.memory_space<vmem>>
    %dma_wait3A_589 = tpu.memref_squeeze %dma_wait3A_588 : memref<1x64xi32, #tpu.memory_space<vmem>> -> memref<64xi32, #tpu.memory_space<vmem>>
    %dma_wait3A_590 = arith.constant 0 : i32
    %dma_wait3A_591 = arith.constant 0 : i32
    %dma_wait3A_592 = tpu.memref_slice %arg6[%dma_wait3A_590, %dma_wait3A_591] : memref<100000x128xf32, #tpu.memory_space<hbm>> -> memref<100000x128xf32, #tpu.memory_space<hbm>>
    tpu.wait_indirect_dma semaphore(%arg19 : memref<!tpu.dma_semaphore, #tpu.memory_space<semaphore_mem>>) src(%dma_wait3A_592 : memref<100000x128xf32, #tpu.memory_space<hbm>>) dst(%dma_wait3A_586 : memref<64x128xf32, #tpu.memory_space<vmem>>)
    %dma_wait3A_593 = arith.constant 16 : i32
    %dma_wait3A_594 = arith.constant 0 : i32
    %dma_wait3A_595 = arith.constant 0 : i32
    %dma_wait3A_596 = tpu.memref_slice %arg14[%dma_wait3A_594, %dma_wait3A_595] : memref<128x128xf32, #tpu.memory_space<vmem>> -> memref<64x128xf32, #tpu.memory_space<vmem>>
    %dma_wait3A_597 = arith.constant 0 : i32
    %dma_wait3A_598 = tpu.memref_slice %arg11[%dma_wait3A_593, %dma_wait3A_597] : memref<20x128xi32, #tpu.memory_space<vmem>> -> memref<1x64xi32, #tpu.memory_space<vmem>>
    %dma_wait3A_599 = tpu.memref_squeeze %dma_wait3A_598 : memref<1x64xi32, #tpu.memory_space<vmem>> -> memref<64xi32, #tpu.memory_space<vmem>>
    %dma_wait3A_600 = arith.constant 0 : i32
    %dma_wait3A_601 = arith.constant 0 : i32
    %dma_wait3A_602 = tpu.memref_slice %arg6[%dma_wait3A_600, %dma_wait3A_601] : memref<100000x128xf32, #tpu.memory_space<hbm>> -> memref<100000x128xf32, #tpu.memory_space<hbm>>
    tpu.wait_indirect_dma semaphore(%arg19 : memref<!tpu.dma_semaphore, #tpu.memory_space<semaphore_mem>>) src(%dma_wait3A_602 : memref<100000x128xf32, #tpu.memory_space<hbm>>) dst(%dma_wait3A_596 : memref<64x128xf32, #tpu.memory_space<vmem>>)
    %dma_wait3A_603 = arith.constant 17 : i32
    %dma_wait3A_604 = arith.constant 0 : i32
    %dma_wait3A_605 = arith.constant 0 : i32
    %dma_wait3A_606 = tpu.memref_slice %arg14[%dma_wait3A_604, %dma_wait3A_605] : memref<128x128xf32, #tpu.memory_space<vmem>> -> memref<64x128xf32, #tpu.memory_space<vmem>>
    %dma_wait3A_607 = arith.constant 0 : i32
    %dma_wait3A_608 = tpu.memref_slice %arg11[%dma_wait3A_603, %dma_wait3A_607] : memref<20x128xi32, #tpu.memory_space<vmem>> -> memref<1x64xi32, #tpu.memory_space<vmem>>
    %dma_wait3A_609 = tpu.memref_squeeze %dma_wait3A_608 : memref<1x64xi32, #tpu.memory_space<vmem>> -> memref<64xi32, #tpu.memory_space<vmem>>
    %dma_wait3A_610 = arith.constant 0 : i32
    %dma_wait3A_611 = arith.constant 0 : i32
    %dma_wait3A_612 = tpu.memref_slice %arg6[%dma_wait3A_610, %dma_wait3A_611] : memref<100000x128xf32, #tpu.memory_space<hbm>> -> memref<100000x128xf32, #tpu.memory_space<hbm>>
    tpu.wait_indirect_dma semaphore(%arg19 : memref<!tpu.dma_semaphore, #tpu.memory_space<semaphore_mem>>) src(%dma_wait3A_612 : memref<100000x128xf32, #tpu.memory_space<hbm>>) dst(%dma_wait3A_606 : memref<64x128xf32, #tpu.memory_space<vmem>>)
    %dma_wait3A_613 = arith.constant 18 : i32
    %dma_wait3A_614 = arith.constant 0 : i32
    %dma_wait3A_615 = arith.constant 0 : i32
    %dma_wait3A_616 = tpu.memref_slice %arg14[%dma_wait3A_614, %dma_wait3A_615] : memref<128x128xf32, #tpu.memory_space<vmem>> -> memref<64x128xf32, #tpu.memory_space<vmem>>
    %dma_wait3A_617 = arith.constant 0 : i32
    %dma_wait3A_618 = tpu.memref_slice %arg11[%dma_wait3A_613, %dma_wait3A_617] : memref<20x128xi32, #tpu.memory_space<vmem>> -> memref<1x64xi32, #tpu.memory_space<vmem>>
    %dma_wait3A_619 = tpu.memref_squeeze %dma_wait3A_618 : memref<1x64xi32, #tpu.memory_space<vmem>> -> memref<64xi32, #tpu.memory_space<vmem>>
    %dma_wait3A_620 = arith.constant 0 : i32
    %dma_wait3A_621 = arith.constant 0 : i32
    %dma_wait3A_622 = tpu.memref_slice %arg6[%dma_wait3A_620, %dma_wait3A_621] : memref<100000x128xf32, #tpu.memory_space<hbm>> -> memref<100000x128xf32, #tpu.memory_space<hbm>>
    tpu.wait_indirect_dma semaphore(%arg19 : memref<!tpu.dma_semaphore, #tpu.memory_space<semaphore_mem>>) src(%dma_wait3A_622 : memref<100000x128xf32, #tpu.memory_space<hbm>>) dst(%dma_wait3A_616 : memref<64x128xf32, #tpu.memory_space<vmem>>)
    %dma_wait3A_623 = arith.constant 19 : i32
    %dma_wait3A_624 = arith.constant 0 : i32
    %dma_wait3A_625 = arith.constant 0 : i32
    %dma_wait3A_626 = tpu.memref_slice %arg14[%dma_wait3A_624, %dma_wait3A_625] : memref<128x128xf32, #tpu.memory_space<vmem>> -> memref<64x128xf32, #tpu.memory_space<vmem>>
    %dma_wait3A_627 = arith.constant 0 : i32
    %dma_wait3A_628 = tpu.memref_slice %arg11[%dma_wait3A_623, %dma_wait3A_627] : memref<20x128xi32, #tpu.memory_space<vmem>> -> memref<1x64xi32, #tpu.memory_space<vmem>>
    %dma_wait3A_629 = tpu.memref_squeeze %dma_wait3A_628 : memref<1x64xi32, #tpu.memory_space<vmem>> -> memref<64xi32, #tpu.memory_space<vmem>>
    %dma_wait3A_630 = arith.constant 0 : i32
    %dma_wait3A_631 = arith.constant 0 : i32
    %dma_wait3A_632 = tpu.memref_slice %arg6[%dma_wait3A_630, %dma_wait3A_631] : memref<100000x128xf32, #tpu.memory_space<hbm>> -> memref<100000x128xf32, #tpu.memory_space<hbm>>
    tpu.wait_indirect_dma semaphore(%arg19 : memref<!tpu.dma_semaphore, #tpu.memory_space<semaphore_mem>>) src(%dma_wait3A_632 : memref<100000x128xf32, #tpu.memory_space<hbm>>) dst(%dma_wait3A_626 : memref<64x128xf32, #tpu.memory_space<vmem>>)
    %scan3A_633 = arith.constant 0 : i32
    %scan3A_634 = arith.constant 0 : i32
    %scan3A_635 = arith.constant 32 : i32
    %scan3A_636 = arith.addi %scan3A_634, %scan3A_635 : i32
    %scan3A_637 = arith.constant 1 : i32
    scf.for %scan3A_849 = %scan3A_634 to %scan3A_636 step %scan3A_637  : i32 {
      %mul3A_850 = arith.constant 2 : i32
      %mul3A_851 = arith.muli %mul3A_850, %scan3A_849 : i32
      %add3A_852 = arith.constant 0 : i32
      %add3A_853 = arith.addi %mul3A_851, %add3A_852 : i32
      %get3A = arith.index_cast %add3A_853 : i32 to index
      %get3A_854 = arith.constant 0 : index
      %get3A_855 = tpu.vector_load %arg12[%get3A, %get3A_854] {strides = array<i32>} : memref<128x128xf32, #tpu.memory_space<vmem>>, vector<1x16xf32>,
      %get3A_856 = vector.shape_cast %get3A_855 : vector<1x16xf32> to vector<16xf32>
      %get3A_857 = arith.index_cast %add3A_853 : i32 to index
      %get3A_858 = arith.constant 0 : index
      %get3A_859 = tpu.vector_load %arg14[%get3A_857, %get3A_858] {strides = array<i32>} : memref<128x128xf32, #tpu.memory_space<vmem>>, vector<1x16xf32>,
      %get3A_860 = vector.shape_cast %get3A_859 : vector<1x16xf32> to vector<16xf32>
      %mul3A_861 = arith.mulf %get3A_856, %get3A_860 : vector<16xf32>
      %get3A_862 = arith.index_cast %add3A_853 : i32 to index
      %get3A_863 = arith.constant 16 : index
      %get3A_864 = tpu.vector_load %arg12[%get3A_862, %get3A_863] {strides = array<i32>} : memref<128x128xf32, #tpu.memory_space<vmem>>, vector<1x16xf32>,
      %get3A_865 = vector.shape_cast %get3A_864 : vector<1x16xf32> to vector<16xf32>
      %get3A_866 = arith.index_cast %add3A_853 : i32 to index
      %get3A_867 = arith.constant 16 : index
      %get3A_868 = tpu.vector_load %arg14[%get3A_866, %get3A_867] {strides = array<i32>} : memref<128x128xf32, #tpu.memory_space<vmem>>, vector<1x16xf32>,
      %get3A_869 = vector.shape_cast %get3A_868 : vector<1x16xf32> to vector<16xf32>
      %mul3A_870 = arith.mulf %get3A_865, %get3A_869 : vector<16xf32>
      %add3A_871 = arith.addf %mul3A_861, %mul3A_870 : vector<16xf32>
      %get3A_872 = arith.index_cast %add3A_853 : i32 to index
      %get3A_873 = arith.constant 32 : index
      %get3A_874 = tpu.vector_load %arg12[%get3A_872, %get3A_873] {strides = array<i32>} : memref<128x128xf32, #tpu.memory_space<vmem>>, vector<1x16xf32>,
      %get3A_875 = vector.shape_cast %get3A_874 : vector<1x16xf32> to vector<16xf32>
      %get3A_876 = arith.index_cast %add3A_853 : i32 to index
      %get3A_877 = arith.constant 32 : index
      %get3A_878 = tpu.vector_load %arg14[%get3A_876, %get3A_877] {strides = array<i32>} : memref<128x128xf32, #tpu.memory_space<vmem>>, vector<1x16xf32>,
      %get3A_879 = vector.shape_cast %get3A_878 : vector<1x16xf32> to vector<16xf32>
      %mul3A_880 = arith.mulf %get3A_875, %get3A_879 : vector<16xf32>
      %add3A_881 = arith.addf %add3A_871, %mul3A_880 : vector<16xf32>
      %get3A_882 = arith.index_cast %add3A_853 : i32 to index
      %get3A_883 = arith.constant 48 : index
      %get3A_884 = tpu.vector_load %arg12[%get3A_882, %get3A_883] {strides = array<i32>} : memref<128x128xf32, #tpu.memory_space<vmem>>, vector<1x16xf32>,
      %get3A_885 = vector.shape_cast %get3A_884 : vector<1x16xf32> to vector<16xf32>
      %get3A_886 = arith.index_cast %add3A_853 : i32 to index
      %get3A_887 = arith.constant 48 : index
      %get3A_888 = tpu.vector_load %arg14[%get3A_886, %get3A_887] {strides = array<i32>} : memref<128x128xf32, #tpu.memory_space<vmem>>, vector<1x16xf32>,
      %get3A_889 = vector.shape_cast %get3A_888 : vector<1x16xf32> to vector<16xf32>
      %mul3A_890 = arith.mulf %get3A_885, %get3A_889 : vector<16xf32>
      %add3A_891 = arith.addf %add3A_881, %mul3A_890 : vector<16xf32>
      %get3A_892 = arith.index_cast %add3A_853 : i32 to index
      %get3A_893 = arith.constant 64 : index
      %get3A_894 = tpu.vector_load %arg12[%get3A_892, %get3A_893] {strides = array<i32>} : memref<128x128xf32, #tpu.memory_space<vmem>>, vector<1x16xf32>,
      %get3A_895 = vector.shape_cast %get3A_894 : vector<1x16xf32> to vector<16xf32>
      %get3A_896 = arith.index_cast %add3A_853 : i32 to index
      %get3A_897 = arith.constant 64 : index
      %get3A_898 = tpu.vector_load %arg14[%get3A_896, %get3A_897] {strides = array<i32>} : memref<128x128xf32, #tpu.memory_space<vmem>>, vector<1x16xf32>,
      %get3A_899 = vector.shape_cast %get3A_898 : vector<1x16xf32> to vector<16xf32>
      %mul3A_900 = arith.mulf %get3A_895, %get3A_899 : vector<16xf32>
      %add3A_901 = arith.addf %add3A_891, %mul3A_900 : vector<16xf32>
      %get3A_902 = arith.index_cast %add3A_853 : i32 to index
      %get3A_903 = arith.constant 80 : index
      %get3A_904 = tpu.vector_load %arg12[%get3A_902, %get3A_903] {strides = array<i32>} : memref<128x128xf32, #tpu.memory_space<vmem>>, vector<1x16xf32>,
      %get3A_905 = vector.shape_cast %get3A_904 : vector<1x16xf32> to vector<16xf32>
      %get3A_906 = arith.index_cast %add3A_853 : i32 to index
      %get3A_907 = arith.constant 80 : index
      %get3A_908 = tpu.vector_load %arg14[%get3A_906, %get3A_907] {strides = array<i32>} : memref<128x128xf32, #tpu.memory_space<vmem>>, vector<1x16xf32>,
      %get3A_909 = vector.shape_cast %get3A_908 : vector<1x16xf32> to vector<16xf32>
      %mul3A_910 = arith.mulf %get3A_905, %get3A_909 : vector<16xf32>
      %add3A_911 = arith.addf %add3A_901, %mul3A_910 : vector<16xf32>
      %get3A_912 = arith.index_cast %add3A_853 : i32 to index
      %get3A_913 = arith.constant 96 : index
      %get3A_914 = tpu.vector_load %arg12[%get3A_912, %get3A_913] {strides = array<i32>} : memref<128x128xf32, #tpu.memory_space<vmem>>, vector<1x16xf32>,
      %get3A_915 = vector.shape_cast %get3A_914 : vector<1x16xf32> to vector<16xf32>
      %get3A_916 = arith.index_cast %add3A_853 : i32 to index
      %get3A_917 = arith.constant 96 : index
      %get3A_918 = tpu.vector_load %arg14[%get3A_916, %get3A_917] {strides = array<i32>} : memref<128x128xf32, #tpu.memory_space<vmem>>, vector<1x16xf32>,
      %get3A_919 = vector.shape_cast %get3A_918 : vector<1x16xf32> to vector<16xf32>
      %mul3A_920 = arith.mulf %get3A_915, %get3A_919 : vector<16xf32>
      %add3A_921 = arith.addf %add3A_911, %mul3A_920 : vector<16xf32>
      %get3A_922 = arith.index_cast %add3A_853 : i32 to index
      %get3A_923 = arith.constant 112 : index
      %get3A_924 = tpu.vector_load %arg12[%get3A_922, %get3A_923] {strides = array<i32>} : memref<128x128xf32, #tpu.memory_space<vmem>>, vector<1x16xf32>,
      %get3A_925 = vector.shape_cast %get3A_924 : vector<1x16xf32> to vector<16xf32>
      %get3A_926 = arith.index_cast %add3A_853 : i32 to index
      %get3A_927 = arith.constant 112 : index
      %get3A_928 = tpu.vector_load %arg14[%get3A_926, %get3A_927] {strides = array<i32>} : memref<128x128xf32, #tpu.memory_space<vmem>>, vector<1x16xf32>,
      %get3A_929 = vector.shape_cast %get3A_928 : vector<1x16xf32> to vector<16xf32>
      %mul3A_930 = arith.mulf %get3A_925, %get3A_929 : vector<16xf32>
      %add3A_931 = arith.addf %add3A_921, %mul3A_930 : vector<16xf32>
      %shift_right_arithmetic3A = arith.constant 3 : i32
      %shift_right_arithmetic3A_932 = arith.shrsi %add3A_853, %shift_right_arithmetic3A : i32
      %and3A = arith.constant 7 : i32
      %and3A_933 = arith.andi %add3A_853, %and3A : i32
      %mul3A_934 = arith.constant 16 : i32
      %mul3A_935 = arith.muli %and3A_933, %mul3A_934 : i32
      %swap3A = arith.index_cast %shift_right_arithmetic3A_932 : i32 to index
      %swap3A_936 = arith.index_cast %mul3A_935 : i32 to index
      %swap3A_937 = tpu.vector_load %arg16[%swap3A, %swap3A_936] {strides = array<i32>} : memref<16x128xf32, #tpu.memory_space<vmem>>, vector<1x16xf32>,
      %swap3A_938 = vector.shape_cast %swap3A_937 : vector<1x16xf32> to vector<16xf32>
      %swap3A_939 = vector.shape_cast %add3A_931 : vector<16xf32> to vector<1x16xf32>
      tpu.vector_store %arg16[%swap3A, %swap3A_936], %swap3A_939 {strides = array<i32>} : memref<16x128xf32, #tpu.memory_space<vmem>>, vector<1x16xf32>,
      %mul3A_940 = arith.constant 2 : i32
      %mul3A_941 = arith.muli %mul3A_940, %scan3A_849 : i32
      %add3A_942 = arith.constant 1 : i32
      %add3A_943 = arith.addi %mul3A_941, %add3A_942 : i32
      %get3A_944 = arith.index_cast %add3A_943 : i32 to index
      %get3A_945 = arith.constant 0 : index
      %get3A_946 = tpu.vector_load %arg12[%get3A_944, %get3A_945] {strides = array<i32>} : memref<128x128xf32, #tpu.memory_space<vmem>>, vector<1x16xf32>,
      %get3A_947 = vector.shape_cast %get3A_946 : vector<1x16xf32> to vector<16xf32>
      %get3A_948 = arith.index_cast %add3A_943 : i32 to index
      %get3A_949 = arith.constant 0 : index
      %get3A_950 = tpu.vector_load %arg14[%get3A_948, %get3A_949] {strides = array<i32>} : memref<128x128xf32, #tpu.memory_space<vmem>>, vector<1x16xf32>,
      %get3A_951 = vector.shape_cast %get3A_950 : vector<1x16xf32> to vector<16xf32>
      %mul3A_952 = arith.mulf %get3A_947, %get3A_951 : vector<16xf32>
      %get3A_953 = arith.index_cast %add3A_943 : i32 to index
      %get3A_954 = arith.constant 16 : index
      %get3A_955 = tpu.vector_load %arg12[%get3A_953, %get3A_954] {strides = array<i32>} : memref<128x128xf32, #tpu.memory_space<vmem>>, vector<1x16xf32>,
      %get3A_956 = vector.shape_cast %get3A_955 : vector<1x16xf32> to vector<16xf32>
      %get3A_957 = arith.index_cast %add3A_943 : i32 to index
      %get3A_958 = arith.constant 16 : index
      %get3A_959 = tpu.vector_load %arg14[%get3A_957, %get3A_958] {strides = array<i32>} : memref<128x128xf32, #tpu.memory_space<vmem>>, vector<1x16xf32>,
      %get3A_960 = vector.shape_cast %get3A_959 : vector<1x16xf32> to vector<16xf32>
      %mul3A_961 = arith.mulf %get3A_956, %get3A_960 : vector<16xf32>
      %add3A_962 = arith.addf %mul3A_952, %mul3A_961 : vector<16xf32>
      %get3A_963 = arith.index_cast %add3A_943 : i32 to index
      %get3A_964 = arith.constant 32 : index
      %get3A_965 = tpu.vector_load %arg12[%get3A_963, %get3A_964] {strides = array<i32>} : memref<128x128xf32, #tpu.memory_space<vmem>>, vector<1x16xf32>,
      %get3A_966 = vector.shape_cast %get3A_965 : vector<1x16xf32> to vector<16xf32>
      %get3A_967 = arith.index_cast %add3A_943 : i32 to index
      %get3A_968 = arith.constant 32 : index
      %get3A_969 = tpu.vector_load %arg14[%get3A_967, %get3A_968] {strides = array<i32>} : memref<128x128xf32, #tpu.memory_space<vmem>>, vector<1x16xf32>,
      %get3A_970 = vector.shape_cast %get3A_969 : vector<1x16xf32> to vector<16xf32>
      %mul3A_971 = arith.mulf %get3A_966, %get3A_970 : vector<16xf32>
      %add3A_972 = arith.addf %add3A_962, %mul3A_971 : vector<16xf32>
      %get3A_973 = arith.index_cast %add3A_943 : i32 to index
      %get3A_974 = arith.constant 48 : index
      %get3A_975 = tpu.vector_load %arg12[%get3A_973, %get3A_974] {strides = array<i32>} : memref<128x128xf32, #tpu.memory_space<vmem>>, vector<1x16xf32>,
      %get3A_976 = vector.shape_cast %get3A_975 : vector<1x16xf32> to vector<16xf32>
      %get3A_977 = arith.index_cast %add3A_943 : i32 to index
      %get3A_978 = arith.constant 48 : index
      %get3A_979 = tpu.vector_load %arg14[%get3A_977, %get3A_978] {strides = array<i32>} : memref<128x128xf32, #tpu.memory_space<vmem>>, vector<1x16xf32>,
      %get3A_980 = vector.shape_cast %get3A_979 : vector<1x16xf32> to vector<16xf32>
      %mul3A_981 = arith.mulf %get3A_976, %get3A_980 : vector<16xf32>
      %add3A_982 = arith.addf %add3A_972, %mul3A_981 : vector<16xf32>
      %get3A_983 = arith.index_cast %add3A_943 : i32 to index
      %get3A_984 = arith.constant 64 : index
      %get3A_985 = tpu.vector_load %arg12[%get3A_983, %get3A_984] {strides = array<i32>} : memref<128x128xf32, #tpu.memory_space<vmem>>, vector<1x16xf32>,
      %get3A_986 = vector.shape_cast %get3A_985 : vector<1x16xf32> to vector<16xf32>
      %get3A_987 = arith.index_cast %add3A_943 : i32 to index
      %get3A_988 = arith.constant 64 : index
      %get3A_989 = tpu.vector_load %arg14[%get3A_987, %get3A_988] {strides = array<i32>} : memref<128x128xf32, #tpu.memory_space<vmem>>, vector<1x16xf32>,
      %get3A_990 = vector.shape_cast %get3A_989 : vector<1x16xf32> to vector<16xf32>
      %mul3A_991 = arith.mulf %get3A_986, %get3A_990 : vector<16xf32>
      %add3A_992 = arith.addf %add3A_982, %mul3A_991 : vector<16xf32>
      %get3A_993 = arith.index_cast %add3A_943 : i32 to index
      %get3A_994 = arith.constant 80 : index
      %get3A_995 = tpu.vector_load %arg12[%get3A_993, %get3A_994] {strides = array<i32>} : memref<128x128xf32, #tpu.memory_space<vmem>>, vector<1x16xf32>,
      %get3A_996 = vector.shape_cast %get3A_995 : vector<1x16xf32> to vector<16xf32>
      %get3A_997 = arith.index_cast %add3A_943 : i32 to index
      %get3A_998 = arith.constant 80 : index
      %get3A_999 = tpu.vector_load %arg14[%get3A_997, %get3A_998] {strides = array<i32>} : memref<128x128xf32, #tpu.memory_space<vmem>>, vector<1x16xf32>,
      %get3A_1000 = vector.shape_cast %get3A_999 : vector<1x16xf32> to vector<16xf32>
      %mul3A_1001 = arith.mulf %get3A_996, %get3A_1000 : vector<16xf32>
      %add3A_1002 = arith.addf %add3A_992, %mul3A_1001 : vector<16xf32>
      %get3A_1003 = arith.index_cast %add3A_943 : i32 to index
      %get3A_1004 = arith.constant 96 : index
      %get3A_1005 = tpu.vector_load %arg12[%get3A_1003, %get3A_1004] {strides = array<i32>} : memref<128x128xf32, #tpu.memory_space<vmem>>, vector<1x16xf32>,
      %get3A_1006 = vector.shape_cast %get3A_1005 : vector<1x16xf32> to vector<16xf32>
      %get3A_1007 = arith.index_cast %add3A_943 : i32 to index
      %get3A_1008 = arith.constant 96 : index
      %get3A_1009 = tpu.vector_load %arg14[%get3A_1007, %get3A_1008] {strides = array<i32>} : memref<128x128xf32, #tpu.memory_space<vmem>>, vector<1x16xf32>,
      %get3A_1010 = vector.shape_cast %get3A_1009 : vector<1x16xf32> to vector<16xf32>
      %mul3A_1011 = arith.mulf %get3A_1006, %get3A_1010 : vector<16xf32>
      %add3A_1012 = arith.addf %add3A_1002, %mul3A_1011 : vector<16xf32>
      %get3A_1013 = arith.index_cast %add3A_943 : i32 to index
      %get3A_1014 = arith.constant 112 : index
      %get3A_1015 = tpu.vector_load %arg12[%get3A_1013, %get3A_1014] {strides = array<i32>} : memref<128x128xf32, #tpu.memory_space<vmem>>, vector<1x16xf32>,
      %get3A_1016 = vector.shape_cast %get3A_1015 : vector<1x16xf32> to vector<16xf32>
      %get3A_1017 = arith.index_cast %add3A_943 : i32 to index
      %get3A_1018 = arith.constant 112 : index
      %get3A_1019 = tpu.vector_load %arg14[%get3A_1017, %get3A_1018] {strides = array<i32>} : memref<128x128xf32, #tpu.memory_space<vmem>>, vector<1x16xf32>,
      %get3A_1020 = vector.shape_cast %get3A_1019 : vector<1x16xf32> to vector<16xf32>
      %mul3A_1021 = arith.mulf %get3A_1016, %get3A_1020 : vector<16xf32>
      %add3A_1022 = arith.addf %add3A_1012, %mul3A_1021 : vector<16xf32>
      %shift_right_arithmetic3A_1023 = arith.constant 3 : i32
      %shift_right_arithmetic3A_1024 = arith.shrsi %add3A_943, %shift_right_arithmetic3A_1023 : i32
      %and3A_1025 = arith.constant 7 : i32
      %and3A_1026 = arith.andi %add3A_943, %and3A_1025 : i32
      %mul3A_1027 = arith.constant 16 : i32
      %mul3A_1028 = arith.muli %and3A_1026, %mul3A_1027 : i32
      %swap3A_1029 = arith.index_cast %shift_right_arithmetic3A_1024 : i32 to index
      %swap3A_1030 = arith.index_cast %mul3A_1028 : i32 to index
      %swap3A_1031 = tpu.vector_load %arg16[%swap3A_1029, %swap3A_1030] {strides = array<i32>} : memref<16x128xf32, #tpu.memory_space<vmem>>, vector<1x16xf32>,
      %swap3A_1032 = vector.shape_cast %swap3A_1031 : vector<1x16xf32> to vector<16xf32>
      %swap3A_1033 = vector.shape_cast %add3A_1022 : vector<16xf32> to vector<1x16xf32>
      tpu.vector_store %arg16[%swap3A_1029, %swap3A_1030], %swap3A_1033 {strides = array<i32>} : memref<16x128xf32, #tpu.memory_space<vmem>>, vector<1x16xf32>,
    }
    %scan3A_638 = arith.constant 32 : i32
    %dma_wait3A_639 = arith.constant 0 : i32
    %dma_wait3A_640 = arith.constant 64 : i32
    %dma_wait3A_641 = arith.constant 0 : i32
    %dma_wait3A_642 = tpu.memref_slice %arg14[%dma_wait3A_640, %dma_wait3A_641] : memref<128x128xf32, #tpu.memory_space<vmem>> -> memref<64x128xf32, #tpu.memory_space<vmem>>
    %dma_wait3A_643 = arith.constant 64 : i32
    %dma_wait3A_644 = tpu.memref_slice %arg11[%dma_wait3A_639, %dma_wait3A_643] : memref<20x128xi32, #tpu.memory_space<vmem>> -> memref<1x64xi32, #tpu.memory_space<vmem>>
    %dma_wait3A_645 = tpu.memref_squeeze %dma_wait3A_644 : memref<1x64xi32, #tpu.memory_space<vmem>> -> memref<64xi32, #tpu.memory_space<vmem>>
    %dma_wait3A_646 = arith.constant 0 : i32
    %dma_wait3A_647 = arith.constant 0 : i32
    %dma_wait3A_648 = tpu.memref_slice %arg6[%dma_wait3A_646, %dma_wait3A_647] : memref<100000x128xf32, #tpu.memory_space<hbm>> -> memref<100000x128xf32, #tpu.memory_space<hbm>>
    tpu.wait_indirect_dma semaphore(%arg20 : memref<!tpu.dma_semaphore, #tpu.memory_space<semaphore_mem>>) src(%dma_wait3A_648 : memref<100000x128xf32, #tpu.memory_space<hbm>>) dst(%dma_wait3A_642 : memref<64x128xf32, #tpu.memory_space<vmem>>)
    %dma_wait3A_649 = arith.constant 1 : i32
    %dma_wait3A_650 = arith.constant 64 : i32
    %dma_wait3A_651 = arith.constant 0 : i32
    %dma_wait3A_652 = tpu.memref_slice %arg14[%dma_wait3A_650, %dma_wait3A_651] : memref<128x128xf32, #tpu.memory_space<vmem>> -> memref<64x128xf32, #tpu.memory_space<vmem>>
    %dma_wait3A_653 = arith.constant 64 : i32
    %dma_wait3A_654 = tpu.memref_slice %arg11[%dma_wait3A_649, %dma_wait3A_653] : memref<20x128xi32, #tpu.memory_space<vmem>> -> memref<1x64xi32, #tpu.memory_space<vmem>>
    %dma_wait3A_655 = tpu.memref_squeeze %dma_wait3A_654 : memref<1x64xi32, #tpu.memory_space<vmem>> -> memref<64xi32, #tpu.memory_space<vmem>>
    %dma_wait3A_656 = arith.constant 0 : i32
    %dma_wait3A_657 = arith.constant 0 : i32
    %dma_wait3A_658 = tpu.memref_slice %arg6[%dma_wait3A_656, %dma_wait3A_657] : memref<100000x128xf32, #tpu.memory_space<hbm>> -> memref<100000x128xf32, #tpu.memory_space<hbm>>
    tpu.wait_indirect_dma semaphore(%arg20 : memref<!tpu.dma_semaphore, #tpu.memory_space<semaphore_mem>>) src(%dma_wait3A_658 : memref<100000x128xf32, #tpu.memory_space<hbm>>) dst(%dma_wait3A_652 : memref<64x128xf32, #tpu.memory_space<vmem>>)
    %dma_wait3A_659 = arith.constant 2 : i32
    %dma_wait3A_660 = arith.constant 64 : i32
    %dma_wait3A_661 = arith.constant 0 : i32
    %dma_wait3A_662 = tpu.memref_slice %arg14[%dma_wait3A_660, %dma_wait3A_661] : memref<128x128xf32, #tpu.memory_space<vmem>> -> memref<64x128xf32, #tpu.memory_space<vmem>>
    %dma_wait3A_663 = arith.constant 64 : i32
    %dma_wait3A_664 = tpu.memref_slice %arg11[%dma_wait3A_659, %dma_wait3A_663] : memref<20x128xi32, #tpu.memory_space<vmem>> -> memref<1x64xi32, #tpu.memory_space<vmem>>
    %dma_wait3A_665 = tpu.memref_squeeze %dma_wait3A_664 : memref<1x64xi32, #tpu.memory_space<vmem>> -> memref<64xi32, #tpu.memory_space<vmem>>
    %dma_wait3A_666 = arith.constant 0 : i32
    %dma_wait3A_667 = arith.constant 0 : i32
    %dma_wait3A_668 = tpu.memref_slice %arg6[%dma_wait3A_666, %dma_wait3A_667] : memref<100000x128xf32, #tpu.memory_space<hbm>> -> memref<100000x128xf32, #tpu.memory_space<hbm>>
    tpu.wait_indirect_dma semaphore(%arg20 : memref<!tpu.dma_semaphore, #tpu.memory_space<semaphore_mem>>) src(%dma_wait3A_668 : memref<100000x128xf32, #tpu.memory_space<hbm>>) dst(%dma_wait3A_662 : memref<64x128xf32, #tpu.memory_space<vmem>>)
    %dma_wait3A_669 = arith.constant 3 : i32
    %dma_wait3A_670 = arith.constant 64 : i32
    %dma_wait3A_671 = arith.constant 0 : i32
    %dma_wait3A_672 = tpu.memref_slice %arg14[%dma_wait3A_670, %dma_wait3A_671] : memref<128x128xf32, #tpu.memory_space<vmem>> -> memref<64x128xf32, #tpu.memory_space<vmem>>
    %dma_wait3A_673 = arith.constant 64 : i32
    %dma_wait3A_674 = tpu.memref_slice %arg11[%dma_wait3A_669, %dma_wait3A_673] : memref<20x128xi32, #tpu.memory_space<vmem>> -> memref<1x64xi32, #tpu.memory_space<vmem>>
    %dma_wait3A_675 = tpu.memref_squeeze %dma_wait3A_674 : memref<1x64xi32, #tpu.memory_space<vmem>> -> memref<64xi32, #tpu.memory_space<vmem>>
    %dma_wait3A_676 = arith.constant 0 : i32
    %dma_wait3A_677 = arith.constant 0 : i32
    %dma_wait3A_678 = tpu.memref_slice %arg6[%dma_wait3A_676, %dma_wait3A_677] : memref<100000x128xf32, #tpu.memory_space<hbm>> -> memref<100000x128xf32, #tpu.memory_space<hbm>>
    tpu.wait_indirect_dma semaphore(%arg20 : memref<!tpu.dma_semaphore, #tpu.memory_space<semaphore_mem>>) src(%dma_wait3A_678 : memref<100000x128xf32, #tpu.memory_space<hbm>>) dst(%dma_wait3A_672 : memref<64x128xf32, #tpu.memory_space<vmem>>)
    %dma_wait3A_679 = arith.constant 4 : i32
    %dma_wait3A_680 = arith.constant 64 : i32
    %dma_wait3A_681 = arith.constant 0 : i32
    %dma_wait3A_682 = tpu.memref_slice %arg14[%dma_wait3A_680, %dma_wait3A_681] : memref<128x128xf32, #tpu.memory_space<vmem>> -> memref<64x128xf32, #tpu.memory_space<vmem>>
    %dma_wait3A_683 = arith.constant 64 : i32
    %dma_wait3A_684 = tpu.memref_slice %arg11[%dma_wait3A_679, %dma_wait3A_683] : memref<20x128xi32, #tpu.memory_space<vmem>> -> memref<1x64xi32, #tpu.memory_space<vmem>>
    %dma_wait3A_685 = tpu.memref_squeeze %dma_wait3A_684 : memref<1x64xi32, #tpu.memory_space<vmem>> -> memref<64xi32, #tpu.memory_space<vmem>>
    %dma_wait3A_686 = arith.constant 0 : i32
    %dma_wait3A_687 = arith.constant 0 : i32
    %dma_wait3A_688 = tpu.memref_slice %arg6[%dma_wait3A_686, %dma_wait3A_687] : memref<100000x128xf32, #tpu.memory_space<hbm>> -> memref<100000x128xf32, #tpu.memory_space<hbm>>
    tpu.wait_indirect_dma semaphore(%arg20 : memref<!tpu.dma_semaphore, #tpu.memory_space<semaphore_mem>>) src(%dma_wait3A_688 : memref<100000x128xf32, #tpu.memory_space<hbm>>) dst(%dma_wait3A_682 : memref<64x128xf32, #tpu.memory_space<vmem>>)
    %dma_wait3A_689 = arith.constant 5 : i32
    %dma_wait3A_690 = arith.constant 64 : i32
    %dma_wait3A_691 = arith.constant 0 : i32
    %dma_wait3A_692 = tpu.memref_slice %arg14[%dma_wait3A_690, %dma_wait3A_691] : memref<128x128xf32, #tpu.memory_space<vmem>> -> memref<64x128xf32, #tpu.memory_space<vmem>>
    %dma_wait3A_693 = arith.constant 64 : i32
    %dma_wait3A_694 = tpu.memref_slice %arg11[%dma_wait3A_689, %dma_wait3A_693] : memref<20x128xi32, #tpu.memory_space<vmem>> -> memref<1x64xi32, #tpu.memory_space<vmem>>
    %dma_wait3A_695 = tpu.memref_squeeze %dma_wait3A_694 : memref<1x64xi32, #tpu.memory_space<vmem>> -> memref<64xi32, #tpu.memory_space<vmem>>
    %dma_wait3A_696 = arith.constant 0 : i32
    %dma_wait3A_697 = arith.constant 0 : i32
    %dma_wait3A_698 = tpu.memref_slice %arg6[%dma_wait3A_696, %dma_wait3A_697] : memref<100000x128xf32, #tpu.memory_space<hbm>> -> memref<100000x128xf32, #tpu.memory_space<hbm>>
    tpu.wait_indirect_dma semaphore(%arg20 : memref<!tpu.dma_semaphore, #tpu.memory_space<semaphore_mem>>) src(%dma_wait3A_698 : memref<100000x128xf32, #tpu.memory_space<hbm>>) dst(%dma_wait3A_692 : memref<64x128xf32, #tpu.memory_space<vmem>>)
    %dma_wait3A_699 = arith.constant 6 : i32
    %dma_wait3A_700 = arith.constant 64 : i32
    %dma_wait3A_701 = arith.constant 0 : i32
    %dma_wait3A_702 = tpu.memref_slice %arg14[%dma_wait3A_700, %dma_wait3A_701] : memref<128x128xf32, #tpu.memory_space<vmem>> -> memref<64x128xf32, #tpu.memory_space<vmem>>
    %dma_wait3A_703 = arith.constant 64 : i32
    %dma_wait3A_704 = tpu.memref_slice %arg11[%dma_wait3A_699, %dma_wait3A_703] : memref<20x128xi32, #tpu.memory_space<vmem>> -> memref<1x64xi32, #tpu.memory_space<vmem>>
    %dma_wait3A_705 = tpu.memref_squeeze %dma_wait3A_704 : memref<1x64xi32, #tpu.memory_space<vmem>> -> memref<64xi32, #tpu.memory_space<vmem>>
    %dma_wait3A_706 = arith.constant 0 : i32
    %dma_wait3A_707 = arith.constant 0 : i32
    %dma_wait3A_708 = tpu.memref_slice %arg6[%dma_wait3A_706, %dma_wait3A_707] : memref<100000x128xf32, #tpu.memory_space<hbm>> -> memref<100000x128xf32, #tpu.memory_space<hbm>>
    tpu.wait_indirect_dma semaphore(%arg20 : memref<!tpu.dma_semaphore, #tpu.memory_space<semaphore_mem>>) src(%dma_wait3A_708 : memref<100000x128xf32, #tpu.memory_space<hbm>>) dst(%dma_wait3A_702 : memref<64x128xf32, #tpu.memory_space<vmem>>)
    %dma_wait3A_709 = arith.constant 7 : i32
    %dma_wait3A_710 = arith.constant 64 : i32
    %dma_wait3A_711 = arith.constant 0 : i32
    %dma_wait3A_712 = tpu.memref_slice %arg14[%dma_wait3A_710, %dma_wait3A_711] : memref<128x128xf32, #tpu.memory_space<vmem>> -> memref<64x128xf32, #tpu.memory_space<vmem>>
    %dma_wait3A_713 = arith.constant 64 : i32
    %dma_wait3A_714 = tpu.memref_slice %arg11[%dma_wait3A_709, %dma_wait3A_713] : memref<20x128xi32, #tpu.memory_space<vmem>> -> memref<1x64xi32, #tpu.memory_space<vmem>>
    %dma_wait3A_715 = tpu.memref_squeeze %dma_wait3A_714 : memref<1x64xi32, #tpu.memory_space<vmem>> -> memref<64xi32, #tpu.memory_space<vmem>>
    %dma_wait3A_716 = arith.constant 0 : i32
    %dma_wait3A_717 = arith.constant 0 : i32
    %dma_wait3A_718 = tpu.memref_slice %arg6[%dma_wait3A_716, %dma_wait3A_717] : memref<100000x128xf32, #tpu.memory_space<hbm>> -> memref<100000x128xf32, #tpu.memory_space<hbm>>
    tpu.wait_indirect_dma semaphore(%arg20 : memref<!tpu.dma_semaphore, #tpu.memory_space<semaphore_mem>>) src(%dma_wait3A_718 : memref<100000x128xf32, #tpu.memory_space<hbm>>) dst(%dma_wait3A_712 : memref<64x128xf32, #tpu.memory_space<vmem>>)
    %dma_wait3A_719 = arith.constant 8 : i32
    %dma_wait3A_720 = arith.constant 64 : i32
    %dma_wait3A_721 = arith.constant 0 : i32
    %dma_wait3A_722 = tpu.memref_slice %arg14[%dma_wait3A_720, %dma_wait3A_721] : memref<128x128xf32, #tpu.memory_space<vmem>> -> memref<64x128xf32, #tpu.memory_space<vmem>>
    %dma_wait3A_723 = arith.constant 64 : i32
    %dma_wait3A_724 = tpu.memref_slice %arg11[%dma_wait3A_719, %dma_wait3A_723] : memref<20x128xi32, #tpu.memory_space<vmem>> -> memref<1x64xi32, #tpu.memory_space<vmem>>
    %dma_wait3A_725 = tpu.memref_squeeze %dma_wait3A_724 : memref<1x64xi32, #tpu.memory_space<vmem>> -> memref<64xi32, #tpu.memory_space<vmem>>
    %dma_wait3A_726 = arith.constant 0 : i32
    %dma_wait3A_727 = arith.constant 0 : i32
    %dma_wait3A_728 = tpu.memref_slice %arg6[%dma_wait3A_726, %dma_wait3A_727] : memref<100000x128xf32, #tpu.memory_space<hbm>> -> memref<100000x128xf32, #tpu.memory_space<hbm>>
    tpu.wait_indirect_dma semaphore(%arg20 : memref<!tpu.dma_semaphore, #tpu.memory_space<semaphore_mem>>) src(%dma_wait3A_728 : memref<100000x128xf32, #tpu.memory_space<hbm>>) dst(%dma_wait3A_722 : memref<64x128xf32, #tpu.memory_space<vmem>>)
    %dma_wait3A_729 = arith.constant 9 : i32
    %dma_wait3A_730 = arith.constant 64 : i32
    %dma_wait3A_731 = arith.constant 0 : i32
    %dma_wait3A_732 = tpu.memref_slice %arg14[%dma_wait3A_730, %dma_wait3A_731] : memref<128x128xf32, #tpu.memory_space<vmem>> -> memref<64x128xf32, #tpu.memory_space<vmem>>
    %dma_wait3A_733 = arith.constant 64 : i32
    %dma_wait3A_734 = tpu.memref_slice %arg11[%dma_wait3A_729, %dma_wait3A_733] : memref<20x128xi32, #tpu.memory_space<vmem>> -> memref<1x64xi32, #tpu.memory_space<vmem>>
    %dma_wait3A_735 = tpu.memref_squeeze %dma_wait3A_734 : memref<1x64xi32, #tpu.memory_space<vmem>> -> memref<64xi32, #tpu.memory_space<vmem>>
    %dma_wait3A_736 = arith.constant 0 : i32
    %dma_wait3A_737 = arith.constant 0 : i32
    %dma_wait3A_738 = tpu.memref_slice %arg6[%dma_wait3A_736, %dma_wait3A_737] : memref<100000x128xf32, #tpu.memory_space<hbm>> -> memref<100000x128xf32, #tpu.memory_space<hbm>>
    tpu.wait_indirect_dma semaphore(%arg20 : memref<!tpu.dma_semaphore, #tpu.memory_space<semaphore_mem>>) src(%dma_wait3A_738 : memref<100000x128xf32, #tpu.memory_space<hbm>>) dst(%dma_wait3A_732 : memref<64x128xf32, #tpu.memory_space<vmem>>)
    %dma_wait3A_739 = arith.constant 10 : i32
    %dma_wait3A_740 = arith.constant 64 : i32
    %dma_wait3A_741 = arith.constant 0 : i32
    %dma_wait3A_742 = tpu.memref_slice %arg14[%dma_wait3A_740, %dma_wait3A_741] : memref<128x128xf32, #tpu.memory_space<vmem>> -> memref<64x128xf32, #tpu.memory_space<vmem>>
    %dma_wait3A_743 = arith.constant 64 : i32
    %dma_wait3A_744 = tpu.memref_slice %arg11[%dma_wait3A_739, %dma_wait3A_743] : memref<20x128xi32, #tpu.memory_space<vmem>> -> memref<1x64xi32, #tpu.memory_space<vmem>>
    %dma_wait3A_745 = tpu.memref_squeeze %dma_wait3A_744 : memref<1x64xi32, #tpu.memory_space<vmem>> -> memref<64xi32, #tpu.memory_space<vmem>>
    %dma_wait3A_746 = arith.constant 0 : i32
    %dma_wait3A_747 = arith.constant 0 : i32
    %dma_wait3A_748 = tpu.memref_slice %arg6[%dma_wait3A_746, %dma_wait3A_747] : memref<100000x128xf32, #tpu.memory_space<hbm>> -> memref<100000x128xf32, #tpu.memory_space<hbm>>
    tpu.wait_indirect_dma semaphore(%arg20 : memref<!tpu.dma_semaphore, #tpu.memory_space<semaphore_mem>>) src(%dma_wait3A_748 : memref<100000x128xf32, #tpu.memory_space<hbm>>) dst(%dma_wait3A_742 : memref<64x128xf32, #tpu.memory_space<vmem>>)
    %dma_wait3A_749 = arith.constant 11 : i32
    %dma_wait3A_750 = arith.constant 64 : i32
    %dma_wait3A_751 = arith.constant 0 : i32
    %dma_wait3A_752 = tpu.memref_slice %arg14[%dma_wait3A_750, %dma_wait3A_751] : memref<128x128xf32, #tpu.memory_space<vmem>> -> memref<64x128xf32, #tpu.memory_space<vmem>>
    %dma_wait3A_753 = arith.constant 64 : i32
    %dma_wait3A_754 = tpu.memref_slice %arg11[%dma_wait3A_749, %dma_wait3A_753] : memref<20x128xi32, #tpu.memory_space<vmem>> -> memref<1x64xi32, #tpu.memory_space<vmem>>
    %dma_wait3A_755 = tpu.memref_squeeze %dma_wait3A_754 : memref<1x64xi32, #tpu.memory_space<vmem>> -> memref<64xi32, #tpu.memory_space<vmem>>
    %dma_wait3A_756 = arith.constant 0 : i32
    %dma_wait3A_757 = arith.constant 0 : i32
    %dma_wait3A_758 = tpu.memref_slice %arg6[%dma_wait3A_756, %dma_wait3A_757] : memref<100000x128xf32, #tpu.memory_space<hbm>> -> memref<100000x128xf32, #tpu.memory_space<hbm>>
    tpu.wait_indirect_dma semaphore(%arg20 : memref<!tpu.dma_semaphore, #tpu.memory_space<semaphore_mem>>) src(%dma_wait3A_758 : memref<100000x128xf32, #tpu.memory_space<hbm>>) dst(%dma_wait3A_752 : memref<64x128xf32, #tpu.memory_space<vmem>>)
    %dma_wait3A_759 = arith.constant 12 : i32
    %dma_wait3A_760 = arith.constant 64 : i32
    %dma_wait3A_761 = arith.constant 0 : i32
    %dma_wait3A_762 = tpu.memref_slice %arg14[%dma_wait3A_760, %dma_wait3A_761] : memref<128x128xf32, #tpu.memory_space<vmem>> -> memref<64x128xf32, #tpu.memory_space<vmem>>
    %dma_wait3A_763 = arith.constant 64 : i32
    %dma_wait3A_764 = tpu.memref_slice %arg11[%dma_wait3A_759, %dma_wait3A_763] : memref<20x128xi32, #tpu.memory_space<vmem>> -> memref<1x64xi32, #tpu.memory_space<vmem>>
    %dma_wait3A_765 = tpu.memref_squeeze %dma_wait3A_764 : memref<1x64xi32, #tpu.memory_space<vmem>> -> memref<64xi32, #tpu.memory_space<vmem>>
    %dma_wait3A_766 = arith.constant 0 : i32
    %dma_wait3A_767 = arith.constant 0 : i32
    %dma_wait3A_768 = tpu.memref_slice %arg6[%dma_wait3A_766, %dma_wait3A_767] : memref<100000x128xf32, #tpu.memory_space<hbm>> -> memref<100000x128xf32, #tpu.memory_space<hbm>>
    tpu.wait_indirect_dma semaphore(%arg20 : memref<!tpu.dma_semaphore, #tpu.memory_space<semaphore_mem>>) src(%dma_wait3A_768 : memref<100000x128xf32, #tpu.memory_space<hbm>>) dst(%dma_wait3A_762 : memref<64x128xf32, #tpu.memory_space<vmem>>)
    %dma_wait3A_769 = arith.constant 13 : i32
    %dma_wait3A_770 = arith.constant 64 : i32
    %dma_wait3A_771 = arith.constant 0 : i32
    %dma_wait3A_772 = tpu.memref_slice %arg14[%dma_wait3A_770, %dma_wait3A_771] : memref<128x128xf32, #tpu.memory_space<vmem>> -> memref<64x128xf32, #tpu.memory_space<vmem>>
    %dma_wait3A_773 = arith.constant 64 : i32
    %dma_wait3A_774 = tpu.memref_slice %arg11[%dma_wait3A_769, %dma_wait3A_773] : memref<20x128xi32, #tpu.memory_space<vmem>> -> memref<1x64xi32, #tpu.memory_space<vmem>>
    %dma_wait3A_775 = tpu.memref_squeeze %dma_wait3A_774 : memref<1x64xi32, #tpu.memory_space<vmem>> -> memref<64xi32, #tpu.memory_space<vmem>>
    %dma_wait3A_776 = arith.constant 0 : i32
    %dma_wait3A_777 = arith.constant 0 : i32
    %dma_wait3A_778 = tpu.memref_slice %arg6[%dma_wait3A_776, %dma_wait3A_777] : memref<100000x128xf32, #tpu.memory_space<hbm>> -> memref<100000x128xf32, #tpu.memory_space<hbm>>
    tpu.wait_indirect_dma semaphore(%arg20 : memref<!tpu.dma_semaphore, #tpu.memory_space<semaphore_mem>>) src(%dma_wait3A_778 : memref<100000x128xf32, #tpu.memory_space<hbm>>) dst(%dma_wait3A_772 : memref<64x128xf32, #tpu.memory_space<vmem>>)
    %dma_wait3A_779 = arith.constant 14 : i32
    %dma_wait3A_780 = arith.constant 64 : i32
    %dma_wait3A_781 = arith.constant 0 : i32
    %dma_wait3A_782 = tpu.memref_slice %arg14[%dma_wait3A_780, %dma_wait3A_781] : memref<128x128xf32, #tpu.memory_space<vmem>> -> memref<64x128xf32, #tpu.memory_space<vmem>>
    %dma_wait3A_783 = arith.constant 64 : i32
    %dma_wait3A_784 = tpu.memref_slice %arg11[%dma_wait3A_779, %dma_wait3A_783] : memref<20x128xi32, #tpu.memory_space<vmem>> -> memref<1x64xi32, #tpu.memory_space<vmem>>
    %dma_wait3A_785 = tpu.memref_squeeze %dma_wait3A_784 : memref<1x64xi32, #tpu.memory_space<vmem>> -> memref<64xi32, #tpu.memory_space<vmem>>
    %dma_wait3A_786 = arith.constant 0 : i32
    %dma_wait3A_787 = arith.constant 0 : i32
    %dma_wait3A_788 = tpu.memref_slice %arg6[%dma_wait3A_786, %dma_wait3A_787] : memref<100000x128xf32, #tpu.memory_space<hbm>> -> memref<100000x128xf32, #tpu.memory_space<hbm>>
    tpu.wait_indirect_dma semaphore(%arg20 : memref<!tpu.dma_semaphore, #tpu.memory_space<semaphore_mem>>) src(%dma_wait3A_788 : memref<100000x128xf32, #tpu.memory_space<hbm>>) dst(%dma_wait3A_782 : memref<64x128xf32, #tpu.memory_space<vmem>>)
    %dma_wait3A_789 = arith.constant 15 : i32
    %dma_wait3A_790 = arith.constant 64 : i32
    %dma_wait3A_791 = arith.constant 0 : i32
    %dma_wait3A_792 = tpu.memref_slice %arg14[%dma_wait3A_790, %dma_wait3A_791] : memref<128x128xf32, #tpu.memory_space<vmem>> -> memref<64x128xf32, #tpu.memory_space<vmem>>
    %dma_wait3A_793 = arith.constant 64 : i32
    %dma_wait3A_794 = tpu.memref_slice %arg11[%dma_wait3A_789, %dma_wait3A_793] : memref<20x128xi32, #tpu.memory_space<vmem>> -> memref<1x64xi32, #tpu.memory_space<vmem>>
    %dma_wait3A_795 = tpu.memref_squeeze %dma_wait3A_794 : memref<1x64xi32, #tpu.memory_space<vmem>> -> memref<64xi32, #tpu.memory_space<vmem>>
    %dma_wait3A_796 = arith.constant 0 : i32
    %dma_wait3A_797 = arith.constant 0 : i32
    %dma_wait3A_798 = tpu.memref_slice %arg6[%dma_wait3A_796, %dma_wait3A_797] : memref<100000x128xf32, #tpu.memory_space<hbm>> -> memref<100000x128xf32, #tpu.memory_space<hbm>>
    tpu.wait_indirect_dma semaphore(%arg20 : memref<!tpu.dma_semaphore, #tpu.memory_space<semaphore_mem>>) src(%dma_wait3A_798 : memref<100000x128xf32, #tpu.memory_space<hbm>>) dst(%dma_wait3A_792 : memref<64x128xf32, #tpu.memory_space<vmem>>)
    %dma_wait3A_799 = arith.constant 16 : i32
    %dma_wait3A_800 = arith.constant 64 : i32
    %dma_wait3A_801 = arith.constant 0 : i32
    %dma_wait3A_802 = tpu.memref_slice %arg14[%dma_wait3A_800, %dma_wait3A_801] : memref<128x128xf32, #tpu.memory_space<vmem>> -> memref<64x128xf32, #tpu.memory_space<vmem>>
    %dma_wait3A_803 = arith.constant 64 : i32
    %dma_wait3A_804 = tpu.memref_slice %arg11[%dma_wait3A_799, %dma_wait3A_803] : memref<20x128xi32, #tpu.memory_space<vmem>> -> memref<1x64xi32, #tpu.memory_space<vmem>>
    %dma_wait3A_805 = tpu.memref_squeeze %dma_wait3A_804 : memref<1x64xi32, #tpu.memory_space<vmem>> -> memref<64xi32, #tpu.memory_space<vmem>>
    %dma_wait3A_806 = arith.constant 0 : i32
    %dma_wait3A_807 = arith.constant 0 : i32
    %dma_wait3A_808 = tpu.memref_slice %arg6[%dma_wait3A_806, %dma_wait3A_807] : memref<100000x128xf32, #tpu.memory_space<hbm>> -> memref<100000x128xf32, #tpu.memory_space<hbm>>
    tpu.wait_indirect_dma semaphore(%arg20 : memref<!tpu.dma_semaphore, #tpu.memory_space<semaphore_mem>>) src(%dma_wait3A_808 : memref<100000x128xf32, #tpu.memory_space<hbm>>) dst(%dma_wait3A_802 : memref<64x128xf32, #tpu.memory_space<vmem>>)
    %dma_wait3A_809 = arith.constant 17 : i32
    %dma_wait3A_810 = arith.constant 64 : i32
    %dma_wait3A_811 = arith.constant 0 : i32
    %dma_wait3A_812 = tpu.memref_slice %arg14[%dma_wait3A_810, %dma_wait3A_811] : memref<128x128xf32, #tpu.memory_space<vmem>> -> memref<64x128xf32, #tpu.memory_space<vmem>>
    %dma_wait3A_813 = arith.constant 64 : i32
    %dma_wait3A_814 = tpu.memref_slice %arg11[%dma_wait3A_809, %dma_wait3A_813] : memref<20x128xi32, #tpu.memory_space<vmem>> -> memref<1x64xi32, #tpu.memory_space<vmem>>
    %dma_wait3A_815 = tpu.memref_squeeze %dma_wait3A_814 : memref<1x64xi32, #tpu.memory_space<vmem>> -> memref<64xi32, #tpu.memory_space<vmem>>
    %dma_wait3A_816 = arith.constant 0 : i32
    %dma_wait3A_817 = arith.constant 0 : i32
    %dma_wait3A_818 = tpu.memref_slice %arg6[%dma_wait3A_816, %dma_wait3A_817] : memref<100000x128xf32, #tpu.memory_space<hbm>> -> memref<100000x128xf32, #tpu.memory_space<hbm>>
    tpu.wait_indirect_dma semaphore(%arg20 : memref<!tpu.dma_semaphore, #tpu.memory_space<semaphore_mem>>) src(%dma_wait3A_818 : memref<100000x128xf32, #tpu.memory_space<hbm>>) dst(%dma_wait3A_812 : memref<64x128xf32, #tpu.memory_space<vmem>>)
    %dma_wait3A_819 = arith.constant 18 : i32
    %dma_wait3A_820 = arith.constant 64 : i32
    %dma_wait3A_821 = arith.constant 0 : i32
    %dma_wait3A_822 = tpu.memref_slice %arg14[%dma_wait3A_820, %dma_wait3A_821] : memref<128x128xf32, #tpu.memory_space<vmem>> -> memref<64x128xf32, #tpu.memory_space<vmem>>
    %dma_wait3A_823 = arith.constant 64 : i32
    %dma_wait3A_824 = tpu.memref_slice %arg11[%dma_wait3A_819, %dma_wait3A_823] : memref<20x128xi32, #tpu.memory_space<vmem>> -> memref<1x64xi32, #tpu.memory_space<vmem>>
    %dma_wait3A_825 = tpu.memref_squeeze %dma_wait3A_824 : memref<1x64xi32, #tpu.memory_space<vmem>> -> memref<64xi32, #tpu.memory_space<vmem>>
    %dma_wait3A_826 = arith.constant 0 : i32
    %dma_wait3A_827 = arith.constant 0 : i32
    %dma_wait3A_828 = tpu.memref_slice %arg6[%dma_wait3A_826, %dma_wait3A_827] : memref<100000x128xf32, #tpu.memory_space<hbm>> -> memref<100000x128xf32, #tpu.memory_space<hbm>>
    tpu.wait_indirect_dma semaphore(%arg20 : memref<!tpu.dma_semaphore, #tpu.memory_space<semaphore_mem>>) src(%dma_wait3A_828 : memref<100000x128xf32, #tpu.memory_space<hbm>>) dst(%dma_wait3A_822 : memref<64x128xf32, #tpu.memory_space<vmem>>)
    %dma_wait3A_829 = arith.constant 19 : i32
    %dma_wait3A_830 = arith.constant 64 : i32
    %dma_wait3A_831 = arith.constant 0 : i32
    %dma_wait3A_832 = tpu.memref_slice %arg14[%dma_wait3A_830, %dma_wait3A_831] : memref<128x128xf32, #tpu.memory_space<vmem>> -> memref<64x128xf32, #tpu.memory_space<vmem>>
    %dma_wait3A_833 = arith.constant 64 : i32
    %dma_wait3A_834 = tpu.memref_slice %arg11[%dma_wait3A_829, %dma_wait3A_833] : memref<20x128xi32, #tpu.memory_space<vmem>> -> memref<1x64xi32, #tpu.memory_space<vmem>>
    %dma_wait3A_835 = tpu.memref_squeeze %dma_wait3A_834 : memref<1x64xi32, #tpu.memory_space<vmem>> -> memref<64xi32, #tpu.memory_space<vmem>>
    %dma_wait3A_836 = arith.constant 0 : i32
    %dma_wait3A_837 = arith.constant 0 : i32
    %dma_wait3A_838 = tpu.memref_slice %arg6[%dma_wait3A_836, %dma_wait3A_837] : memref<100000x128xf32, #tpu.memory_space<hbm>> -> memref<100000x128xf32, #tpu.memory_space<hbm>>
    tpu.wait_indirect_dma semaphore(%arg20 : memref<!tpu.dma_semaphore, #tpu.memory_space<semaphore_mem>>) src(%dma_wait3A_838 : memref<100000x128xf32, #tpu.memory_space<hbm>>) dst(%dma_wait3A_832 : memref<64x128xf32, #tpu.memory_space<vmem>>)
    %scan3A_839 = arith.constant 0 : i32
    %scan3A_840 = arith.constant 32 : i32
    %scan3A_841 = arith.constant 32 : i32
    %scan3A_842 = arith.addi %scan3A_840, %scan3A_841 : i32
    %scan3A_843 = arith.constant 1 : i32
    scf.for %scan3A_849 = %scan3A_840 to %scan3A_842 step %scan3A_843  : i32 {
      %mul3A_850 = arith.constant 2 : i32
      %mul3A_851 = arith.muli %mul3A_850, %scan3A_849 : i32
      %add3A_852 = arith.constant 0 : i32
      %add3A_853 = arith.addi %mul3A_851, %add3A_852 : i32
      %get3A = arith.index_cast %add3A_853 : i32 to index
      %get3A_854 = arith.constant 0 : index
      %get3A_855 = tpu.vector_load %arg12[%get3A, %get3A_854] {strides = array<i32>} : memref<128x128xf32, #tpu.memory_space<vmem>>, vector<1x16xf32>,
      %get3A_856 = vector.shape_cast %get3A_855 : vector<1x16xf32> to vector<16xf32>
      %get3A_857 = arith.index_cast %add3A_853 : i32 to index
      %get3A_858 = arith.constant 0 : index
      %get3A_859 = tpu.vector_load %arg14[%get3A_857, %get3A_858] {strides = array<i32>} : memref<128x128xf32, #tpu.memory_space<vmem>>, vector<1x16xf32>,
      %get3A_860 = vector.shape_cast %get3A_859 : vector<1x16xf32> to vector<16xf32>
      %mul3A_861 = arith.mulf %get3A_856, %get3A_860 : vector<16xf32>
      %get3A_862 = arith.index_cast %add3A_853 : i32 to index
      %get3A_863 = arith.constant 16 : index
      %get3A_864 = tpu.vector_load %arg12[%get3A_862, %get3A_863] {strides = array<i32>} : memref<128x128xf32, #tpu.memory_space<vmem>>, vector<1x16xf32>,
      %get3A_865 = vector.shape_cast %get3A_864 : vector<1x16xf32> to vector<16xf32>
      %get3A_866 = arith.index_cast %add3A_853 : i32 to index
      %get3A_867 = arith.constant 16 : index
      %get3A_868 = tpu.vector_load %arg14[%get3A_866, %get3A_867] {strides = array<i32>} : memref<128x128xf32, #tpu.memory_space<vmem>>, vector<1x16xf32>,
      %get3A_869 = vector.shape_cast %get3A_868 : vector<1x16xf32> to vector<16xf32>
      %mul3A_870 = arith.mulf %get3A_865, %get3A_869 : vector<16xf32>
      %add3A_871 = arith.addf %mul3A_861, %mul3A_870 : vector<16xf32>
      %get3A_872 = arith.index_cast %add3A_853 : i32 to index
      %get3A_873 = arith.constant 32 : index
      %get3A_874 = tpu.vector_load %arg12[%get3A_872, %get3A_873] {strides = array<i32>} : memref<128x128xf32, #tpu.memory_space<vmem>>, vector<1x16xf32>,
      %get3A_875 = vector.shape_cast %get3A_874 : vector<1x16xf32> to vector<16xf32>
      %get3A_876 = arith.index_cast %add3A_853 : i32 to index
      %get3A_877 = arith.constant 32 : index
      %get3A_878 = tpu.vector_load %arg14[%get3A_876, %get3A_877] {strides = array<i32>} : memref<128x128xf32, #tpu.memory_space<vmem>>, vector<1x16xf32>,
      %get3A_879 = vector.shape_cast %get3A_878 : vector<1x16xf32> to vector<16xf32>
      %mul3A_880 = arith.mulf %get3A_875, %get3A_879 : vector<16xf32>
      %add3A_881 = arith.addf %add3A_871, %mul3A_880 : vector<16xf32>
      %get3A_882 = arith.index_cast %add3A_853 : i32 to index
      %get3A_883 = arith.constant 48 : index
      %get3A_884 = tpu.vector_load %arg12[%get3A_882, %get3A_883] {strides = array<i32>} : memref<128x128xf32, #tpu.memory_space<vmem>>, vector<1x16xf32>,
      %get3A_885 = vector.shape_cast %get3A_884 : vector<1x16xf32> to vector<16xf32>
      %get3A_886 = arith.index_cast %add3A_853 : i32 to index
      %get3A_887 = arith.constant 48 : index
      %get3A_888 = tpu.vector_load %arg14[%get3A_886, %get3A_887] {strides = array<i32>} : memref<128x128xf32, #tpu.memory_space<vmem>>, vector<1x16xf32>,
      %get3A_889 = vector.shape_cast %get3A_888 : vector<1x16xf32> to vector<16xf32>
      %mul3A_890 = arith.mulf %get3A_885, %get3A_889 : vector<16xf32>
      %add3A_891 = arith.addf %add3A_881, %mul3A_890 : vector<16xf32>
      %get3A_892 = arith.index_cast %add3A_853 : i32 to index
      %get3A_893 = arith.constant 64 : index
      %get3A_894 = tpu.vector_load %arg12[%get3A_892, %get3A_893] {strides = array<i32>} : memref<128x128xf32, #tpu.memory_space<vmem>>, vector<1x16xf32>,
      %get3A_895 = vector.shape_cast %get3A_894 : vector<1x16xf32> to vector<16xf32>
      %get3A_896 = arith.index_cast %add3A_853 : i32 to index
      %get3A_897 = arith.constant 64 : index
      %get3A_898 = tpu.vector_load %arg14[%get3A_896, %get3A_897] {strides = array<i32>} : memref<128x128xf32, #tpu.memory_space<vmem>>, vector<1x16xf32>,
      %get3A_899 = vector.shape_cast %get3A_898 : vector<1x16xf32> to vector<16xf32>
      %mul3A_900 = arith.mulf %get3A_895, %get3A_899 : vector<16xf32>
      %add3A_901 = arith.addf %add3A_891, %mul3A_900 : vector<16xf32>
      %get3A_902 = arith.index_cast %add3A_853 : i32 to index
      %get3A_903 = arith.constant 80 : index
      %get3A_904 = tpu.vector_load %arg12[%get3A_902, %get3A_903] {strides = array<i32>} : memref<128x128xf32, #tpu.memory_space<vmem>>, vector<1x16xf32>,
      %get3A_905 = vector.shape_cast %get3A_904 : vector<1x16xf32> to vector<16xf32>
      %get3A_906 = arith.index_cast %add3A_853 : i32 to index
      %get3A_907 = arith.constant 80 : index
      %get3A_908 = tpu.vector_load %arg14[%get3A_906, %get3A_907] {strides = array<i32>} : memref<128x128xf32, #tpu.memory_space<vmem>>, vector<1x16xf32>,
      %get3A_909 = vector.shape_cast %get3A_908 : vector<1x16xf32> to vector<16xf32>
      %mul3A_910 = arith.mulf %get3A_905, %get3A_909 : vector<16xf32>
      %add3A_911 = arith.addf %add3A_901, %mul3A_910 : vector<16xf32>
      %get3A_912 = arith.index_cast %add3A_853 : i32 to index
      %get3A_913 = arith.constant 96 : index
      %get3A_914 = tpu.vector_load %arg12[%get3A_912, %get3A_913] {strides = array<i32>} : memref<128x128xf32, #tpu.memory_space<vmem>>, vector<1x16xf32>,
      %get3A_915 = vector.shape_cast %get3A_914 : vector<1x16xf32> to vector<16xf32>
      %get3A_916 = arith.index_cast %add3A_853 : i32 to index
      %get3A_917 = arith.constant 96 : index
      %get3A_918 = tpu.vector_load %arg14[%get3A_916, %get3A_917] {strides = array<i32>} : memref<128x128xf32, #tpu.memory_space<vmem>>, vector<1x16xf32>,
      %get3A_919 = vector.shape_cast %get3A_918 : vector<1x16xf32> to vector<16xf32>
      %mul3A_920 = arith.mulf %get3A_915, %get3A_919 : vector<16xf32>
      %add3A_921 = arith.addf %add3A_911, %mul3A_920 : vector<16xf32>
      %get3A_922 = arith.index_cast %add3A_853 : i32 to index
      %get3A_923 = arith.constant 112 : index
      %get3A_924 = tpu.vector_load %arg12[%get3A_922, %get3A_923] {strides = array<i32>} : memref<128x128xf32, #tpu.memory_space<vmem>>, vector<1x16xf32>,
      %get3A_925 = vector.shape_cast %get3A_924 : vector<1x16xf32> to vector<16xf32>
      %get3A_926 = arith.index_cast %add3A_853 : i32 to index
      %get3A_927 = arith.constant 112 : index
      %get3A_928 = tpu.vector_load %arg14[%get3A_926, %get3A_927] {strides = array<i32>} : memref<128x128xf32, #tpu.memory_space<vmem>>, vector<1x16xf32>,
      %get3A_929 = vector.shape_cast %get3A_928 : vector<1x16xf32> to vector<16xf32>
      %mul3A_930 = arith.mulf %get3A_925, %get3A_929 : vector<16xf32>
      %add3A_931 = arith.addf %add3A_921, %mul3A_930 : vector<16xf32>
      %shift_right_arithmetic3A = arith.constant 3 : i32
      %shift_right_arithmetic3A_932 = arith.shrsi %add3A_853, %shift_right_arithmetic3A : i32
      %and3A = arith.constant 7 : i32
      %and3A_933 = arith.andi %add3A_853, %and3A : i32
      %mul3A_934 = arith.constant 16 : i32
      %mul3A_935 = arith.muli %and3A_933, %mul3A_934 : i32
      %swap3A = arith.index_cast %shift_right_arithmetic3A_932 : i32 to index
      %swap3A_936 = arith.index_cast %mul3A_935 : i32 to index
      %swap3A_937 = tpu.vector_load %arg16[%swap3A, %swap3A_936] {strides = array<i32>} : memref<16x128xf32, #tpu.memory_space<vmem>>, vector<1x16xf32>,
      %swap3A_938 = vector.shape_cast %swap3A_937 : vector<1x16xf32> to vector<16xf32>
      %swap3A_939 = vector.shape_cast %add3A_931 : vector<16xf32> to vector<1x16xf32>
      tpu.vector_store %arg16[%swap3A, %swap3A_936], %swap3A_939 {strides = array<i32>} : memref<16x128xf32, #tpu.memory_space<vmem>>, vector<1x16xf32>,
      %mul3A_940 = arith.constant 2 : i32
      %mul3A_941 = arith.muli %mul3A_940, %scan3A_849 : i32
      %add3A_942 = arith.constant 1 : i32
      %add3A_943 = arith.addi %mul3A_941, %add3A_942 : i32
      %get3A_944 = arith.index_cast %add3A_943 : i32 to index
      %get3A_945 = arith.constant 0 : index
      %get3A_946 = tpu.vector_load %arg12[%get3A_944, %get3A_945] {strides = array<i32>} : memref<128x128xf32, #tpu.memory_space<vmem>>, vector<1x16xf32>,
      %get3A_947 = vector.shape_cast %get3A_946 : vector<1x16xf32> to vector<16xf32>
      %get3A_948 = arith.index_cast %add3A_943 : i32 to index
      %get3A_949 = arith.constant 0 : index
      %get3A_950 = tpu.vector_load %arg14[%get3A_948, %get3A_949] {strides = array<i32>} : memref<128x128xf32, #tpu.memory_space<vmem>>, vector<1x16xf32>,
      %get3A_951 = vector.shape_cast %get3A_950 : vector<1x16xf32> to vector<16xf32>
      %mul3A_952 = arith.mulf %get3A_947, %get3A_951 : vector<16xf32>
      %get3A_953 = arith.index_cast %add3A_943 : i32 to index
      %get3A_954 = arith.constant 16 : index
      %get3A_955 = tpu.vector_load %arg12[%get3A_953, %get3A_954] {strides = array<i32>} : memref<128x128xf32, #tpu.memory_space<vmem>>, vector<1x16xf32>,
      %get3A_956 = vector.shape_cast %get3A_955 : vector<1x16xf32> to vector<16xf32>
      %get3A_957 = arith.index_cast %add3A_943 : i32 to index
      %get3A_958 = arith.constant 16 : index
      %get3A_959 = tpu.vector_load %arg14[%get3A_957, %get3A_958] {strides = array<i32>} : memref<128x128xf32, #tpu.memory_space<vmem>>, vector<1x16xf32>,
      %get3A_960 = vector.shape_cast %get3A_959 : vector<1x16xf32> to vector<16xf32>
      %mul3A_961 = arith.mulf %get3A_956, %get3A_960 : vector<16xf32>
      %add3A_962 = arith.addf %mul3A_952, %mul3A_961 : vector<16xf32>
      %get3A_963 = arith.index_cast %add3A_943 : i32 to index
      %get3A_964 = arith.constant 32 : index
      %get3A_965 = tpu.vector_load %arg12[%get3A_963, %get3A_964] {strides = array<i32>} : memref<128x128xf32, #tpu.memory_space<vmem>>, vector<1x16xf32>,
      %get3A_966 = vector.shape_cast %get3A_965 : vector<1x16xf32> to vector<16xf32>
      %get3A_967 = arith.index_cast %add3A_943 : i32 to index
      %get3A_968 = arith.constant 32 : index
      %get3A_969 = tpu.vector_load %arg14[%get3A_967, %get3A_968] {strides = array<i32>} : memref<128x128xf32, #tpu.memory_space<vmem>>, vector<1x16xf32>,
      %get3A_970 = vector.shape_cast %get3A_969 : vector<1x16xf32> to vector<16xf32>
      %mul3A_971 = arith.mulf %get3A_966, %get3A_970 : vector<16xf32>
      %add3A_972 = arith.addf %add3A_962, %mul3A_971 : vector<16xf32>
      %get3A_973 = arith.index_cast %add3A_943 : i32 to index
      %get3A_974 = arith.constant 48 : index
      %get3A_975 = tpu.vector_load %arg12[%get3A_973, %get3A_974] {strides = array<i32>} : memref<128x128xf32, #tpu.memory_space<vmem>>, vector<1x16xf32>,
      %get3A_976 = vector.shape_cast %get3A_975 : vector<1x16xf32> to vector<16xf32>
      %get3A_977 = arith.index_cast %add3A_943 : i32 to index
      %get3A_978 = arith.constant 48 : index
      %get3A_979 = tpu.vector_load %arg14[%get3A_977, %get3A_978] {strides = array<i32>} : memref<128x128xf32, #tpu.memory_space<vmem>>, vector<1x16xf32>,
      %get3A_980 = vector.shape_cast %get3A_979 : vector<1x16xf32> to vector<16xf32>
      %mul3A_981 = arith.mulf %get3A_976, %get3A_980 : vector<16xf32>
      %add3A_982 = arith.addf %add3A_972, %mul3A_981 : vector<16xf32>
      %get3A_983 = arith.index_cast %add3A_943 : i32 to index
      %get3A_984 = arith.constant 64 : index
      %get3A_985 = tpu.vector_load %arg12[%get3A_983, %get3A_984] {strides = array<i32>} : memref<128x128xf32, #tpu.memory_space<vmem>>, vector<1x16xf32>,
      %get3A_986 = vector.shape_cast %get3A_985 : vector<1x16xf32> to vector<16xf32>
      %get3A_987 = arith.index_cast %add3A_943 : i32 to index
      %get3A_988 = arith.constant 64 : index
      %get3A_989 = tpu.vector_load %arg14[%get3A_987, %get3A_988] {strides = array<i32>} : memref<128x128xf32, #tpu.memory_space<vmem>>, vector<1x16xf32>,
      %get3A_990 = vector.shape_cast %get3A_989 : vector<1x16xf32> to vector<16xf32>
      %mul3A_991 = arith.mulf %get3A_986, %get3A_990 : vector<16xf32>
      %add3A_992 = arith.addf %add3A_982, %mul3A_991 : vector<16xf32>
      %get3A_993 = arith.index_cast %add3A_943 : i32 to index
      %get3A_994 = arith.constant 80 : index
      %get3A_995 = tpu.vector_load %arg12[%get3A_993, %get3A_994] {strides = array<i32>} : memref<128x128xf32, #tpu.memory_space<vmem>>, vector<1x16xf32>,
      %get3A_996 = vector.shape_cast %get3A_995 : vector<1x16xf32> to vector<16xf32>
      %get3A_997 = arith.index_cast %add3A_943 : i32 to index
      %get3A_998 = arith.constant 80 : index
      %get3A_999 = tpu.vector_load %arg14[%get3A_997, %get3A_998] {strides = array<i32>} : memref<128x128xf32, #tpu.memory_space<vmem>>, vector<1x16xf32>,
      %get3A_1000 = vector.shape_cast %get3A_999 : vector<1x16xf32> to vector<16xf32>
      %mul3A_1001 = arith.mulf %get3A_996, %get3A_1000 : vector<16xf32>
      %add3A_1002 = arith.addf %add3A_992, %mul3A_1001 : vector<16xf32>
      %get3A_1003 = arith.index_cast %add3A_943 : i32 to index
      %get3A_1004 = arith.constant 96 : index
      %get3A_1005 = tpu.vector_load %arg12[%get3A_1003, %get3A_1004] {strides = array<i32>} : memref<128x128xf32, #tpu.memory_space<vmem>>, vector<1x16xf32>,
      %get3A_1006 = vector.shape_cast %get3A_1005 : vector<1x16xf32> to vector<16xf32>
      %get3A_1007 = arith.index_cast %add3A_943 : i32 to index
      %get3A_1008 = arith.constant 96 : index
      %get3A_1009 = tpu.vector_load %arg14[%get3A_1007, %get3A_1008] {strides = array<i32>} : memref<128x128xf32, #tpu.memory_space<vmem>>, vector<1x16xf32>,
      %get3A_1010 = vector.shape_cast %get3A_1009 : vector<1x16xf32> to vector<16xf32>
      %mul3A_1011 = arith.mulf %get3A_1006, %get3A_1010 : vector<16xf32>
      %add3A_1012 = arith.addf %add3A_1002, %mul3A_1011 : vector<16xf32>
      %get3A_1013 = arith.index_cast %add3A_943 : i32 to index
      %get3A_1014 = arith.constant 112 : index
      %get3A_1015 = tpu.vector_load %arg12[%get3A_1013, %get3A_1014] {strides = array<i32>} : memref<128x128xf32, #tpu.memory_space<vmem>>, vector<1x16xf32>,
      %get3A_1016 = vector.shape_cast %get3A_1015 : vector<1x16xf32> to vector<16xf32>
      %get3A_1017 = arith.index_cast %add3A_943 : i32 to index
      %get3A_1018 = arith.constant 112 : index
      %get3A_1019 = tpu.vector_load %arg14[%get3A_1017, %get3A_1018] {strides = array<i32>} : memref<128x128xf32, #tpu.memory_space<vmem>>, vector<1x16xf32>,
      %get3A_1020 = vector.shape_cast %get3A_1019 : vector<1x16xf32> to vector<16xf32>
      %mul3A_1021 = arith.mulf %get3A_1016, %get3A_1020 : vector<16xf32>
      %add3A_1022 = arith.addf %add3A_1012, %mul3A_1021 : vector<16xf32>
      %shift_right_arithmetic3A_1023 = arith.constant 3 : i32
      %shift_right_arithmetic3A_1024 = arith.shrsi %add3A_943, %shift_right_arithmetic3A_1023 : i32
      %and3A_1025 = arith.constant 7 : i32
      %and3A_1026 = arith.andi %add3A_943, %and3A_1025 : i32
      %mul3A_1027 = arith.constant 16 : i32
      %mul3A_1028 = arith.muli %and3A_1026, %mul3A_1027 : i32
      %swap3A_1029 = arith.index_cast %shift_right_arithmetic3A_1024 : i32 to index
      %swap3A_1030 = arith.index_cast %mul3A_1028 : i32 to index
      %swap3A_1031 = tpu.vector_load %arg16[%swap3A_1029, %swap3A_1030] {strides = array<i32>} : memref<16x128xf32, #tpu.memory_space<vmem>>, vector<1x16xf32>,
      %swap3A_1032 = vector.shape_cast %swap3A_1031 : vector<1x16xf32> to vector<16xf32>
      %swap3A_1033 = vector.shape_cast %add3A_1022 : vector<16xf32> to vector<1x16xf32>
      tpu.vector_store %arg16[%swap3A_1029, %swap3A_1030], %swap3A_1033 {strides = array<i32>} : memref<16x128xf32, #tpu.memory_space<vmem>>, vector<1x16xf32>,
    }
    %scan3A_844 = arith.constant 32 : i32
    %mul3A_845 = arith.constant 16 : i32
    %mul3A_846 = arith.muli %add3A, %mul3A_845 : i32
    "tpu.region"() ({
      %run_scoped3A = tpu.sem_alloc : memref<!tpu.dma_semaphore, #tpu.memory_space<semaphore_mem>>
      %dma_start3A_849 = arith.constant 0 : i32
      %dma_start3A_850 = tpu.memref_slice %arg7[%mul3A_846, %dma_start3A_849] : memref<512x128xf32, #tpu.memory_space<hbm>> -> memref<16x128xf32, #tpu.memory_space<hbm>>
      %dma_start3A_851 = arith.constant 0 : i32
      %dma_start3A_852 = tpu.memref_slice %arg7[%mul3A_846, %dma_start3A_851] : memref<512x128xf32, #tpu.memory_space<hbm>> -> memref<16x128xf32, #tpu.memory_space<hbm>>
      tpu.enqueue_dma source(%arg15 : memref<16x128xf32, #tpu.memory_space<vmem>>) target(%dma_start3A_852 : memref<16x128xf32, #tpu.memory_space<hbm>>) target_semaphore(%run_scoped3A : memref<!tpu.dma_semaphore, #tpu.memory_space<semaphore_mem>>)
      %dma_wait3A_853 = arith.constant 0 : i32
      %dma_wait3A_854 = tpu.memref_slice %arg7[%mul3A_846, %dma_wait3A_853] : memref<512x128xf32, #tpu.memory_space<hbm>> -> memref<16x128xf32, #tpu.memory_space<hbm>>
      %dma_wait3A_855 = arith.constant 0 : i32
      %dma_wait3A_856 = tpu.memref_slice %arg7[%mul3A_846, %dma_wait3A_855] : memref<512x128xf32, #tpu.memory_space<hbm>> -> memref<16x128xf32, #tpu.memory_space<hbm>>
      tpu.wait_dma2 semaphore(%run_scoped3A : memref<!tpu.dma_semaphore, #tpu.memory_space<semaphore_mem>>) src(%arg15 : memref<16x128xf32, #tpu.memory_space<vmem>>) dst(%dma_wait3A_856 : memref<16x128xf32, #tpu.memory_space<hbm>>)
      tpu.yield
    }) : () -> ()
    %mul3A_847 = arith.constant 16 : i32
    %mul3A_848 = arith.muli %add3A, %mul3A_847 : i32
    "tpu.region"() ({
      %run_scoped3A = tpu.sem_alloc : memref<!tpu.dma_semaphore, #tpu.memory_space<semaphore_mem>>
      %dma_start3A_849 = arith.constant 0 : i32
      %dma_start3A_850 = tpu.memref_slice %arg8[%mul3A_848, %dma_start3A_849] : memref<512x128xf32, #tpu.memory_space<hbm>> -> memref<16x128xf32, #tpu.memory_space<hbm>>
      %dma_start3A_851 = arith.constant 0 : i32
      %dma_start3A_852 = tpu.memref_slice %arg8[%mul3A_848, %dma_start3A_851] : memref<512x128xf32, #tpu.memory_space<hbm>> -> memref<16x128xf32, #tpu.memory_space<hbm>>
      tpu.enqueue_dma source(%arg16 : memref<16x128xf32, #tpu.memory_space<vmem>>) target(%dma_start3A_852 : memref<16x128xf32, #tpu.memory_space<hbm>>) target_semaphore(%run_scoped3A : memref<!tpu.dma_semaphore, #tpu.memory_space<semaphore_mem>>)
      %dma_wait3A_853 = arith.constant 0 : i32
      %dma_wait3A_854 = tpu.memref_slice %arg8[%mul3A_848, %dma_wait3A_853] : memref<512x128xf32, #tpu.memory_space<hbm>> -> memref<16x128xf32, #tpu.memory_space<hbm>>
      %dma_wait3A_855 = arith.constant 0 : i32
      %dma_wait3A_856 = tpu.memref_slice %arg8[%mul3A_848, %dma_wait3A_855] : memref<512x128xf32, #tpu.memory_space<hbm>> -> memref<16x128xf32, #tpu.memory_space<hbm>>
      tpu.wait_dma2 semaphore(%run_scoped3A : memref<!tpu.dma_semaphore, #tpu.memory_space<semaphore_mem>>) src(%arg16 : memref<16x128xf32, #tpu.memory_space<vmem>>) dst(%dma_wait3A_856 : memref<16x128xf32, #tpu.memory_space<hbm>>)
      tpu.yield
    }) : () -> ()
    return
  }
}

module attributes {stable_mosaic.version = 14 : i64} {
  func.func @_tc_loss_body(%arg0: memref<512x128xf32, #tpu.memory_space<vmem>>, %arg1: memref<512x128xf32, #tpu.memory_space<vmem>>, %arg2: memref<1x1xf32, #tpu.memory_space<smem>>) attributes {dimension_semantics = [], scalar_prefetch = 0 : i64, scratch_operands = 0 : i64, tpu.core_type = #tpu.core_type<tc>} {
    %iota3A = tpu.iota {dimensions = array<i32: 0>} : vector<128x8xi32>
    %iota3A_0 = tpu.iota {dimensions = array<i32: 1>} : vector<128x8xi32>
    %jit3A = arith.constant 16 : i32
    %div3A = vector.broadcast %jit3A : i32 to vector<128x8xi32>
    %div3A_1 = arith.divsi %iota3A, %div3A : vector<128x8xi32>
    %sign3A = arith.constant 0 : i32
    %sign3A_2 = vector.broadcast %sign3A : i32 to vector<128x8xi32>
    %sign3A_3 = arith.cmpi sgt, %iota3A, %sign3A_2 : vector<128x8xi32>
    %sign3A_4 = arith.extui %sign3A_3 : vector<128x8xi1> to vector<128x8xi32>
    %sign3A_5 = arith.constant 0 : i32
    %sign3A_6 = vector.broadcast %sign3A_5 : i32 to vector<128x8xi32>
    %sign3A_7 = arith.cmpi slt, %iota3A, %sign3A_6 : vector<128x8xi32>
    %sign3A_8 = arith.extui %sign3A_7 : vector<128x8xi1> to vector<128x8xi32>
    %sign3A_9 = arith.subi %sign3A_4, %sign3A_8 : vector<128x8xi32>
    %sign3A_10 = arith.constant 0 : i32
    %sign3A_11 = arith.cmpi sgt, %jit3A, %sign3A_10 : i32
    %sign3A_12 = arith.extui %sign3A_11 : i1 to i32
    %sign3A_13 = arith.constant 0 : i32
    %sign3A_14 = arith.cmpi slt, %jit3A, %sign3A_13 : i32
    %sign3A_15 = arith.extui %sign3A_14 : i1 to i32
    %sign3A_16 = arith.subi %sign3A_12, %sign3A_15 : i32
    %ne3A = vector.broadcast %sign3A_16 : i32 to vector<128x8xi32>
    %ne3A_17 = arith.cmpi ne, %sign3A_9, %ne3A : vector<128x8xi32>
    %rem3A = vector.broadcast %jit3A : i32 to vector<128x8xi32>
    %rem3A_18 = arith.remsi %iota3A, %rem3A : vector<128x8xi32>
    %ne3A_19 = arith.constant 0 : i32
    %ne3A_20 = vector.broadcast %ne3A_19 : i32 to vector<128x8xi32>
    %ne3A_21 = arith.cmpi ne, %rem3A_18, %ne3A_20 : vector<128x8xi32>
    %and3A = arith.andi %ne3A_17, %ne3A_21 : vector<128x8xi1>
    %sub3A = arith.constant 1 : i32
    %sub3A_22 = vector.broadcast %sub3A : i32 to vector<128x8xi32>
    %sub3A_23 = arith.subi %div3A_1, %sub3A_22 : vector<128x8xi32>
    %select_n3A = arith.select %and3A, %sub3A_23, %div3A_1 : vector<128x8xi1>, vector<128x8xi32>
    %eq3A = arith.cmpi eq, %select_n3A, %iota3A_0 : vector<128x8xi32>
    %convert_element_type3A = arith.extui %eq3A : vector<128x8xi1> to vector<128x8xi32>
    %convert_element_type3A_24 = arith.sitofp %convert_element_type3A : vector<128x8xi32> to vector<128x8xf32>
    %get3A = arith.constant 0 : index
    %get3A_25 = arith.constant 0 : index
    %get3A_26 = vector.load %arg0[%get3A, %get3A_25] : memref<512x128xf32, #tpu.memory_space<vmem>>, vector<512x128xf32>
    %dot_general3A = arith.constant dense<0.000000e+00> : vector<512x8xf32>
    %dot_general3A_27 = tpu.matmul %get3A_26, %convert_element_type3A_24, %dot_general3A {dimension_numbers = #tpu.dot_dimension_numbers<[1], [0], [0], [1], [0, 0, 1, 1], [], []>, transpose_lhs_hint = false} : vector<512x128xf32>, vector<128x8xf32>, vector<512x8xf32> -> vector<512x8xf32>
    %get3A_28 = arith.constant 0 : index
    %get3A_29 = arith.constant 0 : index
    %get3A_30 = vector.load %arg1[%get3A_28, %get3A_29] : memref<512x128xf32, #tpu.memory_space<vmem>>, vector<512x128xf32>
    %dot_general3A_31 = arith.constant dense<0.000000e+00> : vector<512x8xf32>
    %dot_general3A_32 = tpu.matmul %get3A_30, %convert_element_type3A_24, %dot_general3A_31 {dimension_numbers = #tpu.dot_dimension_numbers<[1], [0], [0], [1], [0, 0, 1, 1], [], []>, transpose_lhs_hint = false} : vector<512x128xf32>, vector<128x8xf32>, vector<512x8xf32> -> vector<512x8xf32>
    %neg3A = arith.constant 0.000000e+00 : f32
    %neg3A_33 = vector.broadcast %neg3A : f32 to vector<512x8xf32>
    %neg3A_34 = arith.subf %neg3A_33, %dot_general3A_32 : vector<512x8xf32>
    %min3A = arith.constant 0.000000e+00 : f32
    %min3A_35 = vector.broadcast %min3A : f32 to vector<512x8xf32>
    %min3A_36 = arith.minimumf %dot_general3A_27, %min3A_35 : vector<512x8xf32>
    %abs3A = math.absf %dot_general3A_27 : vector<512x8xf32>
    %neg3A_37 = arith.constant 0.000000e+00 : f32
    %neg3A_38 = vector.broadcast %neg3A_37 : f32 to vector<512x8xf32>
    %neg3A_39 = arith.subf %neg3A_38, %abs3A : vector<512x8xf32>
    %exp3A = math.exp %neg3A_39 : vector<512x8xf32>
    %log1p3A = math.log1p %exp3A : vector<512x8xf32>
    %sub3A_40 = arith.subf %min3A_36, %log1p3A : vector<512x8xf32>
    %min3A_41 = arith.constant 0.000000e+00 : f32
    %min3A_42 = vector.broadcast %min3A_41 : f32 to vector<512x8xf32>
    %min3A_43 = arith.minimumf %neg3A_34, %min3A_42 : vector<512x8xf32>
    %abs3A_44 = math.absf %neg3A_34 : vector<512x8xf32>
    %neg3A_45 = arith.constant 0.000000e+00 : f32
    %neg3A_46 = vector.broadcast %neg3A_45 : f32 to vector<512x8xf32>
    %neg3A_47 = arith.subf %neg3A_46, %abs3A_44 : vector<512x8xf32>
    %exp3A_48 = math.exp %neg3A_47 : vector<512x8xf32>
    %log1p3A_49 = math.log1p %exp3A_48 : vector<512x8xf32>
    %sub3A_50 = arith.subf %min3A_43, %log1p3A_49 : vector<512x8xf32>
    %add3A = arith.addf %sub3A_40, %sub3A_50 : vector<512x8xf32>
    %reduce_sum3A = vector.shape_cast %add3A : vector<512x8xf32> to vector<1x512x8xf32>
    %reduce_sum3A_51 = arith.constant dense<0.000000e+00> : vector<1xf32>
    %reduce_sum3A_52 = vector.multi_reduction <add>, %reduce_sum3A, %reduce_sum3A_51 [1, 2] : vector<1x512x8xf32> to vector<1xf32>
    %reduce_sum3A_53 = vector.shape_cast %reduce_sum3A_52 : vector<1xf32> to vector<1x1x1xf32>
    %reduce_sum3A_54 = vector.extract %reduce_sum3A_53[0, 0, 0] : f32 from vector<1x1x1xf32>
    %neg3A_55 = arith.constant 0.000000e+00 : f32
    %neg3A_56 = arith.subf %neg3A_55, %reduce_sum3A_54 : f32
    %div3A_57 = arith.constant 4.096000e+03 : f32
    %div3A_58 = arith.divf %neg3A_56, %div3A_57 : f32
    %swap3A = arith.constant 0 : index
    %swap3A_59 = arith.constant 0 : index
    %swap3A_60 = memref.load %arg2[%swap3A, %swap3A_59] : memref<1x1xf32, #tpu.memory_space<smem>>
    memref.store %div3A_58, %arg2[%swap3A, %swap3A_59] : memref<1x1xf32, #tpu.memory_space<smem>>
    return
  }
}

</mosaic_0001>

<sc_bundles>
// kernel: kernel.4.cloned.1.call-start
scs
__scs_entry_jumppad:
0x0: {  	(pc) =	sbr.rel $0x88, $3  }
0x1: {  	(tag) =	ssettag $0x0;
	lr =	simm.s32 $0x1  }
0x2: {  	[smem:$0x3F9C] =	sst lr;
	_ =	strace $0xD0000000  }
0x3: {  	_ = 	snop  }
0x4: {  	_ = 	snop  }
0x5: {  	_ = 	snop  }
0x6: {  	_ = 	snop  }
0x7: {  	_ = 	snop  }
__scs_overlays_trampoline_lowered:
0x8: {  	[smem:$0x3FAB] =	sst s0  }
0x9: {  	[smem:$0x3FAC] =	sst s1  }
0xa: {  	[smem:$0x3FAD] =	sst s2  }
0xb: {  	[smem:$0x3FAE] =	sst s3  }
0xc: {  	[smem:$0x3FAF] =	sst s4  }
0xd: {  	[smem:$0x3FB0] =	sst s5  }
0xe: {  	[smem:$0x3FB1] =	sst s6  }
0xf: {  	[smem:$0x3FB2] =	sst s7  }
0x10: {  	[smem:$0x3FB3] =	sst s8  }
0x11: {  	[smem:$0x3FB4] =	sst s9;
	s0 =	simm.s32 @!p0 $0x0  }
0x12: {  	s1 =	sld [smem:$0x3F9A];
	s0 =	simm.s32 @p0 $0x1  }
0x13: {  	[smem:$0x3FB5] =	sst s0;
	s0 =	simm.s32 @!p1 $0x0  }
0x14: {  	s2 =	sld [smem:$0x3F99];
	s0 =	simm.s32 @p1 $0x1  }
0x15: {  	[smem:$0x3FB6] =	sst s0;
	s0 =	simm.s32 @!p2 $0x0  }
0x16: {  	s3 =	sld [smem:$0x3FDB];
	s0 =	simm.s32 @p2 $0x1  }
0x17: {  	s4 =	simm.s32 $0x1BF5;
	[smem:$0x3FB8] =	sst s0  }
0x18: {  	s0 =	sld [smem:$0x3F9B];
	_ =	swait.ge [sflag:s4], $0x0  }
0x19: {  	s7 =	sld [smem:$0x3F9C]  }
0x1a: {  	s8 =	sadd.s32 $0xFFFFE003, lr  }
0x1b: {  	s9 =	sadd.s32 $0xFFFFFEF7, lr;
	s5 =	simm.s32 $0xFFFFFFFF;
	p2 =	slt.u32 s8, $0xFFFFF086  }
0x1c: {  	p1 =	slt.u32 s9, $0xF7A;
	s5 =	simm.s32 @!p2 $0x0  }
0x1d: {  	s5 =	simm.s32 @p1 $0x1;
	p0 =	seq.s32 s7, s2  }
0x1e: {  	s7 =	smul.u32 @!p0 $0xF7A, s2;
	p2 =	seq.s32 @!p0 s5, $0x0  }
0x1f: {  	s9 =	smul.u32 $0xF7A, s1;
	s8 =	simm.s32 @!p0 $0x1BF5;
	p2 =	por !p2, p0  }
0x20: {  	[sflag:s8] =	ssyncset.s32 @!p0 $0xFFFFF086;
	s6 =	sadd.s32 @!p0 s3, s7;
	s7 =	simm.s32 @!p0 $0x108  }
0x21: {  	s3 =	sadd.s32 s3, s9;
	s6 =	sadd.s32 @!p0 $0x88, s6;
	s7 =	simm.s32 @p2 $0x1082  }
0x22: {  	[simem:s7], [sflag:s8] =	dma.local @!p0 [hbm:s6], $0xF7A  }
0x23: {  	s9 =	sor.u32 $0xD0000000, s2;
	s6 =	simm.s32 $0x108;
	_ =	swait.ge @!p0 [sflag:s8], $0x0  }
0x24: {  	s3 =	sadd.s32 $0x88, s3;
	s6 =	simm.s32 @!p1 $0x1082;
	[sflag:s4] =	ssyncset.s32 $0xFFFFF086  }
0x25: {  	[simem:s6], [sflag:s4] =	dma.local [hbm:s3], $0xF7A  }
0x26: {  	[smem:$0x3F9C] =	sst s1;
	(tag) =	ssettag s2;
	_ =	strace s9  }
0x27: {  	s1 =	sld [smem:$0x3FAC]  }
0x28: {  	s2 =	sld [smem:$0x3FAD]  }
0x29: {  	s4 =	sld [smem:$0x3FAF]  }
0x2a: {  	p0 =	seq.s32 s5, $0x0;
	s5 =	sld [smem:$0x3FB0]  }
0x2b: {  	s6 =	sld [smem:$0x3FB1]  }
0x2c: {  	s7 =	sld [smem:$0x3FB2]  }
0x2d: {  	s3 =	simm.s32 $0x108;
	s8 =	sld [smem:$0x3FB3]  }
0x2e: {  	s3 =	simm.s32 @!p0 $0x1082;
	s9 =	sld [smem:$0x3FB4]  }
0x2f: {  	lr =	sadd.s32 s0, s3;
	s0 =	sld [smem:$0x3FAB]  }
0x30: {  	s3 =	sld [smem:$0x3FAE]  }
0x31: {  	[smem:$0x3FB7] =	sst s10  }
0x32: {  	s10 =	sld [smem:$0x3FB5];
	_ =	sdelay $0x3  }
0x33: {  	p0 =	seq.s32 s10, $0x1;
	s10 =	sld [smem:$0x3FB7];
	_ =	sdelay $0x3  }
0x34: {  	[smem:$0x3FB7] =	sst s10  }
0x35: {  	s10 =	sld [smem:$0x3FB6];
	_ =	sdelay $0x3  }
0x36: {  	p1 =	seq.s32 s10, $0x1;
	s10 =	sld [smem:$0x3FB7];
	_ =	sdelay $0x3  }
0x37: {  	[smem:$0x3FB7] =	sst s10  }
0x38: {  	s10 =	sld [smem:$0x3FB8]  }
0x39: {  	_ = 	snop;
	(pc) =	sbr.ind lr, $3  }
0x3a: {  	_ = 	snop  }
0x3b: {  	_ = 	snop  }
0x3c: {  	p2 =	seq.s32 s10, $0x1;
	s10 =	sld [smem:$0x3FB7]  }
0x3d: {  	_ =	shalt  }
0x3e: {  	_ =	shalt  }
0x3f: {  	_ =	shalt  }
0x40: {  	_ =	shalt  }
0x41: {  	_ =	shalt  }
0x42: {  	_ =	shalt  }
0x43: {  	_ =	shalt  }
0x44: {  	_ =	shalt  }
0x45: {  	_ =	shalt  }
0x46: {  	_ =	shalt  }
0x47: {  	_ =	shalt  }
0x48: {  	_ =	shalt  }
0x49: {  	_ =	shalt  }
0x4a: {  	_ =	shalt  }
0x4b: {  	_ =	shalt  }
0x4c: {  	_ =	shalt  }
0x4d: {  	_ =	shalt  }
0x4e: {  	_ =	shalt  }
0x4f: {  	_ =	shalt  }
0x50: {  	_ =	shalt  }
0x51: {  	_ =	shalt  }
0x52: {  	_ =	shalt  }
0x53: {  	_ =	shalt  }
0x54: {  	_ =	shalt  }
0x55: {  	_ =	shalt  }
0x56: {  	_ =	shalt  }
0x57: {  	_ =	shalt  }
0x58: {  	_ =	shalt  }
0x59: {  	_ =	shalt  }
0x5a: {  	_ =	shalt  }
0x5b: {  	_ =	shalt  }
0x5c: {  	_ =	shalt  }
0x5d: {  	_ =	shalt  }
0x5e: {  	_ =	shalt  }
0x5f: {  	_ =	shalt  }
0x60: {  	_ =	shalt  }
0x61: {  	_ =	shalt  }
0x62: {  	_ =	shalt  }
0x63: {  	_ =	shalt  }
0x64: {  	_ =	shalt  }
0x65: {  	_ =	shalt  }
0x66: {  	_ =	shalt  }
0x67: {  	_ =	shalt  }
0x68: {  	_ =	shalt  }
0x69: {  	_ =	shalt  }
0x6a: {  	_ =	shalt  }
0x6b: {  	_ =	shalt  }
0x6c: {  	_ =	shalt  }
0x6d: {  	_ =	shalt  }
0x6e: {  	_ =	shalt  }
0x6f: {  	_ =	shalt  }
0x70: {  	_ =	shalt  }
0x71: {  	_ =	shalt  }
0x72: {  	_ =	shalt  }
0x73: {  	_ =	shalt  }
0x74: {  	_ =	shalt  }
0x75: {  	_ =	shalt  }
0x76: {  	_ =	shalt  }
0x77: {  	_ =	shalt  }
0x78: {  	_ =	shalt  }
0x79: {  	_ =	shalt  }
0x7a: {  	_ =	shalt  }
0x7b: {  	_ =	shalt  }
0x7c: {  	_ =	shalt  }
0x7d: {  	_ =	shalt  }
0x7e: {  	_ =	shalt  }
0x7f: {  	_ =	shalt  }
0x80: {  	_ =	shalt  }
0x81: {  	_ =	shalt  }
0x82: {  	_ =	shalt  }
0x83: {  	_ =	shalt  }
0x84: {  	_ =	shalt  }
0x85: {  	_ =	shalt  }
0x86: {  	_ =	shalt  }
0x87: {  	_ =	shalt  }
.Lfunc_end0:
.L_simem_size_0:
called_computation_lowered:
.L_overlay_start_0:
0x88: {  	s2 =	sld [smem:$0x3FD9]  }
0x89: {  	s3 =	sld [smem:$0x3FFE];
	_ =	sdelay $0x1  }
0x8a: {  	s1 =	srdreg.scid  }
0x8b: {  	s0 =	sand.u32 $0x1, s1  }
0x8c: {  	s17 =	sshll.u32 s0, $0xA;
	s2 =	sadd.s32 s3, s2  }
0x8d: {  	s2 =	sadd.s32 s2, s17  }
0x8e: {  	[smem:$0x3FC3] =	sst s2  }
0x8f: {  	_ = 	snop  }
0x90: {  	s2 =	sld [smem:$0x3FC9]  }
0x91: {  	s18 =	sld [smem:$0x3FC8]  }
0x92: {  	s4 =	sld [smem:$0x3FC7]  }
0x93: {  	s5 =	sld [smem:$0x3FC6]  }
0x94: {  	s6 =	sld [smem:$0x3FC5];
	(tm) =	ssettm $0x1  }
0x95: {  	s7 =	sld [smem:$0x3FFB];
	_ =	sdelay $0x3  }
0x96: {  	_ =	strace s7  }
0x97: {  	s7 =	sld [smem:$0x3FFC];
	_ =	sdelay $0x3  }
0x98: {  	_ =	strace s7  }
0x99: {  	s7 =	sld [smem:$0x3FFD];
	_ =	sdelay $0x3  }
0x9a: {  	_ =	strace s7  }
0x9b: {  	_ =	strace $0x8FFFFFFF  }
0x9c: {  	s19 =	sld [smem:$0x3FDB];
	_ =	sdelay $0x1  }
0x9d: {  	s8 =	simm.s32 $_scs_section_size  }
0x9e: {  	s9 =	simm.s32 $_size__tile_overlayer_lowered;
	s10 =	simm.s32 $_tile_overlayer_lowered  }
0x9f: {  	s22 =	simm.s32 $0x1BFF;
	s21 =	sshll.u32 s10, $0x1;
	s7 =	sadd.s32 s8, s19  }
0xa0: {  	s11 =	simm.s32 $0x0;
	s20 =	sshll.u32 s9, $0x1;
	s9 =	sadd.s32 s21, s7  }
0xa1: {  	[timem:s11], [sflag:s22] =	dma.local [hbm:s9], s20  }
0xa2: {  	_ =	swait.ge [sflag:s22], s20  }
0xa3: {  	s8 =	ssub.s32 $0x0, s20;
	[sflag:s22] =	ssyncset.done $0x0  }
0xa4: {  	[sflag:s22] =	ssyncadd.s32 s8;
	_ =	sdelay $0x1  }
0xa5: {  	s23 =	simm.s32 $0x1B8B  }
0xa6: {  	_ =	swait.ge [sflag:s23], $0x1  }
0xa7: {  	[sflag:s23] =	ssyncset.done $0x0  }
0xa8: {  	s25 =	simm.s32 $0x1B8E;
	s24 =	sld [smem:$0x3FFE];
	[sflag:s23] =	ssyncadd.s32 $0xFFFFFFFF  }
0xa9: {  	s26 =	simm.s32 $execute0_lowered;
	[smem:$0x3FD2] =	sst s25  }
0xaa: {  	s9 =	sshll.u32 s26, $0x1;
	_ =	strace $0x80000046;
	[dreg:$0x1] =	wrdreg $0xFFFFFFFF  }
0xab: {  	s28 =	simm.s32 $_size_execute0_lowered;
	s7 =	sadd.s32 s7, s9;
	[dreg:$0x0] =	wrdreg $0x0  }
0xac: {  	s9 =	sshll.u32 s28, $0x1;
	[dreg:$0x2] =	wrdreg s7  }
0xad: {  	[dreg:$0x3] =	wrdreg s9  }
0xae: {  	[dreg:$0x4] =	wrdreg $0xC0  }
0xaf: {  	_ =	task [dreg:s11], $0x5FFFF  }
0xb0: {  	[dreg:$0x1] =	wrdreg $0xFFFFFFFF  }
0xb1: {  	[dreg:$0x0] =	wrdreg $0x60  }
0xb2: {  	[dreg:$0x2] =	wrdreg s2  }
0xb3: {  	[dreg:$0x3] =	wrdreg s18  }
0xb4: {  	[dreg:$0x4] =	wrdreg s4  }
0xb5: {  	[dreg:$0x5] =	wrdreg s5  }
0xb6: {  	[dreg:$0x6] =	wrdreg s6  }
0xb7: {  	[dreg:$0x7] =	wrdreg s24  }
0xb8: {  	[dreg:$0x8] =	wrdreg $0x9  }
0xb9: {  	_ =	task.clear_ibuf [dreg:s11], $0x9FFFF;
	_ =	strace $0x90000046  }
0xba: {  	s29 =	simm.s32 $0x9;
	_ =	strace $0x80000048  }
0xbb: {  	_ =	swait.ge [sflag:s29], $0x1  }
0xbc: {  	[sflag:s29] =	ssyncadd.s32 $0xFFFFFFFF  }
0xbd: {  	_ =	strace $0x90000048  }
0xbe: {  	_ =	sfence  }
0xbf: {  	s30 =	sld [smem:$0x0];
	_ =	sdelay $0x2  }
0xc0: {  	s31 =	sshll.u32 s1, $0xD;
	s1 =	sshrl.u32 s1, $0x2  }
0xc1: {  	s3 =	sand.u32 $0x4000, s31;
	s1 =	sadd.s32 s1, s30  }
0xc2: {  	s0 =	sor.u32 s3, s0;
	s1 =	sshll.u32 s1, $0x11  }
0xc3: {  	s0 =	sor.u32 s1, s0  }
0xc4: {  	s0 =	sadd.s32 $0x8F2B, s0  }
0xc5: {  	[sflag:s0] =	ssyncadd.remote.s32 $0x1  }
0xc6: {  	_ =	sfence.sel $0xFFFF  }
0xc7: {  	[dreg:$0x0] =	wrdreg $0xFFFFFFFF;
	(pc) =	sbr.abs _section_cstart, $3  }
0xc8: {  	[dreg:$0x1] =	wrdreg $0xFFFFFFFF  }
0xc9: {  	_ =	task.clear_ibuf [dreg:s11], $0x2FFFF;
	_ =	strace $0x9FFFFFFF  }
0xca: {  	(tm) =	ssettm $0x7FFFFFFF  }
0xcb: {  	_ =	shalt  }
tec
execute0_lowered:
.L_overlay_start_1:
0x0: {  	(tag) =	ssettag $0x1  }
0x1: {  	s0 =	rddreg [dreg:$0x0]  }
0x2: {  	s1 =	rddreg [dreg:$0x1]  }
0x3: {  	s3 =	rddreg [dreg:$0x2]  }
0x4: {  	s2 =	rddreg [dreg:$0x4]  }
0x5: {  	s5 =	rddreg [dreg:$0x5];
	s4 =	simm.s32 $0x0  }
0x6: {  	s6 =	srdreg.scid;
	s7 =	stileid.u32;
	s12 =	simm.s32 $0x400  }
0x7: {  	s14 =	simm.s32 $0x100;
	s15 =	simm.s32 $0x900;
	s16 =	simm.s32 $0x5  }
0x8: {  	s17 =	simm.s32 $0x80;
	s20 =	simm.s32 $0x4;
	s21 =	simm.s32 $0x40  }
0x9: {  	s22 =	simm.s32 $0x8D00;
	s28 =	simm.s32 $0xAD00;
	s13 =	simm.s32 $0x1  }
0xa: {  	s18 =	simm.s32 $0x2;
	s19 =	simm.s32 $0x3;
	s23 =	simm.s32 $0xCD00  }
0xb: {  	s24 =	simm.s32 $0xD500;
	s6 =	sand.u32 $0x1, s6;
	s7 =	sshll.u32 s7, $0x1  }
0xc: {  	s25 =	simm.s32 $0x0;
	[smem:$0x7FF] =	sst s4;
	s7 =	sor.u32 s6, s7  }
0xd: {  	_ =	strace $0x80000047;
	s6 =	ssub.s32 $0x2, s6;
	s8 =	sshll.u32 s7, $0x8  }
0xe: {  	s9 =	sshll.u32 s7, $0x7;
	s29 =	sshrl.u32 s6, $0x1;
	s31 =	sshll.u32 s7, $0x4  }
0xf: {  	s10 =	sadd.s32 s8, s5;
	s5 =	sadd.s32 s3, s9;
	s30 =	ssub.s32 s6, s29  }
0x10: {  	s7 =	sadd.s32 s0, s31;
	s8 =	sadd.s32 s1, s31;
	s6 =	sadd.s32 $0x2000, s5  }
0x11: {  	v0 =	vimm.f32 $0.0e+00;
	s9 =	sadd.s32 $0xC00, s10;
	s10 =	sadd.s32 $0x2C00, s10;
	s11 =	smax.u32 s30, $0x1  }
.LBB2_1:
0x12: {  	s0 =	simm.s32 $0x8000  }
0x13: {  	[tilespmem:s14], [sflag:$0x4] =	stream.strided.gather [hbm4b:s5+s12], $0x800, s0, s12, $0x38;
	[tilespmem:$0xDD00] =	vst v63  }
0x14: {  	_ = 	snop  }
0x15: {  	[tilespmem:s15], [sflag:$0x4] =	stream.linear.gather [hbm4b:s6+s4], $0x200, $0x38;
	[tilespmem:$0xDD00] =	vst v63  }
0x16: {  	_ = 	snop  }
0x17: {  	[tilespmem:s4], [sflag:$0x5] =	stream.linear.gather [hbm4b:s7+s4], $0x80, $0x38;
	[tilespmem:$0xDD00] =	vst v63  }
0x18: {  	_ =	swait.ge [sflag:s16], $0x80  }
0x19: {  	[sflag:s16] =	ssyncset.done $0x0  }
0x1a: {  	[sflag:s16] =	ssyncadd.s32 $0xFFFFFF80  }
0x1b: {  	[tilespmem:s17], [sflag:$0x5] =	stream.linear.gather [hbm4b:s8+s4], $0x80, $0x38;
	[tilespmem:$0xDD00] =	vst v63  }
0x1c: {  	_ =	swait.ge [sflag:s16], $0x80  }
0x1d: {  	[sflag:s16] =	ssyncset.done $0x0  }
0x1e: {  	[sflag:s16] =	ssyncadd.s32 $0xFFFFFF80  }
0x1f: {  	s1 =	simm.s32 $0xD00;
	s30 =	rddreg [dreg:$0x3]  }
0x20: {  	[tilespmem:s1], [sflag:$0x1] =	stream.indirect.gather [hbm4b:s30+s17], $0x80, s4, s17, $0xb8;
	[tilespmem:$0xDD00] =	vst v63  }
0x21: {  	s31 =	simm.s32 $0x4D00;
	s26 =	simm.s32 $0x200;
	s0 =	simm.s32 $0x0  }
0x22: {  	[tilespmem:s31], [sflag:$0x2] =	stream.indirect.gather [hbm4b:s2+s17], $0x80, s17, s17, $0xb8;
	[tilespmem:$0xDD00] =	vst v63  }
.LBB2_2:
0x23: {  	p0 =	sne.s32 s26, $0xFE00;
	[tilespmem:s0+$0x8D70] =	vst v0  }
0x24: {  	[tilespmem:s0+$0x8D00] =	vst v0  }
0x25: {  	[tilespmem:s0+$0x8D10] =	vst v0  }
.Ltmp0:
0x26: {  	[tilespmem:s0+$0x8D20] =	vst v0;
	(pc) =	sbr.rel @p0 .LBB2_2-.Ltmp0, $4  }
0x27: {  	[tilespmem:s0+$0x8D30] =	vst v0  }
0x28: {  	[tilespmem:s0+$0x8D40] =	vst v0  }
0x29: {  	[tilespmem:s0+$0x8D50] =	vst v0  }
0x2a: {  	[tilespmem:s0+$0x8D60] =	vst v0;
	s0 =	sshra.s32 s26, $0x2;
	s26 =	sadd.s32 $0x200, s26  }
0x2b: {  	[tilespmem:s0+$0x8D70] =	vst v0  }
0x2c: {  	[tilespmem:s0+$0x8D00] =	vst v0  }
0x2d: {  	[tilespmem:s0+$0x8D10] =	vst v0  }
0x2e: {  	[tilespmem:s0+$0x8D20] =	vst v0  }
0x2f: {  	[tilespmem:s0+$0x8D30] =	vst v0  }
0x30: {  	[tilespmem:s0+$0x8D40] =	vst v0  }
0x31: {  	[tilespmem:s0+$0x8D50] =	vst v0  }
0x32: {  	[tilespmem:s0+$0x8D60] =	vst v0  }
0x33: {  	_ =	swait.ge [sflag:s20], $0xA00  }
0x34: {  	[sflag:s20] =	ssyncset.done $0x0  }
0x35: {  	[sflag:s20] =	ssyncadd.s32 $0xFFFFF600  }
0x36: {  	[tilespmem:s22], [sflag:$0x3] =	stream.indirect.gather.add.f32 [hbm:s2], $0x80, s14, s21, $0xb8;
	[tilespmem:$0xDD00] =	vst v63  }
0x37: {  	s1 =	simm.s32 $0x180  }
0x38: {  	[tilespmem:s22], [sflag:$0x3] =	stream.indirect.gather.add.f32 [hbm:s2], $0x80, s1, s21, $0xb8;
	[tilespmem:$0xDD00] =	vst v63  }
0x39: {  	s3 =	simm.s32 $0x200  }
0x3a: {  	[tilespmem:s22], [sflag:$0x3] =	stream.indirect.gather.add.f32 [hbm:s2], $0x80, s3, s21, $0xb8;
	[tilespmem:$0xDD00] =	vst v63  }
0x3b: {  	s26 =	simm.s32 $0x280  }
0x3c: {  	[tilespmem:s22], [sflag:$0x3] =	stream.indirect.gather.add.f32 [hbm:s2], $0x80, s26, s21, $0xb8;
	[tilespmem:$0xDD00] =	vst v63  }
0x3d: {  	s1 =	simm.s32 $0x300  }
0x3e: {  	[tilespmem:s22], [sflag:$0x3] =	stream.indirect.gather.add.f32 [hbm:s2], $0x80, s1, s21, $0xb8;
	[tilespmem:$0xDD00] =	vst v63  }
0x3f: {  	s3 =	simm.s32 $0x380  }
0x40: {  	[tilespmem:s22], [sflag:$0x3] =	stream.indirect.gather.add.f32 [hbm:s2], $0x80, s3, s21, $0xb8;
	[tilespmem:$0xDD00] =	vst v63  }
0x41: {  	_ = 	snop  }
0x42: {  	[tilespmem:s22], [sflag:$0x3] =	stream.indirect.gather.add.f32 [hbm:s2], $0x80, s12, s21, $0xb8;
	[tilespmem:$0xDD00] =	vst v63  }
0x43: {  	s26 =	simm.s32 $0x480  }
0x44: {  	[tilespmem:s22], [sflag:$0x3] =	stream.indirect.gather.add.f32 [hbm:s2], $0x80, s26, s21, $0xb8;
	[tilespmem:$0xDD00] =	vst v63  }
0x45: {  	s1 =	simm.s32 $0x500  }
0x46: {  	[tilespmem:s22], [sflag:$0x3] =	stream.indirect.gather.add.f32 [hbm:s2], $0x80, s1, s21, $0xb8;
	[tilespmem:$0xDD00] =	vst v63  }
0x47: {  	s3 =	simm.s32 $0x580  }
0x48: {  	[tilespmem:s22], [sflag:$0x3] =	stream.indirect.gather.add.f32 [hbm:s2], $0x80, s3, s21, $0xb8;
	[tilespmem:$0xDD00] =	vst v63  }
0x49: {  	s26 =	simm.s32 $0x600  }
0x4a: {  	[tilespmem:s22], [sflag:$0x3] =	stream.indirect.gather.add.f32 [hbm:s2], $0x80, s26, s21, $0xb8;
	[tilespmem:$0xDD00] =	vst v63  }
0x4b: {  	s1 =	simm.s32 $0x680  }
0x4c: {  	[tilespmem:s22], [sflag:$0x3] =	stream.indirect.gather.add.f32 [hbm:s2], $0x80, s1, s21, $0xb8;
	[tilespmem:$0xDD00] =	vst v63  }
0x4d: {  	s3 =	simm.s32 $0x700  }
0x4e: {  	[tilespmem:s22], [sflag:$0x3] =	stream.indirect.gather.add.f32 [hbm:s2], $0x80, s3, s21, $0xb8;
	[tilespmem:$0xDD00] =	vst v63  }
0x4f: {  	s26 =	simm.s32 $0x780  }
0x50: {  	[tilespmem:s22], [sflag:$0x3] =	stream.indirect.gather.add.f32 [hbm:s2], $0x80, s26, s21, $0xb8;
	[tilespmem:$0xDD00] =	vst v63  }
0x51: {  	s1 =	simm.s32 $0x800  }
0x52: {  	[tilespmem:s22], [sflag:$0x3] =	stream.indirect.gather.add.f32 [hbm:s2], $0x80, s1, s21, $0xb8;
	[tilespmem:$0xDD00] =	vst v63  }
0x53: {  	s3 =	simm.s32 $0x880  }
0x54: {  	[tilespmem:s22], [sflag:$0x3] =	stream.indirect.gather.add.f32 [hbm:s2], $0x80, s3, s21, $0xb8;
	[tilespmem:$0xDD00] =	vst v63  }
0x55: {  	_ = 	snop  }
0x56: {  	[tilespmem:s22], [sflag:$0x3] =	stream.indirect.gather.add.f32 [hbm:s2], $0x80, s15, s21, $0xb8;
	[tilespmem:$0xDD00] =	vst v63  }
0x57: {  	s26 =	simm.s32 $0x980  }
0x58: {  	[tilespmem:s22], [sflag:$0x3] =	stream.indirect.gather.add.f32 [hbm:s2], $0x80, s26, s21, $0xb8;
	[tilespmem:$0xDD00] =	vst v63  }
0x59: {  	s1 =	simm.s32 $0xA00  }
0x5a: {  	[tilespmem:s22], [sflag:$0x3] =	stream.indirect.gather.add.f32 [hbm:s2], $0x80, s1, s21, $0xb8;
	[tilespmem:$0xDD00] =	vst v63  }
0x5b: {  	s3 =	simm.s32 $0xA80  }
0x5c: {  	[tilespmem:s22], [sflag:$0x3] =	stream.indirect.gather.add.f32 [hbm:s2], $0x80, s3, s21, $0xb8;
	[tilespmem:$0xDD00] =	vst v63  }
0x5d: {  	s26 =	simm.s32 $0x140  }
0x5e: {  	[tilespmem:s28], [sflag:$0x4] =	stream.indirect.gather.add.f32 [hbm:s2], $0x80, s26, s21, $0xb8;
	[tilespmem:$0xDD00] =	vst v63  }
0x5f: {  	s1 =	simm.s32 $0x1C0  }
0x60: {  	[tilespmem:s28], [sflag:$0x4] =	stream.indirect.gather.add.f32 [hbm:s2], $0x80, s1, s21, $0xb8;
	[tilespmem:$0xDD00] =	vst v63  }
0x61: {  	s3 =	simm.s32 $0x240  }
0x62: {  	[tilespmem:s28], [sflag:$0x4] =	stream.indirect.gather.add.f32 [hbm:s2], $0x80, s3, s21, $0xb8;
	[tilespmem:$0xDD00] =	vst v63  }
0x63: {  	s26 =	simm.s32 $0x2C0  }
0x64: {  	[tilespmem:s28], [sflag:$0x4] =	stream.indirect.gather.add.f32 [hbm:s2], $0x80, s26, s21, $0xb8;
	[tilespmem:$0xDD00] =	vst v63  }
0x65: {  	s1 =	simm.s32 $0x340  }
0x66: {  	[tilespmem:s28], [sflag:$0x4] =	stream.indirect.gather.add.f32 [hbm:s2], $0x80, s1, s21, $0xb8;
	[tilespmem:$0xDD00] =	vst v63  }
0x67: {  	s3 =	simm.s32 $0x3C0  }
0x68: {  	[tilespmem:s28], [sflag:$0x4] =	stream.indirect.gather.add.f32 [hbm:s2], $0x80, s3, s21, $0xb8;
	[tilespmem:$0xDD00] =	vst v63  }
0x69: {  	s26 =	simm.s32 $0x440  }
0x6a: {  	[tilespmem:s28], [sflag:$0x4] =	stream.indirect.gather.add.f32 [hbm:s2], $0x80, s26, s21, $0xb8;
	[tilespmem:$0xDD00] =	vst v63  }
0x6b: {  	s1 =	simm.s32 $0x4C0  }
0x6c: {  	[tilespmem:s28], [sflag:$0x4] =	stream.indirect.gather.add.f32 [hbm:s2], $0x80, s1, s21, $0xb8;
	[tilespmem:$0xDD00] =	vst v63  }
0x6d: {  	s3 =	simm.s32 $0x540  }
0x6e: {  	[tilespmem:s28], [sflag:$0x4] =	stream.indirect.gather.add.f32 [hbm:s2], $0x80, s3, s21, $0xb8;
	[tilespmem:$0xDD00] =	vst v63  }
0x6f: {  	s26 =	simm.s32 $0x5C0  }
0x70: {  	[tilespmem:s28], [sflag:$0x4] =	stream.indirect.gather.add.f32 [hbm:s2], $0x80, s26, s21, $0xb8;
	[tilespmem:$0xDD00] =	vst v63  }
0x71: {  	s1 =	simm.s32 $0x640  }
0x72: {  	[tilespmem:s28], [sflag:$0x4] =	stream.indirect.gather.add.f32 [hbm:s2], $0x80, s1, s21, $0xb8;
	[tilespmem:$0xDD00] =	vst v63  }
0x73: {  	s3 =	simm.s32 $0x6C0  }
0x74: {  	[tilespmem:s28], [sflag:$0x4] =	stream.indirect.gather.add.f32 [hbm:s2], $0x80, s3, s21, $0xb8;
	[tilespmem:$0xDD00] =	vst v63  }
0x75: {  	s26 =	simm.s32 $0x740  }
0x76: {  	[tilespmem:s28], [sflag:$0x4] =	stream.indirect.gather.add.f32 [hbm:s2], $0x80, s26, s21, $0xb8;
	[tilespmem:$0xDD00] =	vst v63  }
0x77: {  	s1 =	simm.s32 $0x7C0  }
0x78: {  	[tilespmem:s28], [sflag:$0x4] =	stream.indirect.gather.add.f32 [hbm:s2], $0x80, s1, s21, $0xb8;
	[tilespmem:$0xDD00] =	vst v63  }
0x79: {  	s3 =	simm.s32 $0x840  }
0x7a: {  	[tilespmem:s28], [sflag:$0x4] =	stream.indirect.gather.add.f32 [hbm:s2], $0x80, s3, s21, $0xb8;
	[tilespmem:$0xDD00] =	vst v63  }
0x7b: {  	s26 =	simm.s32 $0x8C0  }
0x7c: {  	[tilespmem:s28], [sflag:$0x4] =	stream.indirect.gather.add.f32 [hbm:s2], $0x80, s26, s21, $0xb8;
	[tilespmem:$0xDD00] =	vst v63  }
0x7d: {  	s1 =	simm.s32 $0x940  }
0x7e: {  	[tilespmem:s28], [sflag:$0x4] =	stream.indirect.gather.add.f32 [hbm:s2], $0x80, s1, s21, $0xb8;
	[tilespmem:$0xDD00] =	vst v63  }
0x7f: {  	s3 =	simm.s32 $0x9C0  }
0x80: {  	[tilespmem:s28], [sflag:$0x4] =	stream.indirect.gather.add.f32 [hbm:s2], $0x80, s3, s21, $0xb8;
	[tilespmem:$0xDD00] =	vst v63  }
0x81: {  	s26 =	simm.s32 $0xA40  }
0x82: {  	[tilespmem:s28], [sflag:$0x4] =	stream.indirect.gather.add.f32 [hbm:s2], $0x80, s26, s21, $0xb8;
	[tilespmem:$0xDD00] =	vst v63  }
0x83: {  	s1 =	simm.s32 $0xAC0  }
0x84: {  	[tilespmem:s28], [sflag:$0x4] =	stream.indirect.gather.add.f32 [hbm:s2], $0x80, s1, s21, $0xb8;
	[tilespmem:$0xDD00] =	vst v63  }
0x85: {  	_ =	swait.ge [sflag:s13], $0x4000  }
0x86: {  	[sflag:s13] =	ssyncset.done $0x0  }
0x87: {  	[sflag:s13] =	ssyncadd.s32 $0xFFFFC000  }
0x88: {  	_ =	swait.ge [sflag:s18], $0x4000  }
0x89: {  	[sflag:s18] =	ssyncset.done $0x0  }
0x8a: {  	s26 =	simm.s32 $0x4D80;
	[sflag:s18] =	ssyncadd.s32 $0xFFFFC000  }
0x8b: {  	s29 =	simm.s32 $0xD80;
	v1 =	vld [tilespmem:s26+$0xFFFFFF80]  }
0x8c: {  	v2 =	vld [tilespmem:s29+$0xFFFFFF90]  }
0x8d: {  	v3 =	vld [tilespmem:s26+$0xFFFFFF90]  }
0x8e: {  	v4 =	vld [tilespmem:s29+$0xFFFFFF80]  }
0x8f: {  	v5 =	vld [tilespmem:s26+$0xFFFFFFA0]  }
0x90: {  	v6 =	vld [tilespmem:s29+$0xFFFFFFA0]  }
0x91: {  	v7 =	vld [tilespmem:s26+$0xFFFFFFB0]  }
0x92: {  	v8 =	vld [tilespmem:s29+$0xFFFFFFB0]  }
0x93: {  	v2 =	vmul.f32 v3, v2;
	v1 =	vmul.f32 v1, v4;
	v3 =	vld [tilespmem:s26+$0xFFFFFFC0]  }
0x94: {  	v4 =	vld [tilespmem:s29+$0xFFFFFFC0]  }
0x95: {  	v1 =	vadd.f32 v2, v1;
	v2 =	vmul.f32 v5, v6;
	v5 =	vld [tilespmem:s26+$0xFFFFFFD0]  }
0x96: {  	v6 =	vld [tilespmem:s29+$0xFFFFFFD0]  }
0x97: {  	v61 =	vld [tilespmem:s29+$0xFFFFFFE0];
	v1 =	vadd.f32 v2, v1;
	v2 =	vmul.f32 v7, v8  }
0x98: {  	v7 =	vld [tilespmem:s26+$0xFFFFFFE0]  }
0x99: {  	v1 =	vadd.f32 v2, v1;
	v2 =	vmul.f32 v3, v4;
	v3 =	vld [tilespmem:s26+$0xFFFFFFF0]  }
0x9a: {  	v4 =	vld [tilespmem:s29+$0xFFFFFFF0]  }
0x9b: {  	v1 =	vadd.f32 v2, v1;
	v2 =	vmul.f32 v5, v6;
	_ =	sdelay $0x1  }
0x9c: {  	v1 =	vadd.f32 v2, v1;
	v2 =	vmul.f32 v7, v61;
	_ =	sdelay $0x1  }
0x9d: {  	s30 =	simm.s32 $0x0;
	v1 =	vadd.f32 v2, v1;
	v2 =	vmul.f32 v3, v4  }
0x9e: {  	s3 =	sand.u32 $0x780, s30  }
0x9f: {  	s31 =	sand.u32 $0x60, s30;
	s0 =	sadd.s32 $0xCD00, s3;
	v1 =	vadd.f32 v2, v1  }
0xa0: {  	s31 =	sor.u32 s31, s0  }
0xa1: {  	[tilespmem:s31+$0x0] =	vst v1  }
0xa2: {  	v1 =	vld [tilespmem:s29+$0x0]  }
0xa3: {  	v2 =	vld [tilespmem:s26+$0x0]  }
0xa4: {  	v3 =	vld [tilespmem:s26+$0x10]  }
0xa5: {  	v4 =	vld [tilespmem:s29+$0x10]  }
0xa6: {  	v5 =	vld [tilespmem:s26+$0x20]  }
0xa7: {  	v6 =	vld [tilespmem:s29+$0x20]  }
0xa8: {  	v7 =	vld [tilespmem:s26+$0x30]  }
0xa9: {  	v62 =	vld [tilespmem:s29+$0x30]  }
0xaa: {  	v1 =	vmul.f32 v2, v1;
	v2 =	vmul.f32 v3, v4;
	v3 =	vld [tilespmem:s26+$0x40]  }
0xab: {  	v4 =	vld [tilespmem:s29+$0x40]  }
0xac: {  	v1 =	vadd.f32 v2, v1;
	v2 =	vmul.f32 v5, v6;
	_ =	sdelay $0x1  }
0xad: {  	v5 =	vld [tilespmem:s26+$0x50];
	v1 =	vadd.f32 v2, v1;
	v2 =	vmul.f32 v7, v62  }
0xae: {  	v6 =	vld [tilespmem:s29+$0x50]  }
0xaf: {  	v63 =	vld [tilespmem:s29+$0x60];
	v1 =	vadd.f32 v2, v1;
	v2 =	vmul.f32 v3, v4  }
0xb0: {  	v7 =	vld [tilespmem:s26+$0x60]  }
0xb1: {  	v3 =	vadd.f32 v2, v1;
	v1 =	vld [tilespmem:s26+$0x70]  }
0xb2: {  	v2 =	vld [tilespmem:s29+$0x70]  }
0xb3: {  	v4 =	vmul.f32 v5, v6;
	_ =	sdelay $0x1  }
0xb4: {  	s31 =	simm.s32 $0x20;
	v3 =	vadd.f32 v4, v3;
	v4 =	vmul.f32 v7, v63  }
.LBB2_4:
0xb5: {  	p0 =	sne.s32 s31, $0x7E0;
	s29 =	sadd.s32 $0x100, s29;
	s26 =	sadd.s32 $0x100, s26  }
0xb6: {  	s3 =	smov.u32 s31;
	s31 =	sadd.s32 $0x20, s31;
	v3 =	vadd.f32 v4, v3;
	v1 =	vmul.f32 v1, v2  }
0xb7: {  	s1 =	sadd.s32 $0x10, s30;
	s30 =	smov.u32 s3  }
0xb8: {  	s1 =	sand.u32 $0x70, s1;
	v1 =	vadd.f32 v1, v3  }
0xb9: {  	s0 =	sor.u32 s1, s0  }
0xba: {  	[tilespmem:s0+$0x0] =	vst v1  }
0xbb: {  	v1 =	vld [tilespmem:s26+$0xFFFFFF80]  }
0xbc: {  	v2 =	vld [tilespmem:s29+$0xFFFFFF90]  }
0xbd: {  	v3 =	vld [tilespmem:s26+$0xFFFFFF90]  }
0xbe: {  	v4 =	vld [tilespmem:s29+$0xFFFFFF80]  }
0xbf: {  	v5 =	vld [tilespmem:s26+$0xFFFFFFA0]  }
0xc0: {  	v6 =	vld [tilespmem:s29+$0xFFFFFFA0]  }
0xc1: {  	v7 =	vld [tilespmem:s26+$0xFFFFFFB0]  }
0xc2: {  	v2 =	vmul.f32 v3, v2;
	v3 =	vld [tilespmem:s29+$0xFFFFFFB0]  }
0xc3: {  	v1 =	vmul.f32 v1, v4;
	v4 =	vld [tilespmem:s26+$0xFFFFFFC0]  }
0xc4: {  	v8 =	vld [tilespmem:s29+$0xFFFFFFC0]  }
0xc5: {  	v1 =	vadd.f32 v2, v1;
	v2 =	vmul.f32 v5, v6;
	v5 =	vld [tilespmem:s26+$0xFFFFFFD0]  }
0xc6: {  	v6 =	vld [tilespmem:s29+$0xFFFFFFD0]  }
0xc7: {  	v1 =	vadd.f32 v2, v1;
	v2 =	vmul.f32 v7, v3;
	v3 =	vld [tilespmem:s26+$0xFFFFFFE0]  }
0xc8: {  	v7 =	vld [tilespmem:s29+$0xFFFFFFE0]  }
0xc9: {  	v1 =	vadd.f32 v2, v1;
	v2 =	vmul.f32 v4, v8;
	v4 =	vld [tilespmem:s26+$0xFFFFFFF0]  }
0xca: {  	v8 =	vld [tilespmem:s29+$0xFFFFFFF0]  }
0xcb: {  	v1 =	vadd.f32 v2, v1;
	v2 =	vmul.f32 v5, v6;
	_ =	sdelay $0x1  }
0xcc: {  	v1 =	vadd.f32 v2, v1;
	v2 =	vmul.f32 v3, v7;
	_ =	sdelay $0x1  }
0xcd: {  	v1 =	vadd.f32 v2, v1;
	v2 =	vmul.f32 v4, v8  }
0xce: {  	s0 =	sand.u32 $0x780, s30  }
0xcf: {  	s1 =	sand.u32 $0x60, s30;
	s0 =	sadd.s32 $0xCD00, s0;
	v1 =	vadd.f32 v2, v1  }
0xd0: {  	s1 =	sor.u32 s1, s0  }
0xd1: {  	[tilespmem:s1+$0x0] =	vst v1  }
0xd2: {  	v1 =	vld [tilespmem:s29+$0x0]  }
0xd3: {  	v2 =	vld [tilespmem:s26+$0x0]  }
0xd4: {  	v3 =	vld [tilespmem:s26+$0x10]  }
0xd5: {  	v4 =	vld [tilespmem:s29+$0x10]  }
0xd6: {  	v5 =	vld [tilespmem:s26+$0x20]  }
0xd7: {  	v6 =	vld [tilespmem:s29+$0x20]  }
0xd8: {  	v1 =	vmul.f32 v2, v1;
	v2 =	vld [tilespmem:s26+$0x30]  }
0xd9: {  	v7 =	vld [tilespmem:s29+$0x30]  }
0xda: {  	v3 =	vmul.f32 v3, v4;
	v4 =	vld [tilespmem:s26+$0x40]  }
0xdb: {  	v8 =	vld [tilespmem:s29+$0x40]  }
0xdc: {  	v1 =	vadd.f32 v3, v1;
	v3 =	vmul.f32 v5, v6;
	v5 =	vld [tilespmem:s26+$0x50]  }
0xdd: {  	v6 =	vld [tilespmem:s29+$0x50]  }
0xde: {  	v1 =	vadd.f32 v3, v1;
	v2 =	vmul.f32 v2, v7;
	v7 =	vld [tilespmem:s26+$0x60]  }
0xdf: {  	v9 =	vld [tilespmem:s29+$0x60]  }
.Ltmp1:
0xe0: {  	v3 =	vadd.f32 v2, v1;
	v4 =	vmul.f32 v4, v8;
	v1 =	vld [tilespmem:s26+$0x70];
	(pc) =	sbr.rel @p0 .LBB2_4-.Ltmp1, $3  }
0xe1: {  	v2 =	vld [tilespmem:s29+$0x70]  }
0xe2: {  	v3 =	vadd.f32 v4, v3;
	v4 =	vmul.f32 v5, v6;
	_ =	sdelay $0x1  }
0xe3: {  	v3 =	vadd.f32 v4, v3;
	v4 =	vmul.f32 v7, v9  }
0xe4: {  	_ = 	snop  }
0xe5: {  	v3 =	vadd.f32 v4, v3;
	v1 =	vmul.f32 v1, v2  }
0xe6: {  	s1 =	sadd.s32 $0x10, s30  }
0xe7: {  	s1 =	sand.u32 $0x70, s1;
	v1 =	vadd.f32 v1, v3  }
0xe8: {  	s0 =	sor.u32 s1, s0  }
0xe9: {  	[tilespmem:s0+$0x0] =	vst v1  }
0xea: {  	_ =	swait.ge [sflag:s19], $0x2000  }
0xeb: {  	[sflag:s19] =	ssyncset.done $0x0  }
0xec: {  	[sflag:s19] =	ssyncadd.s32 $0xFFFFE000  }
0xed: {  	_ =	swait.ge [sflag:s19], $0x2000  }
0xee: {  	[sflag:s19] =	ssyncset.done $0x0  }
0xef: {  	[sflag:s19] =	ssyncadd.s32 $0xFFFFE000  }
0xf0: {  	_ =	swait.ge [sflag:s19], $0x2000  }
0xf1: {  	[sflag:s19] =	ssyncset.done $0x0  }
0xf2: {  	[sflag:s19] =	ssyncadd.s32 $0xFFFFE000  }
0xf3: {  	_ =	swait.ge [sflag:s19], $0x2000  }
0xf4: {  	[sflag:s19] =	ssyncset.done $0x0  }
0xf5: {  	[sflag:s19] =	ssyncadd.s32 $0xFFFFE000  }
0xf6: {  	_ =	swait.ge [sflag:s19], $0x2000  }
0xf7: {  	[sflag:s19] =	ssyncset.done $0x0  }
0xf8: {  	[sflag:s19] =	ssyncadd.s32 $0xFFFFE000  }
0xf9: {  	_ =	swait.ge [sflag:s19], $0x2000  }
0xfa: {  	[sflag:s19] =	ssyncset.done $0x0  }
0xfb: {  	[sflag:s19] =	ssyncadd.s32 $0xFFFFE000  }
0xfc: {  	_ =	swait.ge [sflag:s19], $0x2000  }
0xfd: {  	[sflag:s19] =	ssyncset.done $0x0  }
0xfe: {  	[sflag:s19] =	ssyncadd.s32 $0xFFFFE000  }
0xff: {  	_ =	swait.ge [sflag:s19], $0x2000  }
0x100: {  	[sflag:s19] =	ssyncset.done $0x0  }
0x101: {  	[sflag:s19] =	ssyncadd.s32 $0xFFFFE000  }
0x102: {  	_ =	swait.ge [sflag:s19], $0x2000  }
0x103: {  	[sflag:s19] =	ssyncset.done $0x0  }
0x104: {  	[sflag:s19] =	ssyncadd.s32 $0xFFFFE000  }
0x105: {  	_ =	swait.ge [sflag:s19], $0x2000  }
0x106: {  	[sflag:s19] =	ssyncset.done $0x0  }
0x107: {  	[sflag:s19] =	ssyncadd.s32 $0xFFFFE000  }
0x108: {  	_ =	swait.ge [sflag:s19], $0x2000  }
0x109: {  	[sflag:s19] =	ssyncset.done $0x0  }
0x10a: {  	[sflag:s19] =	ssyncadd.s32 $0xFFFFE000  }
0x10b: {  	_ =	swait.ge [sflag:s19], $0x2000  }
0x10c: {  	[sflag:s19] =	ssyncset.done $0x0  }
0x10d: {  	[sflag:s19] =	ssyncadd.s32 $0xFFFFE000  }
0x10e: {  	_ =	swait.ge [sflag:s19], $0x2000  }
0x10f: {  	[sflag:s19] =	ssyncset.done $0x0  }
0x110: {  	[sflag:s19] =	ssyncadd.s32 $0xFFFFE000  }
0x111: {  	_ =	swait.ge [sflag:s19], $0x2000  }
0x112: {  	[sflag:s19] =	ssyncset.done $0x0  }
0x113: {  	[sflag:s19] =	ssyncadd.s32 $0xFFFFE000  }
0x114: {  	_ =	swait.ge [sflag:s19], $0x2000  }
0x115: {  	[sflag:s19] =	ssyncset.done $0x0  }
0x116: {  	[sflag:s19] =	ssyncadd.s32 $0xFFFFE000  }
0x117: {  	_ =	swait.ge [sflag:s19], $0x2000  }
0x118: {  	[sflag:s19] =	ssyncset.done $0x0  }
0x119: {  	[sflag:s19] =	ssyncadd.s32 $0xFFFFE000  }
0x11a: {  	_ =	swait.ge [sflag:s19], $0x2000  }
0x11b: {  	[sflag:s19] =	ssyncset.done $0x0  }
0x11c: {  	[sflag:s19] =	ssyncadd.s32 $0xFFFFE000  }
0x11d: {  	_ =	swait.ge [sflag:s19], $0x2000  }
0x11e: {  	[sflag:s19] =	ssyncset.done $0x0  }
0x11f: {  	[sflag:s19] =	ssyncadd.s32 $0xFFFFE000  }
0x120: {  	_ =	swait.ge [sflag:s19], $0x2000  }
0x121: {  	[sflag:s19] =	ssyncset.done $0x0  }
0x122: {  	[sflag:s19] =	ssyncadd.s32 $0xFFFFE000  }
0x123: {  	_ =	swait.ge [sflag:s19], $0x2000  }
0x124: {  	[sflag:s19] =	ssyncset.done $0x0  }
0x125: {  	s26 =	simm.s32 $0x8D80;
	[sflag:s19] =	ssyncadd.s32 $0xFFFFE000  }
0x126: {  	s29 =	simm.s32 $0xD80;
	v1 =	vld [tilespmem:s26+$0xFFFFFF80]  }
0x127: {  	v2 =	vld [tilespmem:s29+$0xFFFFFF90]  }
0x128: {  	v3 =	vld [tilespmem:s26+$0xFFFFFF90]  }
0x129: {  	v4 =	vld [tilespmem:s29+$0xFFFFFF80]  }
0x12a: {  	v5 =	vld [tilespmem:s26+$0xFFFFFFA0]  }
0x12b: {  	v6 =	vld [tilespmem:s29+$0xFFFFFFA0]  }
0x12c: {  	v7 =	vld [tilespmem:s26+$0xFFFFFFB0]  }
0x12d: {  	v8 =	vld [tilespmem:s29+$0xFFFFFFB0]  }
0x12e: {  	v2 =	vmul.f32 v3, v2;
	v1 =	vmul.f32 v1, v4;
	v3 =	vld [tilespmem:s26+$0xFFFFFFC0]  }
0x12f: {  	v4 =	vld [tilespmem:s29+$0xFFFFFFC0]  }
0x130: {  	v1 =	vadd.f32 v2, v1;
	v2 =	vmul.f32 v5, v6;
	v5 =	vld [tilespmem:s26+$0xFFFFFFD0]  }
0x131: {  	v6 =	vld [tilespmem:s29+$0xFFFFFFD0]  }
0x132: {  	v61 =	vld [tilespmem:s29+$0xFFFFFFE0];
	v1 =	vadd.f32 v2, v1;
	v2 =	vmul.f32 v7, v8  }
0x133: {  	v7 =	vld [tilespmem:s26+$0xFFFFFFE0]  }
0x134: {  	v1 =	vadd.f32 v2, v1;
	v2 =	vmul.f32 v3, v4;
	v3 =	vld [tilespmem:s26+$0xFFFFFFF0]  }
0x135: {  	v4 =	vld [tilespmem:s29+$0xFFFFFFF0]  }
0x136: {  	v1 =	vadd.f32 v2, v1;
	v2 =	vmul.f32 v5, v6;
	_ =	sdelay $0x1  }
0x137: {  	v1 =	vadd.f32 v2, v1;
	v2 =	vmul.f32 v7, v61;
	_ =	sdelay $0x1  }
0x138: {  	s30 =	simm.s32 $0x0;
	v1 =	vadd.f32 v2, v1;
	v2 =	vmul.f32 v3, v4  }
0x139: {  	s1 =	sand.u32 $0x380, s30  }
0x13a: {  	s3 =	sand.u32 $0x60, s30;
	s0 =	sadd.s32 $0xD500, s1;
	v1 =	vadd.f32 v2, v1  }
0x13b: {  	s1 =	sor.u32 s3, s0  }
0x13c: {  	[tilespmem:s1+$0x0] =	vst v1  }
0x13d: {  	v1 =	vld [tilespmem:s29+$0x0]  }
0x13e: {  	v2 =	vld [tilespmem:s26+$0x0]  }
0x13f: {  	v3 =	vld [tilespmem:s26+$0x10]  }
0x140: {  	v4 =	vld [tilespmem:s29+$0x10]  }
0x141: {  	v5 =	vld [tilespmem:s26+$0x20]  }
0x142: {  	v6 =	vld [tilespmem:s29+$0x20]  }
0x143: {  	v7 =	vld [tilespmem:s26+$0x30]  }
0x144: {  	v62 =	vld [tilespmem:s29+$0x30]  }
0x145: {  	v1 =	vmul.f32 v2, v1;
	v2 =	vmul.f32 v3, v4;
	v3 =	vld [tilespmem:s26+$0x40]  }
0x146: {  	v4 =	vld [tilespmem:s29+$0x40]  }
0x147: {  	v1 =	vadd.f32 v2, v1;
	v2 =	vmul.f32 v5, v6;
	_ =	sdelay $0x1  }
0x148: {  	v5 =	vld [tilespmem:s26+$0x50];
	v1 =	vadd.f32 v2, v1;
	v2 =	vmul.f32 v7, v62  }
0x149: {  	v6 =	vld [tilespmem:s29+$0x50]  }
0x14a: {  	v63 =	vld [tilespmem:s29+$0x60];
	v1 =	vadd.f32 v2, v1;
	v2 =	vmul.f32 v3, v4  }
0x14b: {  	v7 =	vld [tilespmem:s26+$0x60]  }
0x14c: {  	v3 =	vadd.f32 v2, v1;
	v1 =	vld [tilespmem:s26+$0x70]  }
0x14d: {  	v2 =	vld [tilespmem:s29+$0x70]  }
0x14e: {  	v4 =	vmul.f32 v5, v6;
	_ =	sdelay $0x1  }
0x14f: {  	s31 =	simm.s32 $0x20;
	v3 =	vadd.f32 v4, v3;
	v4 =	vmul.f32 v7, v63  }
.LBB2_6:
0x150: {  	p0 =	sne.s32 s31, $0x3E0;
	s29 =	sadd.s32 $0x100, s29;
	s26 =	sadd.s32 $0x100, s26  }
0x151: {  	s1 =	smov.u32 s31;
	s31 =	sadd.s32 $0x20, s31;
	v3 =	vadd.f32 v4, v3;
	v1 =	vmul.f32 v1, v2  }
0x152: {  	s3 =	sadd.s32 $0x10, s30;
	s30 =	smov.u32 s1  }
0x153: {  	s1 =	sand.u32 $0x70, s3;
	v1 =	vadd.f32 v1, v3  }
0x154: {  	s0 =	sor.u32 s1, s0  }
0x155: {  	[tilespmem:s0+$0x0] =	vst v1  }
0x156: {  	v1 =	vld [tilespmem:s26+$0xFFFFFF80]  }
0x157: {  	v2 =	vld [tilespmem:s29+$0xFFFFFF90]  }
0x158: {  	v3 =	vld [tilespmem:s26+$0xFFFFFF90]  }
0x159: {  	v4 =	vld [tilespmem:s29+$0xFFFFFF80]  }
0x15a: {  	v5 =	vld [tilespmem:s26+$0xFFFFFFA0]  }
0x15b: {  	v6 =	vld [tilespmem:s29+$0xFFFFFFA0]  }
0x15c: {  	v7 =	vld [tilespmem:s26+$0xFFFFFFB0]  }
0x15d: {  	v2 =	vmul.f32 v3, v2;
	v3 =	vld [tilespmem:s29+$0xFFFFFFB0]  }
0x15e: {  	v1 =	vmul.f32 v1, v4;
	v4 =	vld [tilespmem:s26+$0xFFFFFFC0]  }
0x15f: {  	v8 =	vld [tilespmem:s29+$0xFFFFFFC0]  }
0x160: {  	v1 =	vadd.f32 v2, v1;
	v2 =	vmul.f32 v5, v6;
	v5 =	vld [tilespmem:s26+$0xFFFFFFD0]  }
0x161: {  	v6 =	vld [tilespmem:s29+$0xFFFFFFD0]  }
0x162: {  	v1 =	vadd.f32 v2, v1;
	v2 =	vmul.f32 v7, v3;
	v3 =	vld [tilespmem:s26+$0xFFFFFFE0]  }
0x163: {  	v7 =	vld [tilespmem:s29+$0xFFFFFFE0]  }
0x164: {  	v1 =	vadd.f32 v2, v1;
	v2 =	vmul.f32 v4, v8;
	v4 =	vld [tilespmem:s26+$0xFFFFFFF0]  }
0x165: {  	v8 =	vld [tilespmem:s29+$0xFFFFFFF0]  }
0x166: {  	v1 =	vadd.f32 v2, v1;
	v2 =	vmul.f32 v5, v6;
	_ =	sdelay $0x1  }
0x167: {  	v1 =	vadd.f32 v2, v1;
	v2 =	vmul.f32 v3, v7;
	_ =	sdelay $0x1  }
0x168: {  	v1 =	vadd.f32 v2, v1;
	v2 =	vmul.f32 v4, v8  }
0x169: {  	s0 =	sand.u32 $0x380, s30  }
0x16a: {  	s1 =	sand.u32 $0x60, s30;
	s0 =	sadd.s32 $0xD500, s0;
	v1 =	vadd.f32 v2, v1  }
0x16b: {  	s1 =	sor.u32 s1, s0  }
0x16c: {  	[tilespmem:s1+$0x0] =	vst v1  }
0x16d: {  	v1 =	vld [tilespmem:s29+$0x0]  }
0x16e: {  	v2 =	vld [tilespmem:s26+$0x0]  }
0x16f: {  	v3 =	vld [tilespmem:s26+$0x10]  }
0x170: {  	v4 =	vld [tilespmem:s29+$0x10]  }
0x171: {  	v5 =	vld [tilespmem:s26+$0x20]  }
0x172: {  	v6 =	vld [tilespmem:s29+$0x20]  }
0x173: {  	v1 =	vmul.f32 v2, v1;
	v2 =	vld [tilespmem:s26+$0x30]  }
0x174: {  	v7 =	vld [tilespmem:s29+$0x30]  }
0x175: {  	v3 =	vmul.f32 v3, v4;
	v4 =	vld [tilespmem:s26+$0x40]  }
0x176: {  	v8 =	vld [tilespmem:s29+$0x40]  }
0x177: {  	v1 =	vadd.f32 v3, v1;
	v3 =	vmul.f32 v5, v6;
	v5 =	vld [tilespmem:s26+$0x50]  }
0x178: {  	v6 =	vld [tilespmem:s29+$0x50]  }
0x179: {  	v1 =	vadd.f32 v3, v1;
	v2 =	vmul.f32 v2, v7;
	v7 =	vld [tilespmem:s26+$0x60]  }
0x17a: {  	v9 =	vld [tilespmem:s29+$0x60]  }
.Ltmp2:
0x17b: {  	v3 =	vadd.f32 v2, v1;
	v4 =	vmul.f32 v4, v8;
	v1 =	vld [tilespmem:s26+$0x70];
	(pc) =	sbr.rel @p0 .LBB2_6-.Ltmp2, $3  }
0x17c: {  	v2 =	vld [tilespmem:s29+$0x70]  }
0x17d: {  	v3 =	vadd.f32 v4, v3;
	v4 =	vmul.f32 v5, v6;
	_ =	sdelay $0x1  }
0x17e: {  	v3 =	vadd.f32 v4, v3;
	v4 =	vmul.f32 v7, v9  }
0x17f: {  	_ = 	snop  }
0x180: {  	v3 =	vadd.f32 v4, v3;
	v1 =	vmul.f32 v1, v2  }
0x181: {  	s1 =	sadd.s32 $0x10, s30  }
0x182: {  	s1 =	sand.u32 $0x70, s1;
	v1 =	vadd.f32 v1, v3  }
0x183: {  	s0 =	sor.u32 s1, s0  }
0x184: {  	[tilespmem:s0+$0x0] =	vst v1  }
0x185: {  	_ =	swait.ge [sflag:s20], $0x2000  }
0x186: {  	[sflag:s20] =	ssyncset.done $0x0  }
0x187: {  	[sflag:s20] =	ssyncadd.s32 $0xFFFFE000  }
0x188: {  	_ =	swait.ge [sflag:s20], $0x2000  }
0x189: {  	[sflag:s20] =	ssyncset.done $0x0  }
0x18a: {  	[sflag:s20] =	ssyncadd.s32 $0xFFFFE000  }
0x18b: {  	_ =	swait.ge [sflag:s20], $0x2000  }
0x18c: {  	[sflag:s20] =	ssyncset.done $0x0  }
0x18d: {  	[sflag:s20] =	ssyncadd.s32 $0xFFFFE000  }
0x18e: {  	_ =	swait.ge [sflag:s20], $0x2000  }
0x18f: {  	[sflag:s20] =	ssyncset.done $0x0  }
0x190: {  	[sflag:s20] =	ssyncadd.s32 $0xFFFFE000  }
0x191: {  	_ =	swait.ge [sflag:s20], $0x2000  }
0x192: {  	[sflag:s20] =	ssyncset.done $0x0  }
0x193: {  	[sflag:s20] =	ssyncadd.s32 $0xFFFFE000  }
0x194: {  	_ =	swait.ge [sflag:s20], $0x2000  }
0x195: {  	[sflag:s20] =	ssyncset.done $0x0  }
0x196: {  	[sflag:s20] =	ssyncadd.s32 $0xFFFFE000  }
0x197: {  	_ =	swait.ge [sflag:s20], $0x2000  }
0x198: {  	[sflag:s20] =	ssyncset.done $0x0  }
0x199: {  	[sflag:s20] =	ssyncadd.s32 $0xFFFFE000  }
0x19a: {  	_ =	swait.ge [sflag:s20], $0x2000  }
0x19b: {  	[sflag:s20] =	ssyncset.done $0x0  }
0x19c: {  	[sflag:s20] =	ssyncadd.s32 $0xFFFFE000  }
0x19d: {  	_ =	swait.ge [sflag:s20], $0x2000  }
0x19e: {  	[sflag:s20] =	ssyncset.done $0x0  }
0x19f: {  	[sflag:s20] =	ssyncadd.s32 $0xFFFFE000  }
0x1a0: {  	_ =	swait.ge [sflag:s20], $0x2000  }
0x1a1: {  	[sflag:s20] =	ssyncset.done $0x0  }
0x1a2: {  	[sflag:s20] =	ssyncadd.s32 $0xFFFFE000  }
0x1a3: {  	_ =	swait.ge [sflag:s20], $0x2000  }
0x1a4: {  	[sflag:s20] =	ssyncset.done $0x0  }
0x1a5: {  	[sflag:s20] =	ssyncadd.s32 $0xFFFFE000  }
0x1a6: {  	_ =	swait.ge [sflag:s20], $0x2000  }
0x1a7: {  	[sflag:s20] =	ssyncset.done $0x0  }
0x1a8: {  	[sflag:s20] =	ssyncadd.s32 $0xFFFFE000  }
0x1a9: {  	_ =	swait.ge [sflag:s20], $0x2000  }
0x1aa: {  	[sflag:s20] =	ssyncset.done $0x0  }
0x1ab: {  	[sflag:s20] =	ssyncadd.s32 $0xFFFFE000  }
0x1ac: {  	_ =	swait.ge [sflag:s20], $0x2000  }
0x1ad: {  	[sflag:s20] =	ssyncset.done $0x0  }
0x1ae: {  	[sflag:s20] =	ssyncadd.s32 $0xFFFFE000  }
0x1af: {  	_ =	swait.ge [sflag:s20], $0x2000  }
0x1b0: {  	[sflag:s20] =	ssyncset.done $0x0  }
0x1b1: {  	[sflag:s20] =	ssyncadd.s32 $0xFFFFE000  }
0x1b2: {  	_ =	swait.ge [sflag:s20], $0x2000  }
0x1b3: {  	[sflag:s20] =	ssyncset.done $0x0  }
0x1b4: {  	[sflag:s20] =	ssyncadd.s32 $0xFFFFE000  }
0x1b5: {  	_ =	swait.ge [sflag:s20], $0x2000  }
0x1b6: {  	[sflag:s20] =	ssyncset.done $0x0  }
0x1b7: {  	[sflag:s20] =	ssyncadd.s32 $0xFFFFE000  }
0x1b8: {  	_ =	swait.ge [sflag:s20], $0x2000  }
0x1b9: {  	[sflag:s20] =	ssyncset.done $0x0  }
0x1ba: {  	[sflag:s20] =	ssyncadd.s32 $0xFFFFE000  }
0x1bb: {  	_ =	swait.ge [sflag:s20], $0x2000  }
0x1bc: {  	[sflag:s20] =	ssyncset.done $0x0  }
0x1bd: {  	[sflag:s20] =	ssyncadd.s32 $0xFFFFE000  }
0x1be: {  	_ =	swait.ge [sflag:s20], $0x2000  }
0x1bf: {  	[sflag:s20] =	ssyncset.done $0x0  }
0x1c0: {  	s26 =	simm.s32 $0xADF0;
	[sflag:s20] =	ssyncadd.s32 $0xFFFFE000  }
0x1c1: {  	s29 =	simm.s32 $0x2DF0;
	v1 =	vld [tilespmem:s26+$0xFFFFFF10]  }
0x1c2: {  	v2 =	vld [tilespmem:s29+$0xFFFFFF20]  }
0x1c3: {  	v3 =	vld [tilespmem:s26+$0xFFFFFF20]  }
0x1c4: {  	v4 =	vld [tilespmem:s29+$0xFFFFFF10]  }
0x1c5: {  	v5 =	vld [tilespmem:s26+$0xFFFFFF30]  }
0x1c6: {  	v6 =	vld [tilespmem:s29+$0xFFFFFF30]  }
0x1c7: {  	v7 =	vld [tilespmem:s26+$0xFFFFFF40]  }
0x1c8: {  	v8 =	vld [tilespmem:s29+$0xFFFFFF40]  }
0x1c9: {  	v2 =	vmul.f32 v3, v2;
	v1 =	vmul.f32 v1, v4;
	v3 =	vld [tilespmem:s26+$0xFFFFFF50]  }
0x1ca: {  	v4 =	vld [tilespmem:s29+$0xFFFFFF50]  }
0x1cb: {  	v1 =	vadd.f32 v2, v1;
	v2 =	vmul.f32 v5, v6;
	v5 =	vld [tilespmem:s26+$0xFFFFFF60]  }
0x1cc: {  	v6 =	vld [tilespmem:s29+$0xFFFFFF60]  }
0x1cd: {  	v61 =	vld [tilespmem:s29+$0xFFFFFF70];
	v1 =	vadd.f32 v2, v1;
	v2 =	vmul.f32 v7, v8  }
0x1ce: {  	v7 =	vld [tilespmem:s26+$0xFFFFFF70]  }
0x1cf: {  	v1 =	vadd.f32 v2, v1;
	v2 =	vmul.f32 v3, v4;
	v3 =	vld [tilespmem:s26+$0xFFFFFF80]  }
0x1d0: {  	v4 =	vld [tilespmem:s29+$0xFFFFFF80]  }
0x1d1: {  	v1 =	vadd.f32 v2, v1;
	v2 =	vmul.f32 v5, v6;
	_ =	sdelay $0x1  }
0x1d2: {  	v1 =	vadd.f32 v2, v1;
	v2 =	vmul.f32 v7, v61;
	_ =	sdelay $0x1  }
0x1d3: {  	s30 =	simm.s32 $0x400;
	v1 =	vadd.f32 v2, v1;
	v2 =	vmul.f32 v3, v4  }
0x1d4: {  	s1 =	sand.u32 $0x780, s30  }
0x1d5: {  	s3 =	sand.u32 $0x60, s30;
	s0 =	sadd.s32 $0xD500, s1;
	v1 =	vadd.f32 v2, v1  }
0x1d6: {  	s1 =	sor.u32 s3, s0  }
0x1d7: {  	[tilespmem:s1+$0x0] =	vst v1  }
0x1d8: {  	v1 =	vld [tilespmem:s29+$0xFFFFFF90]  }
0x1d9: {  	v2 =	vld [tilespmem:s26+$0xFFFFFF90]  }
0x1da: {  	v3 =	vld [tilespmem:s26+$0xFFFFFFA0]  }
0x1db: {  	v4 =	vld [tilespmem:s29+$0xFFFFFFA0]  }
0x1dc: {  	v5 =	vld [tilespmem:s26+$0xFFFFFFB0]  }
0x1dd: {  	v6 =	vld [tilespmem:s29+$0xFFFFFFB0]  }
0x1de: {  	v7 =	vld [tilespmem:s26+$0xFFFFFFC0]  }
0x1df: {  	v62 =	vld [tilespmem:s29+$0xFFFFFFC0]  }
0x1e0: {  	v1 =	vmul.f32 v2, v1;
	v2 =	vmul.f32 v3, v4;
	v3 =	vld [tilespmem:s26+$0xFFFFFFD0]  }
0x1e1: {  	v4 =	vld [tilespmem:s29+$0xFFFFFFD0]  }
0x1e2: {  	v1 =	vadd.f32 v2, v1;
	v2 =	vmul.f32 v5, v6;
	_ =	sdelay $0x1  }
0x1e3: {  	v5 =	vld [tilespmem:s26+$0xFFFFFFE0];
	v1 =	vadd.f32 v2, v1;
	v2 =	vmul.f32 v7, v62  }
0x1e4: {  	v6 =	vld [tilespmem:s29+$0xFFFFFFE0]  }
0x1e5: {  	v63 =	vld [tilespmem:s29+$0xFFFFFFF0];
	v1 =	vadd.f32 v2, v1;
	v2 =	vmul.f32 v3, v4  }
0x1e6: {  	v7 =	vld [tilespmem:s26+$0xFFFFFFF0]  }
0x1e7: {  	v3 =	vadd.f32 v2, v1;
	v1 =	vld [tilespmem:s26+$0x0]  }
0x1e8: {  	v2 =	vld [tilespmem:s29+$0x0]  }
0x1e9: {  	v4 =	vmul.f32 v5, v6;
	_ =	sdelay $0x1  }
0x1ea: {  	s31 =	simm.s32 $0x420;
	v3 =	vadd.f32 v4, v3;
	v4 =	vmul.f32 v7, v63  }
.LBB2_8:
0x1eb: {  	p0 =	sne.s32 s31, $0x7E0;
	s29 =	sadd.s32 $0x100, s29;
	s26 =	sadd.s32 $0x100, s26  }
0x1ec: {  	s1 =	smov.u32 s31;
	s31 =	sadd.s32 $0x20, s31;
	v3 =	vadd.f32 v4, v3;
	v1 =	vmul.f32 v1, v2  }
0x1ed: {  	s3 =	sadd.s32 $0x10, s30;
	s30 =	smov.u32 s1  }
0x1ee: {  	s1 =	sand.u32 $0x70, s3;
	v1 =	vadd.f32 v1, v3  }
0x1ef: {  	s0 =	sor.u32 s1, s0  }
0x1f0: {  	[tilespmem:s0+$0x0] =	vst v1  }
0x1f1: {  	v1 =	vld [tilespmem:s26+$0xFFFFFF10]  }
0x1f2: {  	v2 =	vld [tilespmem:s29+$0xFFFFFF20]  }
0x1f3: {  	v3 =	vld [tilespmem:s26+$0xFFFFFF20]  }
0x1f4: {  	v4 =	vld [tilespmem:s29+$0xFFFFFF10]  }
0x1f5: {  	v5 =	vld [tilespmem:s26+$0xFFFFFF30]  }
0x1f6: {  	v6 =	vld [tilespmem:s29+$0xFFFFFF30]  }
0x1f7: {  	v7 =	vld [tilespmem:s26+$0xFFFFFF40]  }
0x1f8: {  	v2 =	vmul.f32 v3, v2;
	v3 =	vld [tilespmem:s29+$0xFFFFFF40]  }
0x1f9: {  	v1 =	vmul.f32 v1, v4;
	v4 =	vld [tilespmem:s26+$0xFFFFFF50]  }
0x1fa: {  	v8 =	vld [tilespmem:s29+$0xFFFFFF50]  }
0x1fb: {  	v1 =	vadd.f32 v2, v1;
	v2 =	vmul.f32 v5, v6;
	v5 =	vld [tilespmem:s26+$0xFFFFFF60]  }
0x1fc: {  	v6 =	vld [tilespmem:s29+$0xFFFFFF60]  }
0x1fd: {  	v1 =	vadd.f32 v2, v1;
	v2 =	vmul.f32 v7, v3;
	v3 =	vld [tilespmem:s26+$0xFFFFFF70]  }
0x1fe: {  	v7 =	vld [tilespmem:s29+$0xFFFFFF70]  }
0x1ff: {  	v1 =	vadd.f32 v2, v1;
	v2 =	vmul.f32 v4, v8;
	v4 =	vld [tilespmem:s26+$0xFFFFFF80]  }
0x200: {  	v8 =	vld [tilespmem:s29+$0xFFFFFF80]  }
0x201: {  	v1 =	vadd.f32 v2, v1;
	v2 =	vmul.f32 v5, v6;
	_ =	sdelay $0x1  }
0x202: {  	v1 =	vadd.f32 v2, v1;
	v2 =	vmul.f32 v3, v7;
	_ =	sdelay $0x1  }
0x203: {  	v1 =	vadd.f32 v2, v1;
	v2 =	vmul.f32 v4, v8  }
0x204: {  	s0 =	sand.u32 $0x780, s30  }
0x205: {  	s1 =	sand.u32 $0x60, s30;
	s0 =	sadd.s32 $0xD500, s0;
	v1 =	vadd.f32 v2, v1  }
0x206: {  	s1 =	sor.u32 s1, s0  }
0x207: {  	[tilespmem:s1+$0x0] =	vst v1  }
0x208: {  	v1 =	vld [tilespmem:s29+$0xFFFFFF90]  }
0x209: {  	v2 =	vld [tilespmem:s26+$0xFFFFFF90]  }
0x20a: {  	v3 =	vld [tilespmem:s26+$0xFFFFFFA0]  }
0x20b: {  	v4 =	vld [tilespmem:s29+$0xFFFFFFA0]  }
0x20c: {  	v5 =	vld [tilespmem:s26+$0xFFFFFFB0]  }
0x20d: {  	v6 =	vld [tilespmem:s29+$0xFFFFFFB0]  }
0x20e: {  	v1 =	vmul.f32 v2, v1;
	v2 =	vld [tilespmem:s26+$0xFFFFFFC0]  }
0x20f: {  	v7 =	vld [tilespmem:s29+$0xFFFFFFC0]  }
0x210: {  	v3 =	vmul.f32 v3, v4;
	v4 =	vld [tilespmem:s26+$0xFFFFFFD0]  }
0x211: {  	v8 =	vld [tilespmem:s29+$0xFFFFFFD0]  }
0x212: {  	v1 =	vadd.f32 v3, v1;
	v3 =	vmul.f32 v5, v6;
	v5 =	vld [tilespmem:s26+$0xFFFFFFE0]  }
0x213: {  	v6 =	vld [tilespmem:s29+$0xFFFFFFE0]  }
0x214: {  	v1 =	vadd.f32 v3, v1;
	v2 =	vmul.f32 v2, v7;
	v7 =	vld [tilespmem:s26+$0xFFFFFFF0]  }
0x215: {  	v9 =	vld [tilespmem:s29+$0xFFFFFFF0]  }
.Ltmp3:
0x216: {  	v3 =	vadd.f32 v2, v1;
	v4 =	vmul.f32 v4, v8;
	v1 =	vld [tilespmem:s26+$0x0];
	(pc) =	sbr.rel @p0 .LBB2_8-.Ltmp3, $3  }
0x217: {  	v2 =	vld [tilespmem:s29+$0x0]  }
0x218: {  	v3 =	vadd.f32 v4, v3;
	v4 =	vmul.f32 v5, v6;
	_ =	sdelay $0x1  }
0x219: {  	v3 =	vadd.f32 v4, v3;
	v4 =	vmul.f32 v7, v9  }
0x21a: {  	_ = 	snop  }
0x21b: {  	v3 =	vadd.f32 v4, v3;
	v1 =	vmul.f32 v1, v2  }
0x21c: {  	s1 =	sadd.s32 $0x10, s30  }
0x21d: {  	s1 =	sand.u32 $0x70, s1;
	v1 =	vadd.f32 v1, v3  }
0x21e: {  	s0 =	sor.u32 s1, s0  }
0x21f: {  	[tilespmem:s0+$0x0] =	vst v1  }
0x220: {  	[hbm4b:s9+s4] =	stream.linear.scatter [tilespmem:s23], [sflag:$0x5], $0x800, $0x38;
	[tilespmem:$0xDD00] =	vst v63  }
0x221: {  	s25 =	sadd.s32 $0x1, s25;
	_ =	swait.ge [sflag:s16], $0x800  }
0x222: {  	p0 =	sne.s32 s25, s11;
	[sflag:s16] =	ssyncset.done $0x0  }
.Ltmp4:
0x223: {  	[sflag:s16] =	ssyncadd.s32 $0xFFFFF800;
	(pc) =	sbr.rel @p0 .LBB2_1-.Ltmp4, $4  }
0x224: {  	[hbm4b:s10+s4] =	stream.linear.scatter [tilespmem:s24], [sflag:$0x5], $0x800, $0x38;
	[tilespmem:$0xDD00] =	vst v63  }
0x225: {  	_ =	swait.ge [sflag:s16], $0x800  }
0x226: {  	[sflag:s16] =	ssyncset.done $0x0  }
0x227: {  	[sflag:s16] =	ssyncadd.s32 $0xFFFFF800  }
0x228: {  	_ =	sfence.sel $0x180000  }
0x229: {  	[bflag:$0x0] =	sbarrier.arrive $0xFFFF  }
0x22a: {  	_ =	strace $0x90000047  }
0x22b: {  	s0 =	stileid.u32;
	[bflag:$0x2] =	sbarrier.arrive $0xFFFF  }
0x22c: {  	p0 =	sne.s32 s0, $0x0;
	s0 =	rddreg [dreg:$0x6]  }
0x22d: {  	s0 =	sadd.s32 @!p0 $0x100000, s0  }
0x22e: {  	[sflag:s0] =	ssyncadd.tile.s32 @!p0 $0x1;
	_ =	shalt  }
.Lfunc_end2:
_tile_overlayer_lowered:
.L_overlay_start_2:
0x22f: {  	(tag) =	ssettag $0x2  }
0x230: {  	s0 =	rddreg [dreg:$0x0];
	s2 =	stileid.u32  }
0x231: {  	s1 =	rddreg [dreg:$0x1];
	p0 =	sne.s32 s2, $0x0  }
0x232: {  	s3 =	rddreg [dreg:$0x2];
	[bflag:$0x3] =	sbarrier.arrive $0xFFFF;
	s2 =	simm.s32 @!p0 $0x1C05  }
0x233: {  	[timem:s3], [sflag:s2] =	dma.local @!p0 [hbm:s0], s1  }
0x234: {  	s0 =	simm.s32 @!p0 $0x5  }
0x235: {  	_ =	swait.ge @!p0 [sflag:s0], s1  }
0x236: {  	s1 =	ssub.s32 @!p0 $0x0, s1;
	[sflag:s0] =	ssyncset.done @!p0 $0x0  }
0x237: {  	[sflag:s0] =	ssyncadd.s32 @!p0 s1  }
0x238: {  	[bflag:$0x3] =	sbarrier.arrive $0xFFFF  }
0x239: {  	_ =	shalt  }

</sc_bundles>
